<compile_context>
chip_gen: v7x
topology: tpu7x:2x2x1
jax: 0.10.2.dev20260603
libtpu: 0.0.44.dev20260713+nightly
codegen_flags: <defaults>
</compile_context>

<pallas_src>
import functools

import jax
import jax.numpy as jnp
from jax import lax
from jax.experimental import pallas as pl
from jax.experimental.pallas import tpu as pltpu
from jax.experimental.pallas import tpu_sc as plsc

D = 64
CHU = 64
F = 50
FP = 56
UPC = 4
CROWS = UPC * F
SUBS = (104, 96)
NBUF = 7
K = 5


def _mesh():
    return plsc.VectorSubcoreMesh(core_axis_name="c", subcore_axis_name="s")


@functools.lru_cache(maxsize=None)
def _make_users(B):
    info = plsc.get_sparse_core_info()
    NC, NS = info.num_cores, info.num_subcores
    NW = NC * NS
    rows_u = B // NW

    @functools.partial(
        pl.kernel,
        mesh=_mesh(),
        out_type=jax.ShapeDtypeStruct((B, 2 * D), jnp.float32),
        scratch_types=[
            pltpu.VMEM((rows_u,), jnp.int32),
            pltpu.VMEM((CHU * 2, 2 * D), jnp.float32),
            pltpu.SemaphoreType.DMA,
            pltpu.SemaphoreType.DMA,
        ],
        compiler_params=pltpu.CompilerParams(use_tc_tiling_on_sc=False),
    )
    def k(users_hbm, utab, uout, uidx, urows, gsem, ssem):
        wid = lax.axis_index("s") * NC + lax.axis_index("c")
        nb = rows_u // CHU

        def ubuf(g):
            return urows.at[pl.ds((g % 2) * CHU, CHU)]

        def u_fire(g):
            pltpu.async_copy(
                utab.at[uidx.at[pl.ds(g * CHU, CHU)]], ubuf(g), gsem)

        pltpu.sync_copy(users_hbm.at[pl.ds(wid * rows_u, rows_u)], uidx)
        u_fire(0)
        u_fire(1)
        for g in range(nb):
            pltpu.make_async_copy(utab.at[pl.ds(0, CHU)], ubuf(0),
                                  gsem).wait()
            ob = pl.multiple_of(wid * rows_u + g * CHU, 8)
            pltpu.async_copy(ubuf(g).at[:, pl.ds(0, D)],
                             uout.at[pl.ds(ob, CHU), pl.ds(0, D)], ssem)
            pltpu.make_async_copy(
                uout.at[pl.ds(wid * rows_u, CHU), pl.ds(0, D)],
                urows.at[pl.ds(0, CHU), pl.ds(0, D)], ssem).wait()
            if g + 2 < nb:
                u_fire(g + 2)

    return k


@functools.lru_cache(maxsize=None)
def _make_items(B):
    info = plsc.get_sparse_core_info()
    NC, NS = info.num_cores, info.num_subcores
    NW = NC * NS
    users_w = B // NW
    rows_f = users_w * F
    n_chunks = users_w // UPC

    @functools.partial(
        pl.kernel,
        mesh=_mesh(),
        out_type=jax.ShapeDtypeStruct((B * FP, 2 * D), jnp.float32),
        scratch_types=[
            pltpu.VMEM((rows_f,), jnp.int32),
            pltpu.VMEM((NBUF * CROWS, D), jnp.float32),
            pltpu.SemaphoreType.DMA,
            pltpu.SemaphoreType.DMA,
        ],
        compiler_params=pltpu.CompilerParams(use_tc_tiling_on_sc=False),
    )
    def k(feats_hbm, itab, fout, fidx, rows, gsem, ssem):
        wid = lax.axis_index("s") * NC + lax.axis_index("c")
        base_u = wid * users_w

        def fire_gather(g):
            b = (g % NBUF) * CROWS
            pltpu.async_copy(
                itab.at[fidx.at[pl.ds(g * CROWS, SUBS[0])]],
                rows.at[pl.ds(b, SUBS[0])], gsem)
            pltpu.async_copy(
                itab.at[fidx.at[pl.ds(g * CROWS + SUBS[0], SUBS[1])]],
                rows.at[pl.ds(b + SUBS[0], SUBS[1])], gsem)

        def wait_gather():
            pltpu.make_async_copy(itab.at[pl.ds(0, SUBS[0])],
                                  rows.at[pl.ds(0, SUBS[0])], gsem).wait()
            pltpu.make_async_copy(itab.at[pl.ds(0, SUBS[1])],
                                  rows.at[pl.ds(0, SUBS[1])], gsem).wait()

        def fire_store(g):
            b = (g % NBUF) * CROWS
            for u in range(UPC):
                uu = base_u + g * UPC + u
                ob = pl.multiple_of(uu * FP, 8)
                pltpu.async_copy(
                    rows.at[pl.ds(b + u * F, F)],
                    fout.at[pl.ds(ob, F), pl.ds(0, D)], ssem)

        def drain_store():
            for _ in range(UPC):
                pltpu.make_async_copy(
                    fout.at[pl.ds(base_u * FP, F), pl.ds(0, D)],
                    rows.at[pl.ds(0, F)], ssem).wait()

        pltpu.sync_copy(feats_hbm.at[pl.ds(wid * rows_f, rows_f)], fidx)

        for g in range(K):
            fire_gather(g)
        for g in range(2):
            wait_gather()
            fire_store(g)
            fire_gather(g + K)

        def body(g, _):
            wait_gather()
            fire_store(g)
            drain_store()
            fire_gather(g + K)
            return 0

        lax.fori_loop(2, n_chunks - K, body, 0)

        for g in range(n_chunks - K, n_chunks):
            wait_gather()
            fire_store(g)
            drain_store()
        drain_store()
        drain_store()

    return k


def kernel(users, feats, user_table, item_table):
    B = users.shape[0]
    fout = _make_items(B)(feats.reshape(-1), item_table)
    utab_p = jnp.pad(user_table, ((0, 0), (0, D)))
    uout = _make_users(B)(users, utab_p)
    return (uout[:, :D],
            fout.reshape(B, FP, 2 * D)[:, :F, :D])

# --- scband reference (transcript-rebuilt; emitter-appended) ---
"""Pipeline reference for scband-tower-model-11081015623871 (READ-ONLY COPY).

The authoritative reference and input builder live on the scoring server;
editing this copy changes nothing except your own understanding.
"""

import jax, jax.numpy as jnp
import numpy as np


def setup_inputs(seed: int = 0) -> dict:
    key = jax.random.key(seed)
    k1, k2, k3, k4 = jax.random.split(key, 4)
    users = jax.random.randint(k1, (16384,), 0, 1000000, dtype=jnp.int64 if jax.config.jax_enable_x64 else jnp.int32)
    feats = jax.random.randint(k2, (16384, 50), 0, 100000, dtype=jnp.int64 if jax.config.jax_enable_x64 else jnp.int32)
    user_table = jax.random.normal(k3, (1000000, 64), dtype=jnp.float32) * 0.02
    item_table = jax.random.normal(k4, (100000, 64), dtype=jnp.float32) * 0.02
    return {"users": users, "feats": feats, "user_table": user_table, "item_table": item_table}


def reference(users, feats, user_table, item_table):
    # TowerModel.forward with one user embedder and one item embedder.
    # embed_user: embedding lookup per embedder then concat along last dim.
    # With a single embedder, the concat over a length-1 list is an identity.
    user_embeddings = [jnp.take(user_table, users, axis=0)]
    user_embedding = jnp.concatenate(user_embeddings, axis=-1)
    # embed_feats: item-id embedding lookup for (n, n_pos+n_neg) candidate ids.
    feature_embeddings = [jnp.take(item_table, feats, axis=0)]
    feature_embedding = jnp.concatenate(feature_embeddings, axis=-1)
    return (user_embedding, feature_embedding)

if __name__ == "__main__":
    import jax
    _d = setup_inputs()
    print(jax.jit(kernel)(*tuple(_d.values())))

</pallas_src>

<mosaic_0001>
#map = affine_map<(d0, d1) -> (0)>
#map1 = affine_map<(d0, d1) -> (0, 0)>
module attributes {stable_mosaic.version = 14 : i64} {
  func.func @k(%arg0: i32, %arg1: i32, %arg2: memref<819200xi32, #tpu.memory_space<hbm>>, %arg3: memref<100000x64xf32, #tpu.memory_space<hbm>>, %arg4: memref<917504x128xf32, #tpu.memory_space<hbm>>, %arg5: memref<25600xi32, #tpu.memory_space<vmem>>, %arg6: memref<1400x64xf32, #tpu.memory_space<vmem>>, %arg7: memref<!tpu.dma_semaphore, #tpu.memory_space<semaphore_mem>>, %arg8: memref<!tpu.dma_semaphore, #tpu.memory_space<semaphore_mem>>) attributes {dimension_semantics = [#tpu.dimension_semantics<core_parallel>, #tpu.dimension_semantics<subcore_parallel>], iteration_bounds = array<i64: 2, 16>, scalar_prefetch = 0 : i64, scratch_operands = 4 : i64, tpu.core_type = #tpu.core_type<sc_vector_subcore>, window_params = [{transform_indices = #map}, {transform_indices = #map1}, {transform_indices = #map1}]} {
    %mul3A = arith.constant 2 : i32
    %mul3A_0 = arith.muli %arg1, %mul3A : i32
    %add3A = arith.addi %mul3A_0, %arg0 : i32
    %mul3A_1 = arith.constant 512 : i32
    %mul3A_2 = arith.muli %add3A, %mul3A_1 : i32
    %mul3A_3 = arith.constant 25600 : i32
    %mul3A_4 = arith.muli %add3A, %mul3A_3 : i32
    "tpu.region"() ({
      %run_scoped3A = tpu.sem_alloc : memref<!tpu.dma_semaphore, #tpu.memory_space<semaphore_mem>>
      %dma_start3A_1100 = tpu.memref_slice %arg2[%mul3A_4] : memref<819200xi32, #tpu.memory_space<hbm>> -> memref<25600xi32, #tpu.memory_space<hbm>>
      %dma_start3A_1101 = tpu.memref_slice %arg2[%mul3A_4] : memref<819200xi32, #tpu.memory_space<hbm>> -> memref<25600xi32, #tpu.memory_space<hbm>>
      tpu.enqueue_dma source(%dma_start3A_1101 : memref<25600xi32, #tpu.memory_space<hbm>>) target(%arg5 : memref<25600xi32, #tpu.memory_space<vmem>>) target_semaphore(%run_scoped3A : memref<!tpu.dma_semaphore, #tpu.memory_space<semaphore_mem>>)
      %dma_wait3A_1102 = tpu.memref_slice %arg2[%mul3A_4] : memref<819200xi32, #tpu.memory_space<hbm>> -> memref<25600xi32, #tpu.memory_space<hbm>>
      %dma_wait3A_1103 = tpu.memref_slice %arg2[%mul3A_4] : memref<819200xi32, #tpu.memory_space<hbm>> -> memref<25600xi32, #tpu.memory_space<hbm>>
      tpu.wait_dma2 semaphore(%run_scoped3A : memref<!tpu.dma_semaphore, #tpu.memory_space<semaphore_mem>>) src(%dma_wait3A_1103 : memref<25600xi32, #tpu.memory_space<hbm>>) dst(%arg5 : memref<25600xi32, #tpu.memory_space<vmem>>)
      tpu.yield
    }) : () -> ()
    %dma_start3A = arith.constant 0 : i32
    %dma_start3A_5 = arith.constant 0 : i32
    %dma_start3A_6 = tpu.memref_slice %arg6[%dma_start3A, %dma_start3A_5] : memref<1400x64xf32, #tpu.memory_space<vmem>> -> memref<104x64xf32, #tpu.memory_space<vmem>>
    %dma_start3A_7 = arith.constant 0 : i32
    %dma_start3A_8 = tpu.memref_slice %arg5[%dma_start3A_7] : memref<25600xi32, #tpu.memory_space<vmem>> -> memref<104xi32, #tpu.memory_space<vmem>>
    %dma_start3A_9 = arith.constant 0 : i32
    %dma_start3A_10 = arith.constant 0 : i32
    %dma_start3A_11 = tpu.memref_slice %arg3[%dma_start3A_9, %dma_start3A_10] : memref<100000x64xf32, #tpu.memory_space<hbm>> -> memref<100000x64xf32, #tpu.memory_space<hbm>>
    tpu.enqueue_indirect_dma source(%dma_start3A_11 : memref<100000x64xf32, #tpu.memory_space<hbm>>) target(%dma_start3A_6 : memref<104x64xf32, #tpu.memory_space<vmem>>) offsets(%dma_start3A_8 : memref<104xi32, #tpu.memory_space<vmem>>) semaphore(%arg7 : memref<!tpu.dma_semaphore, #tpu.memory_space<semaphore_mem>>)
    %dma_start3A_12 = arith.constant 104 : i32
    %dma_start3A_13 = arith.constant 0 : i32
    %dma_start3A_14 = tpu.memref_slice %arg6[%dma_start3A_12, %dma_start3A_13] : memref<1400x64xf32, #tpu.memory_space<vmem>> -> memref<96x64xf32, #tpu.memory_space<vmem>>
    %dma_start3A_15 = arith.constant 104 : i32
    %dma_start3A_16 = tpu.memref_slice %arg5[%dma_start3A_15] : memref<25600xi32, #tpu.memory_space<vmem>> -> memref<96xi32, #tpu.memory_space<vmem>>
    %dma_start3A_17 = arith.constant 0 : i32
    %dma_start3A_18 = arith.constant 0 : i32
    %dma_start3A_19 = tpu.memref_slice %arg3[%dma_start3A_17, %dma_start3A_18] : memref<100000x64xf32, #tpu.memory_space<hbm>> -> memref<100000x64xf32, #tpu.memory_space<hbm>>
    tpu.enqueue_indirect_dma source(%dma_start3A_19 : memref<100000x64xf32, #tpu.memory_space<hbm>>) target(%dma_start3A_14 : memref<96x64xf32, #tpu.memory_space<vmem>>) offsets(%dma_start3A_16 : memref<96xi32, #tpu.memory_space<vmem>>) semaphore(%arg7 : memref<!tpu.dma_semaphore, #tpu.memory_space<semaphore_mem>>)
    %dma_start3A_20 = arith.constant 200 : i32
    %dma_start3A_21 = arith.constant 0 : i32
    %dma_start3A_22 = tpu.memref_slice %arg6[%dma_start3A_20, %dma_start3A_21] : memref<1400x64xf32, #tpu.memory_space<vmem>> -> memref<104x64xf32, #tpu.memory_space<vmem>>
    %dma_start3A_23 = arith.constant 200 : i32
    %dma_start3A_24 = tpu.memref_slice %arg5[%dma_start3A_23] : memref<25600xi32, #tpu.memory_space<vmem>> -> memref<104xi32, #tpu.memory_space<vmem>>
    %dma_start3A_25 = arith.constant 0 : i32
    %dma_start3A_26 = arith.constant 0 : i32
    %dma_start3A_27 = tpu.memref_slice %arg3[%dma_start3A_25, %dma_start3A_26] : memref<100000x64xf32, #tpu.memory_space<hbm>> -> memref<100000x64xf32, #tpu.memory_space<hbm>>
    tpu.enqueue_indirect_dma source(%dma_start3A_27 : memref<100000x64xf32, #tpu.memory_space<hbm>>) target(%dma_start3A_22 : memref<104x64xf32, #tpu.memory_space<vmem>>) offsets(%dma_start3A_24 : memref<104xi32, #tpu.memory_space<vmem>>) semaphore(%arg7 : memref<!tpu.dma_semaphore, #tpu.memory_space<semaphore_mem>>)
    %dma_start3A_28 = arith.constant 304 : i32
    %dma_start3A_29 = arith.constant 0 : i32
    %dma_start3A_30 = tpu.memref_slice %arg6[%dma_start3A_28, %dma_start3A_29] : memref<1400x64xf32, #tpu.memory_space<vmem>> -> memref<96x64xf32, #tpu.memory_space<vmem>>
    %dma_start3A_31 = arith.constant 304 : i32
    %dma_start3A_32 = tpu.memref_slice %arg5[%dma_start3A_31] : memref<25600xi32, #tpu.memory_space<vmem>> -> memref<96xi32, #tpu.memory_space<vmem>>
    %dma_start3A_33 = arith.constant 0 : i32
    %dma_start3A_34 = arith.constant 0 : i32
    %dma_start3A_35 = tpu.memref_slice %arg3[%dma_start3A_33, %dma_start3A_34] : memref<100000x64xf32, #tpu.memory_space<hbm>> -> memref<100000x64xf32, #tpu.memory_space<hbm>>
    tpu.enqueue_indirect_dma source(%dma_start3A_35 : memref<100000x64xf32, #tpu.memory_space<hbm>>) target(%dma_start3A_30 : memref<96x64xf32, #tpu.memory_space<vmem>>) offsets(%dma_start3A_32 : memref<96xi32, #tpu.memory_space<vmem>>) semaphore(%arg7 : memref<!tpu.dma_semaphore, #tpu.memory_space<semaphore_mem>>)
    %dma_start3A_36 = arith.constant 400 : i32
    %dma_start3A_37 = arith.constant 0 : i32
    %dma_start3A_38 = tpu.memref_slice %arg6[%dma_start3A_36, %dma_start3A_37] : memref<1400x64xf32, #tpu.memory_space<vmem>> -> memref<104x64xf32, #tpu.memory_space<vmem>>
    %dma_start3A_39 = arith.constant 400 : i32
    %dma_start3A_40 = tpu.memref_slice %arg5[%dma_start3A_39] : memref<25600xi32, #tpu.memory_space<vmem>> -> memref<104xi32, #tpu.memory_space<vmem>>
    %dma_start3A_41 = arith.constant 0 : i32
    %dma_start3A_42 = arith.constant 0 : i32
    %dma_start3A_43 = tpu.memref_slice %arg3[%dma_start3A_41, %dma_start3A_42] : memref<100000x64xf32, #tpu.memory_space<hbm>> -> memref<100000x64xf32, #tpu.memory_space<hbm>>
    tpu.enqueue_indirect_dma source(%dma_start3A_43 : memref<100000x64xf32, #tpu.memory_space<hbm>>) target(%dma_start3A_38 : memref<104x64xf32, #tpu.memory_space<vmem>>) offsets(%dma_start3A_40 : memref<104xi32, #tpu.memory_space<vmem>>) semaphore(%arg7 : memref<!tpu.dma_semaphore, #tpu.memory_space<semaphore_mem>>)
    %dma_start3A_44 = arith.constant 504 : i32
    %dma_start3A_45 = arith.constant 0 : i32
    %dma_start3A_46 = tpu.memref_slice %arg6[%dma_start3A_44, %dma_start3A_45] : memref<1400x64xf32, #tpu.memory_space<vmem>> -> memref<96x64xf32, #tpu.memory_space<vmem>>
    %dma_start3A_47 = arith.constant 504 : i32
    %dma_start3A_48 = tpu.memref_slice %arg5[%dma_start3A_47] : memref<25600xi32, #tpu.memory_space<vmem>> -> memref<96xi32, #tpu.memory_space<vmem>>
    %dma_start3A_49 = arith.constant 0 : i32
    %dma_start3A_50 = arith.constant 0 : i32
    %dma_start3A_51 = tpu.memref_slice %arg3[%dma_start3A_49, %dma_start3A_50] : memref<100000x64xf32, #tpu.memory_space<hbm>> -> memref<100000x64xf32, #tpu.memory_space<hbm>>
    tpu.enqueue_indirect_dma source(%dma_start3A_51 : memref<100000x64xf32, #tpu.memory_space<hbm>>) target(%dma_start3A_46 : memref<96x64xf32, #tpu.memory_space<vmem>>) offsets(%dma_start3A_48 : memref<96xi32, #tpu.memory_space<vmem>>) semaphore(%arg7 : memref<!tpu.dma_semaphore, #tpu.memory_space<semaphore_mem>>)
    %dma_start3A_52 = arith.constant 600 : i32
    %dma_start3A_53 = arith.constant 0 : i32
    %dma_start3A_54 = tpu.memref_slice %arg6[%dma_start3A_52, %dma_start3A_53] : memref<1400x64xf32, #tpu.memory_space<vmem>> -> memref<104x64xf32, #tpu.memory_space<vmem>>
    %dma_start3A_55 = arith.constant 600 : i32
    %dma_start3A_56 = tpu.memref_slice %arg5[%dma_start3A_55] : memref<25600xi32, #tpu.memory_space<vmem>> -> memref<104xi32, #tpu.memory_space<vmem>>
    %dma_start3A_57 = arith.constant 0 : i32
    %dma_start3A_58 = arith.constant 0 : i32
    %dma_start3A_59 = tpu.memref_slice %arg3[%dma_start3A_57, %dma_start3A_58] : memref<100000x64xf32, #tpu.memory_space<hbm>> -> memref<100000x64xf32, #tpu.memory_space<hbm>>
    tpu.enqueue_indirect_dma source(%dma_start3A_59 : memref<100000x64xf32, #tpu.memory_space<hbm>>) target(%dma_start3A_54 : memref<104x64xf32, #tpu.memory_space<vmem>>) offsets(%dma_start3A_56 : memref<104xi32, #tpu.memory_space<vmem>>) semaphore(%arg7 : memref<!tpu.dma_semaphore, #tpu.memory_space<semaphore_mem>>)
    %dma_start3A_60 = arith.constant 704 : i32
    %dma_start3A_61 = arith.constant 0 : i32
    %dma_start3A_62 = tpu.memref_slice %arg6[%dma_start3A_60, %dma_start3A_61] : memref<1400x64xf32, #tpu.memory_space<vmem>> -> memref<96x64xf32, #tpu.memory_space<vmem>>
    %dma_start3A_63 = arith.constant 704 : i32
    %dma_start3A_64 = tpu.memref_slice %arg5[%dma_start3A_63] : memref<25600xi32, #tpu.memory_space<vmem>> -> memref<96xi32, #tpu.memory_space<vmem>>
    %dma_start3A_65 = arith.constant 0 : i32
    %dma_start3A_66 = arith.constant 0 : i32
    %dma_start3A_67 = tpu.memref_slice %arg3[%dma_start3A_65, %dma_start3A_66] : memref<100000x64xf32, #tpu.memory_space<hbm>> -> memref<100000x64xf32, #tpu.memory_space<hbm>>
    tpu.enqueue_indirect_dma source(%dma_start3A_67 : memref<100000x64xf32, #tpu.memory_space<hbm>>) target(%dma_start3A_62 : memref<96x64xf32, #tpu.memory_space<vmem>>) offsets(%dma_start3A_64 : memref<96xi32, #tpu.memory_space<vmem>>) semaphore(%arg7 : memref<!tpu.dma_semaphore, #tpu.memory_space<semaphore_mem>>)
    %dma_start3A_68 = arith.constant 800 : i32
    %dma_start3A_69 = arith.constant 0 : i32
    %dma_start3A_70 = tpu.memref_slice %arg6[%dma_start3A_68, %dma_start3A_69] : memref<1400x64xf32, #tpu.memory_space<vmem>> -> memref<104x64xf32, #tpu.memory_space<vmem>>
    %dma_start3A_71 = arith.constant 800 : i32
    %dma_start3A_72 = tpu.memref_slice %arg5[%dma_start3A_71] : memref<25600xi32, #tpu.memory_space<vmem>> -> memref<104xi32, #tpu.memory_space<vmem>>
    %dma_start3A_73 = arith.constant 0 : i32
    %dma_start3A_74 = arith.constant 0 : i32
    %dma_start3A_75 = tpu.memref_slice %arg3[%dma_start3A_73, %dma_start3A_74] : memref<100000x64xf32, #tpu.memory_space<hbm>> -> memref<100000x64xf32, #tpu.memory_space<hbm>>
    tpu.enqueue_indirect_dma source(%dma_start3A_75 : memref<100000x64xf32, #tpu.memory_space<hbm>>) target(%dma_start3A_70 : memref<104x64xf32, #tpu.memory_space<vmem>>) offsets(%dma_start3A_72 : memref<104xi32, #tpu.memory_space<vmem>>) semaphore(%arg7 : memref<!tpu.dma_semaphore, #tpu.memory_space<semaphore_mem>>)
    %dma_start3A_76 = arith.constant 904 : i32
    %dma_start3A_77 = arith.constant 0 : i32
    %dma_start3A_78 = tpu.memref_slice %arg6[%dma_start3A_76, %dma_start3A_77] : memref<1400x64xf32, #tpu.memory_space<vmem>> -> memref<96x64xf32, #tpu.memory_space<vmem>>
    %dma_start3A_79 = arith.constant 904 : i32
    %dma_start3A_80 = tpu.memref_slice %arg5[%dma_start3A_79] : memref<25600xi32, #tpu.memory_space<vmem>> -> memref<96xi32, #tpu.memory_space<vmem>>
    %dma_start3A_81 = arith.constant 0 : i32
    %dma_start3A_82 = arith.constant 0 : i32
    %dma_start3A_83 = tpu.memref_slice %arg3[%dma_start3A_81, %dma_start3A_82] : memref<100000x64xf32, #tpu.memory_space<hbm>> -> memref<100000x64xf32, #tpu.memory_space<hbm>>
    tpu.enqueue_indirect_dma source(%dma_start3A_83 : memref<100000x64xf32, #tpu.memory_space<hbm>>) target(%dma_start3A_78 : memref<96x64xf32, #tpu.memory_space<vmem>>) offsets(%dma_start3A_80 : memref<96xi32, #tpu.memory_space<vmem>>) semaphore(%arg7 : memref<!tpu.dma_semaphore, #tpu.memory_space<semaphore_mem>>)
    %dma_wait3A = arith.constant 0 : i32
    %dma_wait3A_84 = arith.constant 0 : i32
    %dma_wait3A_85 = tpu.memref_slice %arg6[%dma_wait3A, %dma_wait3A_84] : memref<1400x64xf32, #tpu.memory_space<vmem>> -> memref<104x64xf32, #tpu.memory_space<vmem>>
    %dma_wait3A_86 = arith.constant 0 : i32
    %dma_wait3A_87 = arith.constant 0 : i32
    %dma_wait3A_88 = tpu.memref_slice %arg3[%dma_wait3A_86, %dma_wait3A_87] : memref<100000x64xf32, #tpu.memory_space<hbm>> -> memref<104x64xf32, #tpu.memory_space<hbm>>
    %dma_wait3A_89 = arith.constant 0 : i32
    %dma_wait3A_90 = arith.constant 0 : i32
    %dma_wait3A_91 = tpu.memref_slice %arg6[%dma_wait3A_89, %dma_wait3A_90] : memref<1400x64xf32, #tpu.memory_space<vmem>> -> memref<104x64xf32, #tpu.memory_space<vmem>>
    %dma_wait3A_92 = arith.constant 0 : i32
    %dma_wait3A_93 = arith.constant 0 : i32
    %dma_wait3A_94 = tpu.memref_slice %arg3[%dma_wait3A_92, %dma_wait3A_93] : memref<100000x64xf32, #tpu.memory_space<hbm>> -> memref<104x64xf32, #tpu.memory_space<hbm>>
    tpu.wait_dma2 semaphore(%arg7 : memref<!tpu.dma_semaphore, #tpu.memory_space<semaphore_mem>>) src(%dma_wait3A_94 : memref<104x64xf32, #tpu.memory_space<hbm>>) dst(%dma_wait3A_91 : memref<104x64xf32, #tpu.memory_space<vmem>>)
    %dma_wait3A_95 = arith.constant 0 : i32
    %dma_wait3A_96 = arith.constant 0 : i32
    %dma_wait3A_97 = tpu.memref_slice %arg6[%dma_wait3A_95, %dma_wait3A_96] : memref<1400x64xf32, #tpu.memory_space<vmem>> -> memref<96x64xf32, #tpu.memory_space<vmem>>
    %dma_wait3A_98 = arith.constant 0 : i32
    %dma_wait3A_99 = arith.constant 0 : i32
    %dma_wait3A_100 = tpu.memref_slice %arg3[%dma_wait3A_98, %dma_wait3A_99] : memref<100000x64xf32, #tpu.memory_space<hbm>> -> memref<96x64xf32, #tpu.memory_space<hbm>>
    %dma_wait3A_101 = arith.constant 0 : i32
    %dma_wait3A_102 = arith.constant 0 : i32
    %dma_wait3A_103 = tpu.memref_slice %arg6[%dma_wait3A_101, %dma_wait3A_102] : memref<1400x64xf32, #tpu.memory_space<vmem>> -> memref<96x64xf32, #tpu.memory_space<vmem>>
    %dma_wait3A_104 = arith.constant 0 : i32
    %dma_wait3A_105 = arith.constant 0 : i32
    %dma_wait3A_106 = tpu.memref_slice %arg3[%dma_wait3A_104, %dma_wait3A_105] : memref<100000x64xf32, #tpu.memory_space<hbm>> -> memref<96x64xf32, #tpu.memory_space<hbm>>
    tpu.wait_dma2 semaphore(%arg7 : memref<!tpu.dma_semaphore, #tpu.memory_space<semaphore_mem>>) src(%dma_wait3A_106 : memref<96x64xf32, #tpu.memory_space<hbm>>) dst(%dma_wait3A_103 : memref<96x64xf32, #tpu.memory_space<vmem>>)
    %add3A_107 = arith.constant 0 : i32
    %add3A_108 = arith.addi %mul3A_2, %add3A_107 : i32
    %add3A_109 = arith.constant 0 : i32
    %add3A_110 = arith.addi %add3A_108, %add3A_109 : i32
    %mul3A_111 = arith.constant 56 : i32
    %mul3A_112 = arith.muli %add3A_110, %mul3A_111 : i32
    %multiple_of3A = tpu.assume_multiple %mul3A_112, 8 : i32
    %dma_start3A_113 = arith.constant 0 : i32
    %dma_start3A_114 = arith.constant 0 : i32
    %dma_start3A_115 = tpu.memref_slice %arg6[%dma_start3A_113, %dma_start3A_114] : memref<1400x64xf32, #tpu.memory_space<vmem>> -> memref<50x64xf32, #tpu.memory_space<vmem>>
    %dma_start3A_116 = arith.constant 0 : i32
    %dma_start3A_117 = tpu.memref_slice %arg4[%multiple_of3A, %dma_start3A_116] : memref<917504x128xf32, #tpu.memory_space<hbm>> -> memref<50x64xf32, #tpu.memory_space<hbm>>
    %dma_start3A_118 = arith.constant 0 : i32
    %dma_start3A_119 = tpu.memref_slice %arg4[%multiple_of3A, %dma_start3A_118] : memref<917504x128xf32, #tpu.memory_space<hbm>> -> memref<50x64xf32, #tpu.memory_space<hbm>>
    %dma_start3A_120 = arith.constant 0 : i32
    %dma_start3A_121 = arith.constant 0 : i32
    %dma_start3A_122 = tpu.memref_slice %arg6[%dma_start3A_120, %dma_start3A_121] : memref<1400x64xf32, #tpu.memory_space<vmem>> -> memref<50x64xf32, #tpu.memory_space<vmem>>
    tpu.enqueue_dma source(%dma_start3A_122 : memref<50x64xf32, #tpu.memory_space<vmem>>) target(%dma_start3A_119 : memref<50x64xf32, #tpu.memory_space<hbm>>) target_semaphore(%arg8 : memref<!tpu.dma_semaphore, #tpu.memory_space<semaphore_mem>>)
    %add3A_123 = arith.constant 0 : i32
    %add3A_124 = arith.addi %mul3A_2, %add3A_123 : i32
    %add3A_125 = arith.constant 1 : i32
    %add3A_126 = arith.addi %add3A_124, %add3A_125 : i32
    %mul3A_127 = arith.constant 56 : i32
    %mul3A_128 = arith.muli %add3A_126, %mul3A_127 : i32
    %multiple_of3A_129 = tpu.assume_multiple %mul3A_128, 8 : i32
    %dma_start3A_130 = arith.constant 50 : i32
    %dma_start3A_131 = arith.constant 0 : i32
    %dma_start3A_132 = tpu.memref_slice %arg6[%dma_start3A_130, %dma_start3A_131] : memref<1400x64xf32, #tpu.memory_space<vmem>> -> memref<50x64xf32, #tpu.memory_space<vmem>>
    %dma_start3A_133 = arith.constant 0 : i32
    %dma_start3A_134 = tpu.memref_slice %arg4[%multiple_of3A_129, %dma_start3A_133] : memref<917504x128xf32, #tpu.memory_space<hbm>> -> memref<50x64xf32, #tpu.memory_space<hbm>>
    %dma_start3A_135 = arith.constant 0 : i32
    %dma_start3A_136 = tpu.memref_slice %arg4[%multiple_of3A_129, %dma_start3A_135] : memref<917504x128xf32, #tpu.memory_space<hbm>> -> memref<50x64xf32, #tpu.memory_space<hbm>>
    %dma_start3A_137 = arith.constant 50 : i32
    %dma_start3A_138 = arith.constant 0 : i32
    %dma_start3A_139 = tpu.memref_slice %arg6[%dma_start3A_137, %dma_start3A_138] : memref<1400x64xf32, #tpu.memory_space<vmem>> -> memref<50x64xf32, #tpu.memory_space<vmem>>
    tpu.enqueue_dma source(%dma_start3A_139 : memref<50x64xf32, #tpu.memory_space<vmem>>) target(%dma_start3A_136 : memref<50x64xf32, #tpu.memory_space<hbm>>) target_semaphore(%arg8 : memref<!tpu.dma_semaphore, #tpu.memory_space<semaphore_mem>>)
    %add3A_140 = arith.constant 0 : i32
    %add3A_141 = arith.addi %mul3A_2, %add3A_140 : i32
    %add3A_142 = arith.constant 2 : i32
    %add3A_143 = arith.addi %add3A_141, %add3A_142 : i32
    %mul3A_144 = arith.constant 56 : i32
    %mul3A_145 = arith.muli %add3A_143, %mul3A_144 : i32
    %multiple_of3A_146 = tpu.assume_multiple %mul3A_145, 8 : i32
    %dma_start3A_147 = arith.constant 100 : i32
    %dma_start3A_148 = arith.constant 0 : i32
    %dma_start3A_149 = tpu.memref_slice %arg6[%dma_start3A_147, %dma_start3A_148] : memref<1400x64xf32, #tpu.memory_space<vmem>> -> memref<50x64xf32, #tpu.memory_space<vmem>>
    %dma_start3A_150 = arith.constant 0 : i32
    %dma_start3A_151 = tpu.memref_slice %arg4[%multiple_of3A_146, %dma_start3A_150] : memref<917504x128xf32, #tpu.memory_space<hbm>> -> memref<50x64xf32, #tpu.memory_space<hbm>>
    %dma_start3A_152 = arith.constant 0 : i32
    %dma_start3A_153 = tpu.memref_slice %arg4[%multiple_of3A_146, %dma_start3A_152] : memref<917504x128xf32, #tpu.memory_space<hbm>> -> memref<50x64xf32, #tpu.memory_space<hbm>>
    %dma_start3A_154 = arith.constant 100 : i32
    %dma_start3A_155 = arith.constant 0 : i32
    %dma_start3A_156 = tpu.memref_slice %arg6[%dma_start3A_154, %dma_start3A_155] : memref<1400x64xf32, #tpu.memory_space<vmem>> -> memref<50x64xf32, #tpu.memory_space<vmem>>
    tpu.enqueue_dma source(%dma_start3A_156 : memref<50x64xf32, #tpu.memory_space<vmem>>) target(%dma_start3A_153 : memref<50x64xf32, #tpu.memory_space<hbm>>) target_semaphore(%arg8 : memref<!tpu.dma_semaphore, #tpu.memory_space<semaphore_mem>>)
    %add3A_157 = arith.constant 0 : i32
    %add3A_158 = arith.addi %mul3A_2, %add3A_157 : i32
    %add3A_159 = arith.constant 3 : i32
    %add3A_160 = arith.addi %add3A_158, %add3A_159 : i32
    %mul3A_161 = arith.constant 56 : i32
    %mul3A_162 = arith.muli %add3A_160, %mul3A_161 : i32
    %multiple_of3A_163 = tpu.assume_multiple %mul3A_162, 8 : i32
    %dma_start3A_164 = arith.constant 150 : i32
    %dma_start3A_165 = arith.constant 0 : i32
    %dma_start3A_166 = tpu.memref_slice %arg6[%dma_start3A_164, %dma_start3A_165] : memref<1400x64xf32, #tpu.memory_space<vmem>> -> memref<50x64xf32, #tpu.memory_space<vmem>>
    %dma_start3A_167 = arith.constant 0 : i32
    %dma_start3A_168 = tpu.memref_slice %arg4[%multiple_of3A_163, %dma_start3A_167] : memref<917504x128xf32, #tpu.memory_space<hbm>> -> memref<50x64xf32, #tpu.memory_space<hbm>>
    %dma_start3A_169 = arith.constant 0 : i32
    %dma_start3A_170 = tpu.memref_slice %arg4[%multiple_of3A_163, %dma_start3A_169] : memref<917504x128xf32, #tpu.memory_space<hbm>> -> memref<50x64xf32, #tpu.memory_space<hbm>>
    %dma_start3A_171 = arith.constant 150 : i32
    %dma_start3A_172 = arith.constant 0 : i32
    %dma_start3A_173 = tpu.memref_slice %arg6[%dma_start3A_171, %dma_start3A_172] : memref<1400x64xf32, #tpu.memory_space<vmem>> -> memref<50x64xf32, #tpu.memory_space<vmem>>
    tpu.enqueue_dma source(%dma_start3A_173 : memref<50x64xf32, #tpu.memory_space<vmem>>) target(%dma_start3A_170 : memref<50x64xf32, #tpu.memory_space<hbm>>) target_semaphore(%arg8 : memref<!tpu.dma_semaphore, #tpu.memory_space<semaphore_mem>>)
    %dma_start3A_174 = arith.constant 1000 : i32
    %dma_start3A_175 = arith.constant 0 : i32
    %dma_start3A_176 = tpu.memref_slice %arg6[%dma_start3A_174, %dma_start3A_175] : memref<1400x64xf32, #tpu.memory_space<vmem>> -> memref<104x64xf32, #tpu.memory_space<vmem>>
    %dma_start3A_177 = arith.constant 1000 : i32
    %dma_start3A_178 = tpu.memref_slice %arg5[%dma_start3A_177] : memref<25600xi32, #tpu.memory_space<vmem>> -> memref<104xi32, #tpu.memory_space<vmem>>
    %dma_start3A_179 = arith.constant 0 : i32
    %dma_start3A_180 = arith.constant 0 : i32
    %dma_start3A_181 = tpu.memref_slice %arg3[%dma_start3A_179, %dma_start3A_180] : memref<100000x64xf32, #tpu.memory_space<hbm>> -> memref<100000x64xf32, #tpu.memory_space<hbm>>
    tpu.enqueue_indirect_dma source(%dma_start3A_181 : memref<100000x64xf32, #tpu.memory_space<hbm>>) target(%dma_start3A_176 : memref<104x64xf32, #tpu.memory_space<vmem>>) offsets(%dma_start3A_178 : memref<104xi32, #tpu.memory_space<vmem>>) semaphore(%arg7 : memref<!tpu.dma_semaphore, #tpu.memory_space<semaphore_mem>>)
    %dma_start3A_182 = arith.constant 1104 : i32
    %dma_start3A_183 = arith.constant 0 : i32
    %dma_start3A_184 = tpu.memref_slice %arg6[%dma_start3A_182, %dma_start3A_183] : memref<1400x64xf32, #tpu.memory_space<vmem>> -> memref<96x64xf32, #tpu.memory_space<vmem>>
    %dma_start3A_185 = arith.constant 1104 : i32
    %dma_start3A_186 = tpu.memref_slice %arg5[%dma_start3A_185] : memref<25600xi32, #tpu.memory_space<vmem>> -> memref<96xi32, #tpu.memory_space<vmem>>
    %dma_start3A_187 = arith.constant 0 : i32
    %dma_start3A_188 = arith.constant 0 : i32
    %dma_start3A_189 = tpu.memref_slice %arg3[%dma_start3A_187, %dma_start3A_188] : memref<100000x64xf32, #tpu.memory_space<hbm>> -> memref<100000x64xf32, #tpu.memory_space<hbm>>
    tpu.enqueue_indirect_dma source(%dma_start3A_189 : memref<100000x64xf32, #tpu.memory_space<hbm>>) target(%dma_start3A_184 : memref<96x64xf32, #tpu.memory_space<vmem>>) offsets(%dma_start3A_186 : memref<96xi32, #tpu.memory_space<vmem>>) semaphore(%arg7 : memref<!tpu.dma_semaphore, #tpu.memory_space<semaphore_mem>>)
    %dma_wait3A_190 = arith.constant 0 : i32
    %dma_wait3A_191 = arith.constant 0 : i32
    %dma_wait3A_192 = tpu.memref_slice %arg6[%dma_wait3A_190, %dma_wait3A_191] : memref<1400x64xf32, #tpu.memory_space<vmem>> -> memref<104x64xf32, #tpu.memory_space<vmem>>
    %dma_wait3A_193 = arith.constant 0 : i32
    %dma_wait3A_194 = arith.constant 0 : i32
    %dma_wait3A_195 = tpu.memref_slice %arg3[%dma_wait3A_193, %dma_wait3A_194] : memref<100000x64xf32, #tpu.memory_space<hbm>> -> memref<104x64xf32, #tpu.memory_space<hbm>>
    %dma_wait3A_196 = arith.constant 0 : i32
    %dma_wait3A_197 = arith.constant 0 : i32
    %dma_wait3A_198 = tpu.memref_slice %arg6[%dma_wait3A_196, %dma_wait3A_197] : memref<1400x64xf32, #tpu.memory_space<vmem>> -> memref<104x64xf32, #tpu.memory_space<vmem>>
    %dma_wait3A_199 = arith.constant 0 : i32
    %dma_wait3A_200 = arith.constant 0 : i32
    %dma_wait3A_201 = tpu.memref_slice %arg3[%dma_wait3A_199, %dma_wait3A_200] : memref<100000x64xf32, #tpu.memory_space<hbm>> -> memref<104x64xf32, #tpu.memory_space<hbm>>
    tpu.wait_dma2 semaphore(%arg7 : memref<!tpu.dma_semaphore, #tpu.memory_space<semaphore_mem>>) src(%dma_wait3A_201 : memref<104x64xf32, #tpu.memory_space<hbm>>) dst(%dma_wait3A_198 : memref<104x64xf32, #tpu.memory_space<vmem>>)
    %dma_wait3A_202 = arith.constant 0 : i32
    %dma_wait3A_203 = arith.constant 0 : i32
    %dma_wait3A_204 = tpu.memref_slice %arg6[%dma_wait3A_202, %dma_wait3A_203] : memref<1400x64xf32, #tpu.memory_space<vmem>> -> memref<96x64xf32, #tpu.memory_space<vmem>>
    %dma_wait3A_205 = arith.constant 0 : i32
    %dma_wait3A_206 = arith.constant 0 : i32
    %dma_wait3A_207 = tpu.memref_slice %arg3[%dma_wait3A_205, %dma_wait3A_206] : memref<100000x64xf32, #tpu.memory_space<hbm>> -> memref<96x64xf32, #tpu.memory_space<hbm>>
    %dma_wait3A_208 = arith.constant 0 : i32
    %dma_wait3A_209 = arith.constant 0 : i32
    %dma_wait3A_210 = tpu.memref_slice %arg6[%dma_wait3A_208, %dma_wait3A_209] : memref<1400x64xf32, #tpu.memory_space<vmem>> -> memref<96x64xf32, #tpu.memory_space<vmem>>
    %dma_wait3A_211 = arith.constant 0 : i32
    %dma_wait3A_212 = arith.constant 0 : i32
    %dma_wait3A_213 = tpu.memref_slice %arg3[%dma_wait3A_211, %dma_wait3A_212] : memref<100000x64xf32, #tpu.memory_space<hbm>> -> memref<96x64xf32, #tpu.memory_space<hbm>>
    tpu.wait_dma2 semaphore(%arg7 : memref<!tpu.dma_semaphore, #tpu.memory_space<semaphore_mem>>) src(%dma_wait3A_213 : memref<96x64xf32, #tpu.memory_space<hbm>>) dst(%dma_wait3A_210 : memref<96x64xf32, #tpu.memory_space<vmem>>)
    %add3A_214 = arith.constant 4 : i32
    %add3A_215 = arith.addi %mul3A_2, %add3A_214 : i32
    %add3A_216 = arith.constant 0 : i32
    %add3A_217 = arith.addi %add3A_215, %add3A_216 : i32
    %mul3A_218 = arith.constant 56 : i32
    %mul3A_219 = arith.muli %add3A_217, %mul3A_218 : i32
    %multiple_of3A_220 = tpu.assume_multiple %mul3A_219, 8 : i32
    %dma_start3A_221 = arith.constant 200 : i32
    %dma_start3A_222 = arith.constant 0 : i32
    %dma_start3A_223 = tpu.memref_slice %arg6[%dma_start3A_221, %dma_start3A_222] : memref<1400x64xf32, #tpu.memory_space<vmem>> -> memref<50x64xf32, #tpu.memory_space<vmem>>
    %dma_start3A_224 = arith.constant 0 : i32
    %dma_start3A_225 = tpu.memref_slice %arg4[%multiple_of3A_220, %dma_start3A_224] : memref<917504x128xf32, #tpu.memory_space<hbm>> -> memref<50x64xf32, #tpu.memory_space<hbm>>
    %dma_start3A_226 = arith.constant 0 : i32
    %dma_start3A_227 = tpu.memref_slice %arg4[%multiple_of3A_220, %dma_start3A_226] : memref<917504x128xf32, #tpu.memory_space<hbm>> -> memref<50x64xf32, #tpu.memory_space<hbm>>
    %dma_start3A_228 = arith.constant 200 : i32
    %dma_start3A_229 = arith.constant 0 : i32
    %dma_start3A_230 = tpu.memref_slice %arg6[%dma_start3A_228, %dma_start3A_229] : memref<1400x64xf32, #tpu.memory_space<vmem>> -> memref<50x64xf32, #tpu.memory_space<vmem>>
    tpu.enqueue_dma source(%dma_start3A_230 : memref<50x64xf32, #tpu.memory_space<vmem>>) target(%dma_start3A_227 : memref<50x64xf32, #tpu.memory_space<hbm>>) target_semaphore(%arg8 : memref<!tpu.dma_semaphore, #tpu.memory_space<semaphore_mem>>)
    %add3A_231 = arith.constant 4 : i32
    %add3A_232 = arith.addi %mul3A_2, %add3A_231 : i32
    %add3A_233 = arith.constant 1 : i32
    %add3A_234 = arith.addi %add3A_232, %add3A_233 : i32
    %mul3A_235 = arith.constant 56 : i32
    %mul3A_236 = arith.muli %add3A_234, %mul3A_235 : i32
    %multiple_of3A_237 = tpu.assume_multiple %mul3A_236, 8 : i32
    %dma_start3A_238 = arith.constant 250 : i32
    %dma_start3A_239 = arith.constant 0 : i32
    %dma_start3A_240 = tpu.memref_slice %arg6[%dma_start3A_238, %dma_start3A_239] : memref<1400x64xf32, #tpu.memory_space<vmem>> -> memref<50x64xf32, #tpu.memory_space<vmem>>
    %dma_start3A_241 = arith.constant 0 : i32
    %dma_start3A_242 = tpu.memref_slice %arg4[%multiple_of3A_237, %dma_start3A_241] : memref<917504x128xf32, #tpu.memory_space<hbm>> -> memref<50x64xf32, #tpu.memory_space<hbm>>
    %dma_start3A_243 = arith.constant 0 : i32
    %dma_start3A_244 = tpu.memref_slice %arg4[%multiple_of3A_237, %dma_start3A_243] : memref<917504x128xf32, #tpu.memory_space<hbm>> -> memref<50x64xf32, #tpu.memory_space<hbm>>
    %dma_start3A_245 = arith.constant 250 : i32
    %dma_start3A_246 = arith.constant 0 : i32
    %dma_start3A_247 = tpu.memref_slice %arg6[%dma_start3A_245, %dma_start3A_246] : memref<1400x64xf32, #tpu.memory_space<vmem>> -> memref<50x64xf32, #tpu.memory_space<vmem>>
    tpu.enqueue_dma source(%dma_start3A_247 : memref<50x64xf32, #tpu.memory_space<vmem>>) target(%dma_start3A_244 : memref<50x64xf32, #tpu.memory_space<hbm>>) target_semaphore(%arg8 : memref<!tpu.dma_semaphore, #tpu.memory_space<semaphore_mem>>)
    %add3A_248 = arith.constant 4 : i32
    %add3A_249 = arith.addi %mul3A_2, %add3A_248 : i32
    %add3A_250 = arith.constant 2 : i32
    %add3A_251 = arith.addi %add3A_249, %add3A_250 : i32
    %mul3A_252 = arith.constant 56 : i32
    %mul3A_253 = arith.muli %add3A_251, %mul3A_252 : i32
    %multiple_of3A_254 = tpu.assume_multiple %mul3A_253, 8 : i32
    %dma_start3A_255 = arith.constant 300 : i32
    %dma_start3A_256 = arith.constant 0 : i32
    %dma_start3A_257 = tpu.memref_slice %arg6[%dma_start3A_255, %dma_start3A_256] : memref<1400x64xf32, #tpu.memory_space<vmem>> -> memref<50x64xf32, #tpu.memory_space<vmem>>
    %dma_start3A_258 = arith.constant 0 : i32
    %dma_start3A_259 = tpu.memref_slice %arg4[%multiple_of3A_254, %dma_start3A_258] : memref<917504x128xf32, #tpu.memory_space<hbm>> -> memref<50x64xf32, #tpu.memory_space<hbm>>
    %dma_start3A_260 = arith.constant 0 : i32
    %dma_start3A_261 = tpu.memref_slice %arg4[%multiple_of3A_254, %dma_start3A_260] : memref<917504x128xf32, #tpu.memory_space<hbm>> -> memref<50x64xf32, #tpu.memory_space<hbm>>
    %dma_start3A_262 = arith.constant 300 : i32
    %dma_start3A_263 = arith.constant 0 : i32
    %dma_start3A_264 = tpu.memref_slice %arg6[%dma_start3A_262, %dma_start3A_263] : memref<1400x64xf32, #tpu.memory_space<vmem>> -> memref<50x64xf32, #tpu.memory_space<vmem>>
    tpu.enqueue_dma source(%dma_start3A_264 : memref<50x64xf32, #tpu.memory_space<vmem>>) target(%dma_start3A_261 : memref<50x64xf32, #tpu.memory_space<hbm>>) target_semaphore(%arg8 : memref<!tpu.dma_semaphore, #tpu.memory_space<semaphore_mem>>)
    %add3A_265 = arith.constant 4 : i32
    %add3A_266 = arith.addi %mul3A_2, %add3A_265 : i32
    %add3A_267 = arith.constant 3 : i32
    %add3A_268 = arith.addi %add3A_266, %add3A_267 : i32
    %mul3A_269 = arith.constant 56 : i32
    %mul3A_270 = arith.muli %add3A_268, %mul3A_269 : i32
    %multiple_of3A_271 = tpu.assume_multiple %mul3A_270, 8 : i32
    %dma_start3A_272 = arith.constant 350 : i32
    %dma_start3A_273 = arith.constant 0 : i32
    %dma_start3A_274 = tpu.memref_slice %arg6[%dma_start3A_272, %dma_start3A_273] : memref<1400x64xf32, #tpu.memory_space<vmem>> -> memref<50x64xf32, #tpu.memory_space<vmem>>
    %dma_start3A_275 = arith.constant 0 : i32
    %dma_start3A_276 = tpu.memref_slice %arg4[%multiple_of3A_271, %dma_start3A_275] : memref<917504x128xf32, #tpu.memory_space<hbm>> -> memref<50x64xf32, #tpu.memory_space<hbm>>
    %dma_start3A_277 = arith.constant 0 : i32
    %dma_start3A_278 = tpu.memref_slice %arg4[%multiple_of3A_271, %dma_start3A_277] : memref<917504x128xf32, #tpu.memory_space<hbm>> -> memref<50x64xf32, #tpu.memory_space<hbm>>
    %dma_start3A_279 = arith.constant 350 : i32
    %dma_start3A_280 = arith.constant 0 : i32
    %dma_start3A_281 = tpu.memref_slice %arg6[%dma_start3A_279, %dma_start3A_280] : memref<1400x64xf32, #tpu.memory_space<vmem>> -> memref<50x64xf32, #tpu.memory_space<vmem>>
    tpu.enqueue_dma source(%dma_start3A_281 : memref<50x64xf32, #tpu.memory_space<vmem>>) target(%dma_start3A_278 : memref<50x64xf32, #tpu.memory_space<hbm>>) target_semaphore(%arg8 : memref<!tpu.dma_semaphore, #tpu.memory_space<semaphore_mem>>)
    %dma_start3A_282 = arith.constant 1200 : i32
    %dma_start3A_283 = arith.constant 0 : i32
    %dma_start3A_284 = tpu.memref_slice %arg6[%dma_start3A_282, %dma_start3A_283] : memref<1400x64xf32, #tpu.memory_space<vmem>> -> memref<104x64xf32, #tpu.memory_space<vmem>>
    %dma_start3A_285 = arith.constant 1200 : i32
    %dma_start3A_286 = tpu.memref_slice %arg5[%dma_start3A_285] : memref<25600xi32, #tpu.memory_space<vmem>> -> memref<104xi32, #tpu.memory_space<vmem>>
    %dma_start3A_287 = arith.constant 0 : i32
    %dma_start3A_288 = arith.constant 0 : i32
    %dma_start3A_289 = tpu.memref_slice %arg3[%dma_start3A_287, %dma_start3A_288] : memref<100000x64xf32, #tpu.memory_space<hbm>> -> memref<100000x64xf32, #tpu.memory_space<hbm>>
    tpu.enqueue_indirect_dma source(%dma_start3A_289 : memref<100000x64xf32, #tpu.memory_space<hbm>>) target(%dma_start3A_284 : memref<104x64xf32, #tpu.memory_space<vmem>>) offsets(%dma_start3A_286 : memref<104xi32, #tpu.memory_space<vmem>>) semaphore(%arg7 : memref<!tpu.dma_semaphore, #tpu.memory_space<semaphore_mem>>)
    %dma_start3A_290 = arith.constant 1304 : i32
    %dma_start3A_291 = arith.constant 0 : i32
    %dma_start3A_292 = tpu.memref_slice %arg6[%dma_start3A_290, %dma_start3A_291] : memref<1400x64xf32, #tpu.memory_space<vmem>> -> memref<96x64xf32, #tpu.memory_space<vmem>>
    %dma_start3A_293 = arith.constant 1304 : i32
    %dma_start3A_294 = tpu.memref_slice %arg5[%dma_start3A_293] : memref<25600xi32, #tpu.memory_space<vmem>> -> memref<96xi32, #tpu.memory_space<vmem>>
    %dma_start3A_295 = arith.constant 0 : i32
    %dma_start3A_296 = arith.constant 0 : i32
    %dma_start3A_297 = tpu.memref_slice %arg3[%dma_start3A_295, %dma_start3A_296] : memref<100000x64xf32, #tpu.memory_space<hbm>> -> memref<100000x64xf32, #tpu.memory_space<hbm>>
    tpu.enqueue_indirect_dma source(%dma_start3A_297 : memref<100000x64xf32, #tpu.memory_space<hbm>>) target(%dma_start3A_292 : memref<96x64xf32, #tpu.memory_space<vmem>>) offsets(%dma_start3A_294 : memref<96xi32, #tpu.memory_space<vmem>>) semaphore(%arg7 : memref<!tpu.dma_semaphore, #tpu.memory_space<semaphore_mem>>)
    %scan3A = arith.constant 0 : i32
    %scan3A_298 = arith.constant 2 : i32
    %scan3A_299 = arith.constant 121 : i32
    %scan3A_300 = arith.addi %scan3A_298, %scan3A_299 : i32
    %scan3A_301 = arith.constant 1 : i32
    %scan3A_302 = scf.for %scan3A_1100 = %scan3A_298 to %scan3A_300 step %scan3A_301 iter_args(%scan3A_1101 = %scan3A) -> (i32)  : i32 {
      %dma_wait3A_1102 = arith.constant 0 : i32
      %dma_wait3A_1103 = arith.constant 0 : i32
      %dma_wait3A_1104 = tpu.memref_slice %arg6[%dma_wait3A_1102, %dma_wait3A_1103] : memref<1400x64xf32, #tpu.memory_space<vmem>> -> memref<104x64xf32, #tpu.memory_space<vmem>>
      %dma_wait3A_1105 = arith.constant 0 : i32
      %dma_wait3A_1106 = arith.constant 0 : i32
      %dma_wait3A_1107 = tpu.memref_slice %arg3[%dma_wait3A_1105, %dma_wait3A_1106] : memref<100000x64xf32, #tpu.memory_space<hbm>> -> memref<104x64xf32, #tpu.memory_space<hbm>>
      %dma_wait3A_1108 = arith.constant 0 : i32
      %dma_wait3A_1109 = arith.constant 0 : i32
      %dma_wait3A_1110 = tpu.memref_slice %arg6[%dma_wait3A_1108, %dma_wait3A_1109] : memref<1400x64xf32, #tpu.memory_space<vmem>> -> memref<104x64xf32, #tpu.memory_space<vmem>>
      %dma_wait3A_1111 = arith.constant 0 : i32
      %dma_wait3A_1112 = arith.constant 0 : i32
      %dma_wait3A_1113 = tpu.memref_slice %arg3[%dma_wait3A_1111, %dma_wait3A_1112] : memref<100000x64xf32, #tpu.memory_space<hbm>> -> memref<104x64xf32, #tpu.memory_space<hbm>>
      tpu.wait_dma2 semaphore(%arg7 : memref<!tpu.dma_semaphore, #tpu.memory_space<semaphore_mem>>) src(%dma_wait3A_1113 : memref<104x64xf32, #tpu.memory_space<hbm>>) dst(%dma_wait3A_1110 : memref<104x64xf32, #tpu.memory_space<vmem>>)
      %dma_wait3A_1114 = arith.constant 0 : i32
      %dma_wait3A_1115 = arith.constant 0 : i32
      %dma_wait3A_1116 = tpu.memref_slice %arg6[%dma_wait3A_1114, %dma_wait3A_1115] : memref<1400x64xf32, #tpu.memory_space<vmem>> -> memref<96x64xf32, #tpu.memory_space<vmem>>
      %dma_wait3A_1117 = arith.constant 0 : i32
      %dma_wait3A_1118 = arith.constant 0 : i32
      %dma_wait3A_1119 = tpu.memref_slice %arg3[%dma_wait3A_1117, %dma_wait3A_1118] : memref<100000x64xf32, #tpu.memory_space<hbm>> -> memref<96x64xf32, #tpu.memory_space<hbm>>
      %dma_wait3A_1120 = arith.constant 0 : i32
      %dma_wait3A_1121 = arith.constant 0 : i32
      %dma_wait3A_1122 = tpu.memref_slice %arg6[%dma_wait3A_1120, %dma_wait3A_1121] : memref<1400x64xf32, #tpu.memory_space<vmem>> -> memref<96x64xf32, #tpu.memory_space<vmem>>
      %dma_wait3A_1123 = arith.constant 0 : i32
      %dma_wait3A_1124 = arith.constant 0 : i32
      %dma_wait3A_1125 = tpu.memref_slice %arg3[%dma_wait3A_1123, %dma_wait3A_1124] : memref<100000x64xf32, #tpu.memory_space<hbm>> -> memref<96x64xf32, #tpu.memory_space<hbm>>
      tpu.wait_dma2 semaphore(%arg7 : memref<!tpu.dma_semaphore, #tpu.memory_space<semaphore_mem>>) src(%dma_wait3A_1125 : memref<96x64xf32, #tpu.memory_space<hbm>>) dst(%dma_wait3A_1122 : memref<96x64xf32, #tpu.memory_space<vmem>>)
      %jit3A = arith.constant 7 : i32
      %eq3A = arith.constant 0 : i32
      %eq3A_1126 = arith.cmpi eq, %jit3A, %eq3A : i32
      %jit3A_1127 = arith.constant 1 : i32
      %select_n3A = arith.select %eq3A_1126, %jit3A_1127, %jit3A : i32
      %rem3A = arith.remsi %scan3A_1100, %select_n3A : i32
      %ne3A = arith.constant 0 : i32
      %ne3A_1128 = arith.cmpi ne, %rem3A, %ne3A : i32
      %lt3A = arith.constant 0 : i32
      %lt3A_1129 = arith.cmpi slt, %rem3A, %lt3A : i32
      %lt3A_1130 = arith.constant 0 : i32
      %lt3A_1131 = arith.cmpi slt, %select_n3A, %lt3A_1130 : i32
      %ne3A_1132 = arith.xori %lt3A_1129, %lt3A_1131 : i1
      %and3A = arith.andi %ne3A_1132, %ne3A_1128 : i1
      %add3A_1133 = arith.addi %rem3A, %select_n3A : i32
      %select_n3A_1134 = arith.select %and3A, %add3A_1133, %rem3A : i32
      %mul3A_1135 = arith.constant 200 : i32
      %mul3A_1136 = arith.muli %select_n3A_1134, %mul3A_1135 : i32
      %mul3A_1137 = arith.constant 4 : i32
      %mul3A_1138 = arith.muli %scan3A_1100, %mul3A_1137 : i32
      %add3A_1139 = arith.addi %mul3A_2, %mul3A_1138 : i32
      %add3A_1140 = arith.constant 0 : i32
      %add3A_1141 = arith.addi %add3A_1139, %add3A_1140 : i32
      %mul3A_1142 = arith.constant 56 : i32
      %mul3A_1143 = arith.muli %add3A_1141, %mul3A_1142 : i32
      %multiple_of3A_1144 = tpu.assume_multiple %mul3A_1143, 8 : i32
      %add3A_1145 = arith.constant 0 : i32
      %add3A_1146 = arith.addi %mul3A_1136, %add3A_1145 : i32
      %dma_start3A_1147 = arith.constant 0 : i32
      %dma_start3A_1148 = tpu.memref_slice %arg6[%add3A_1146, %dma_start3A_1147] : memref<1400x64xf32, #tpu.memory_space<vmem>> -> memref<50x64xf32, #tpu.memory_space<vmem>>
      %dma_start3A_1149 = arith.constant 0 : i32
      %dma_start3A_1150 = tpu.memref_slice %arg4[%multiple_of3A_1144, %dma_start3A_1149] : memref<917504x128xf32, #tpu.memory_space<hbm>> -> memref<50x64xf32, #tpu.memory_space<hbm>>
      %dma_start3A_1151 = arith.constant 0 : i32
      %dma_start3A_1152 = tpu.memref_slice %arg4[%multiple_of3A_1144, %dma_start3A_1151] : memref<917504x128xf32, #tpu.memory_space<hbm>> -> memref<50x64xf32, #tpu.memory_space<hbm>>
      %dma_start3A_1153 = arith.constant 0 : i32
      %dma_start3A_1154 = tpu.memref_slice %arg6[%add3A_1146, %dma_start3A_1153] : memref<1400x64xf32, #tpu.memory_space<vmem>> -> memref<50x64xf32, #tpu.memory_space<vmem>>
      tpu.enqueue_dma source(%dma_start3A_1154 : memref<50x64xf32, #tpu.memory_space<vmem>>) target(%dma_start3A_1152 : memref<50x64xf32, #tpu.memory_space<hbm>>) target_semaphore(%arg8 : memref<!tpu.dma_semaphore, #tpu.memory_space<semaphore_mem>>)
      %mul3A_1155 = arith.constant 4 : i32
      %mul3A_1156 = arith.muli %scan3A_1100, %mul3A_1155 : i32
      %add3A_1157 = arith.addi %mul3A_2, %mul3A_1156 : i32
      %add3A_1158 = arith.constant 1 : i32
      %add3A_1159 = arith.addi %add3A_1157, %add3A_1158 : i32
      %mul3A_1160 = arith.constant 56 : i32
      %mul3A_1161 = arith.muli %add3A_1159, %mul3A_1160 : i32
      %multiple_of3A_1162 = tpu.assume_multiple %mul3A_1161, 8 : i32
      %add3A_1163 = arith.constant 50 : i32
      %add3A_1164 = arith.addi %mul3A_1136, %add3A_1163 : i32
      %dma_start3A_1165 = arith.constant 0 : i32
      %dma_start3A_1166 = tpu.memref_slice %arg6[%add3A_1164, %dma_start3A_1165] : memref<1400x64xf32, #tpu.memory_space<vmem>> -> memref<50x64xf32, #tpu.memory_space<vmem>>
      %dma_start3A_1167 = arith.constant 0 : i32
      %dma_start3A_1168 = tpu.memref_slice %arg4[%multiple_of3A_1162, %dma_start3A_1167] : memref<917504x128xf32, #tpu.memory_space<hbm>> -> memref<50x64xf32, #tpu.memory_space<hbm>>
      %dma_start3A_1169 = arith.constant 0 : i32
      %dma_start3A_1170 = tpu.memref_slice %arg4[%multiple_of3A_1162, %dma_start3A_1169] : memref<917504x128xf32, #tpu.memory_space<hbm>> -> memref<50x64xf32, #tpu.memory_space<hbm>>
      %dma_start3A_1171 = arith.constant 0 : i32
      %dma_start3A_1172 = tpu.memref_slice %arg6[%add3A_1164, %dma_start3A_1171] : memref<1400x64xf32, #tpu.memory_space<vmem>> -> memref<50x64xf32, #tpu.memory_space<vmem>>
      tpu.enqueue_dma source(%dma_start3A_1172 : memref<50x64xf32, #tpu.memory_space<vmem>>) target(%dma_start3A_1170 : memref<50x64xf32, #tpu.memory_space<hbm>>) target_semaphore(%arg8 : memref<!tpu.dma_semaphore, #tpu.memory_space<semaphore_mem>>)
      %mul3A_1173 = arith.constant 4 : i32
      %mul3A_1174 = arith.muli %scan3A_1100, %mul3A_1173 : i32
      %add3A_1175 = arith.addi %mul3A_2, %mul3A_1174 : i32
      %add3A_1176 = arith.constant 2 : i32
      %add3A_1177 = arith.addi %add3A_1175, %add3A_1176 : i32
      %mul3A_1178 = arith.constant 56 : i32
      %mul3A_1179 = arith.muli %add3A_1177, %mul3A_1178 : i32
      %multiple_of3A_1180 = tpu.assume_multiple %mul3A_1179, 8 : i32
      %add3A_1181 = arith.constant 100 : i32
      %add3A_1182 = arith.addi %mul3A_1136, %add3A_1181 : i32
      %dma_start3A_1183 = arith.constant 0 : i32
      %dma_start3A_1184 = tpu.memref_slice %arg6[%add3A_1182, %dma_start3A_1183] : memref<1400x64xf32, #tpu.memory_space<vmem>> -> memref<50x64xf32, #tpu.memory_space<vmem>>
      %dma_start3A_1185 = arith.constant 0 : i32
      %dma_start3A_1186 = tpu.memref_slice %arg4[%multiple_of3A_1180, %dma_start3A_1185] : memref<917504x128xf32, #tpu.memory_space<hbm>> -> memref<50x64xf32, #tpu.memory_space<hbm>>
      %dma_start3A_1187 = arith.constant 0 : i32
      %dma_start3A_1188 = tpu.memref_slice %arg4[%multiple_of3A_1180, %dma_start3A_1187] : memref<917504x128xf32, #tpu.memory_space<hbm>> -> memref<50x64xf32, #tpu.memory_space<hbm>>
      %dma_start3A_1189 = arith.constant 0 : i32
      %dma_start3A_1190 = tpu.memref_slice %arg6[%add3A_1182, %dma_start3A_1189] : memref<1400x64xf32, #tpu.memory_space<vmem>> -> memref<50x64xf32, #tpu.memory_space<vmem>>
      tpu.enqueue_dma source(%dma_start3A_1190 : memref<50x64xf32, #tpu.memory_space<vmem>>) target(%dma_start3A_1188 : memref<50x64xf32, #tpu.memory_space<hbm>>) target_semaphore(%arg8 : memref<!tpu.dma_semaphore, #tpu.memory_space<semaphore_mem>>)
      %mul3A_1191 = arith.constant 4 : i32
      %mul3A_1192 = arith.muli %scan3A_1100, %mul3A_1191 : i32
      %add3A_1193 = arith.addi %mul3A_2, %mul3A_1192 : i32
      %add3A_1194 = arith.constant 3 : i32
      %add3A_1195 = arith.addi %add3A_1193, %add3A_1194 : i32
      %mul3A_1196 = arith.constant 56 : i32
      %mul3A_1197 = arith.muli %add3A_1195, %mul3A_1196 : i32
      %multiple_of3A_1198 = tpu.assume_multiple %mul3A_1197, 8 : i32
      %add3A_1199 = arith.constant 150 : i32
      %add3A_1200 = arith.addi %mul3A_1136, %add3A_1199 : i32
      %dma_start3A_1201 = arith.constant 0 : i32
      %dma_start3A_1202 = tpu.memref_slice %arg6[%add3A_1200, %dma_start3A_1201] : memref<1400x64xf32, #tpu.memory_space<vmem>> -> memref<50x64xf32, #tpu.memory_space<vmem>>
      %dma_start3A_1203 = arith.constant 0 : i32
      %dma_start3A_1204 = tpu.memref_slice %arg4[%multiple_of3A_1198, %dma_start3A_1203] : memref<917504x128xf32, #tpu.memory_space<hbm>> -> memref<50x64xf32, #tpu.memory_space<hbm>>
      %dma_start3A_1205 = arith.constant 0 : i32
      %dma_start3A_1206 = tpu.memref_slice %arg4[%multiple_of3A_1198, %dma_start3A_1205] : memref<917504x128xf32, #tpu.memory_space<hbm>> -> memref<50x64xf32, #tpu.memory_space<hbm>>
      %dma_start3A_1207 = arith.constant 0 : i32
      %dma_start3A_1208 = tpu.memref_slice %arg6[%add3A_1200, %dma_start3A_1207] : memref<1400x64xf32, #tpu.memory_space<vmem>> -> memref<50x64xf32, #tpu.memory_space<vmem>>
      tpu.enqueue_dma source(%dma_start3A_1208 : memref<50x64xf32, #tpu.memory_space<vmem>>) target(%dma_start3A_1206 : memref<50x64xf32, #tpu.memory_space<hbm>>) target_semaphore(%arg8 : memref<!tpu.dma_semaphore, #tpu.memory_space<semaphore_mem>>)
      %mul3A_1209 = arith.constant 56 : i32
      %mul3A_1210 = arith.muli %mul3A_2, %mul3A_1209 : i32
      %dma_wait3A_1211 = arith.constant 0 : i32
      %dma_wait3A_1212 = arith.constant 0 : i32
      %dma_wait3A_1213 = tpu.memref_slice %arg6[%dma_wait3A_1211, %dma_wait3A_1212] : memref<1400x64xf32, #tpu.memory_space<vmem>> -> memref<50x64xf32, #tpu.memory_space<vmem>>
      %dma_wait3A_1214 = arith.constant 0 : i32
      %dma_wait3A_1215 = tpu.memref_slice %arg4[%mul3A_1210, %dma_wait3A_1214] : memref<917504x128xf32, #tpu.memory_space<hbm>> -> memref<50x64xf32, #tpu.memory_space<hbm>>
      %dma_wait3A_1216 = arith.constant 0 : i32
      %dma_wait3A_1217 = arith.constant 0 : i32
      %dma_wait3A_1218 = tpu.memref_slice %arg6[%dma_wait3A_1216, %dma_wait3A_1217] : memref<1400x64xf32, #tpu.memory_space<vmem>> -> memref<50x64xf32, #tpu.memory_space<vmem>>
      %dma_wait3A_1219 = arith.constant 0 : i32
      %dma_wait3A_1220 = tpu.memref_slice %arg4[%mul3A_1210, %dma_wait3A_1219] : memref<917504x128xf32, #tpu.memory_space<hbm>> -> memref<50x64xf32, #tpu.memory_space<hbm>>
      tpu.wait_dma2 semaphore(%arg8 : memref<!tpu.dma_semaphore, #tpu.memory_space<semaphore_mem>>) src(%dma_wait3A_1220 : memref<50x64xf32, #tpu.memory_space<hbm>>) dst(%dma_wait3A_1218 : memref<50x64xf32, #tpu.memory_space<vmem>>)
      %mul3A_1221 = arith.constant 56 : i32
      %mul3A_1222 = arith.muli %mul3A_2, %mul3A_1221 : i32
      %dma_wait3A_1223 = arith.constant 0 : i32
      %dma_wait3A_1224 = arith.constant 0 : i32
      %dma_wait3A_1225 = tpu.memref_slice %arg6[%dma_wait3A_1223, %dma_wait3A_1224] : memref<1400x64xf32, #tpu.memory_space<vmem>> -> memref<50x64xf32, #tpu.memory_space<vmem>>
      %dma_wait3A_1226 = arith.constant 0 : i32
      %dma_wait3A_1227 = tpu.memref_slice %arg4[%mul3A_1222, %dma_wait3A_1226] : memref<917504x128xf32, #tpu.memory_space<hbm>> -> memref<50x64xf32, #tpu.memory_space<hbm>>
      %dma_wait3A_1228 = arith.constant 0 : i32
      %dma_wait3A_1229 = arith.constant 0 : i32
      %dma_wait3A_1230 = tpu.memref_slice %arg6[%dma_wait3A_1228, %dma_wait3A_1229] : memref<1400x64xf32, #tpu.memory_space<vmem>> -> memref<50x64xf32, #tpu.memory_space<vmem>>
      %dma_wait3A_1231 = arith.constant 0 : i32
      %dma_wait3A_1232 = tpu.memref_slice %arg4[%mul3A_1222, %dma_wait3A_1231] : memref<917504x128xf32, #tpu.memory_space<hbm>> -> memref<50x64xf32, #tpu.memory_space<hbm>>
      tpu.wait_dma2 semaphore(%arg8 : memref<!tpu.dma_semaphore, #tpu.memory_space<semaphore_mem>>) src(%dma_wait3A_1232 : memref<50x64xf32, #tpu.memory_space<hbm>>) dst(%dma_wait3A_1230 : memref<50x64xf32, #tpu.memory_space<vmem>>)
      %mul3A_1233 = arith.constant 56 : i32
      %mul3A_1234 = arith.muli %mul3A_2, %mul3A_1233 : i32
      %dma_wait3A_1235 = arith.constant 0 : i32
      %dma_wait3A_1236 = arith.constant 0 : i32
      %dma_wait3A_1237 = tpu.memref_slice %arg6[%dma_wait3A_1235, %dma_wait3A_1236] : memref<1400x64xf32, #tpu.memory_space<vmem>> -> memref<50x64xf32, #tpu.memory_space<vmem>>
      %dma_wait3A_1238 = arith.constant 0 : i32
      %dma_wait3A_1239 = tpu.memref_slice %arg4[%mul3A_1234, %dma_wait3A_1238] : memref<917504x128xf32, #tpu.memory_space<hbm>> -> memref<50x64xf32, #tpu.memory_space<hbm>>
      %dma_wait3A_1240 = arith.constant 0 : i32
      %dma_wait3A_1241 = arith.constant 0 : i32
      %dma_wait3A_1242 = tpu.memref_slice %arg6[%dma_wait3A_1240, %dma_wait3A_1241] : memref<1400x64xf32, #tpu.memory_space<vmem>> -> memref<50x64xf32, #tpu.memory_space<vmem>>
      %dma_wait3A_1243 = arith.constant 0 : i32
      %dma_wait3A_1244 = tpu.memref_slice %arg4[%mul3A_1234, %dma_wait3A_1243] : memref<917504x128xf32, #tpu.memory_space<hbm>> -> memref<50x64xf32, #tpu.memory_space<hbm>>
      tpu.wait_dma2 semaphore(%arg8 : memref<!tpu.dma_semaphore, #tpu.memory_space<semaphore_mem>>) src(%dma_wait3A_1244 : memref<50x64xf32, #tpu.memory_space<hbm>>) dst(%dma_wait3A_1242 : memref<50x64xf32, #tpu.memory_space<vmem>>)
      %mul3A_1245 = arith.constant 56 : i32
      %mul3A_1246 = arith.muli %mul3A_2, %mul3A_1245 : i32
      %dma_wait3A_1247 = arith.constant 0 : i32
      %dma_wait3A_1248 = arith.constant 0 : i32
      %dma_wait3A_1249 = tpu.memref_slice %arg6[%dma_wait3A_1247, %dma_wait3A_1248] : memref<1400x64xf32, #tpu.memory_space<vmem>> -> memref<50x64xf32, #tpu.memory_space<vmem>>
      %dma_wait3A_1250 = arith.constant 0 : i32
      %dma_wait3A_1251 = tpu.memref_slice %arg4[%mul3A_1246, %dma_wait3A_1250] : memref<917504x128xf32, #tpu.memory_space<hbm>> -> memref<50x64xf32, #tpu.memory_space<hbm>>
      %dma_wait3A_1252 = arith.constant 0 : i32
      %dma_wait3A_1253 = arith.constant 0 : i32
      %dma_wait3A_1254 = tpu.memref_slice %arg6[%dma_wait3A_1252, %dma_wait3A_1253] : memref<1400x64xf32, #tpu.memory_space<vmem>> -> memref<50x64xf32, #tpu.memory_space<vmem>>
      %dma_wait3A_1255 = arith.constant 0 : i32
      %dma_wait3A_1256 = tpu.memref_slice %arg4[%mul3A_1246, %dma_wait3A_1255] : memref<917504x128xf32, #tpu.memory_space<hbm>> -> memref<50x64xf32, #tpu.memory_space<hbm>>
      tpu.wait_dma2 semaphore(%arg8 : memref<!tpu.dma_semaphore, #tpu.memory_space<semaphore_mem>>) src(%dma_wait3A_1256 : memref<50x64xf32, #tpu.memory_space<hbm>>) dst(%dma_wait3A_1254 : memref<50x64xf32, #tpu.memory_space<vmem>>)
      %add3A_1257 = arith.constant 5 : i32
      %add3A_1258 = arith.addi %scan3A_1100, %add3A_1257 : i32
      %jit3A_1259 = arith.constant 7 : i32
      %eq3A_1260 = arith.constant 0 : i32
      %eq3A_1261 = arith.cmpi eq, %jit3A_1259, %eq3A_1260 : i32
      %jit3A_1262 = arith.constant 1 : i32
      %select_n3A_1263 = arith.select %eq3A_1261, %jit3A_1262, %jit3A_1259 : i32
      %rem3A_1264 = arith.remsi %add3A_1258, %select_n3A_1263 : i32
      %ne3A_1265 = arith.constant 0 : i32
      %ne3A_1266 = arith.cmpi ne, %rem3A_1264, %ne3A_1265 : i32
      %lt3A_1267 = arith.constant 0 : i32
      %lt3A_1268 = arith.cmpi slt, %rem3A_1264, %lt3A_1267 : i32
      %lt3A_1269 = arith.constant 0 : i32
      %lt3A_1270 = arith.cmpi slt, %select_n3A_1263, %lt3A_1269 : i32
      %ne3A_1271 = arith.xori %lt3A_1268, %lt3A_1270 : i1
      %and3A_1272 = arith.andi %ne3A_1271, %ne3A_1266 : i1
      %add3A_1273 = arith.addi %rem3A_1264, %select_n3A_1263 : i32
      %select_n3A_1274 = arith.select %and3A_1272, %add3A_1273, %rem3A_1264 : i32
      %mul3A_1275 = arith.constant 200 : i32
      %mul3A_1276 = arith.muli %select_n3A_1274, %mul3A_1275 : i32
      %mul3A_1277 = arith.constant 200 : i32
      %mul3A_1278 = arith.muli %add3A_1258, %mul3A_1277 : i32
      %dma_start3A_1279 = arith.constant 0 : i32
      %dma_start3A_1280 = tpu.memref_slice %arg6[%mul3A_1276, %dma_start3A_1279] : memref<1400x64xf32, #tpu.memory_space<vmem>> -> memref<104x64xf32, #tpu.memory_space<vmem>>
      %dma_start3A_1281 = tpu.memref_slice %arg5[%mul3A_1278] : memref<25600xi32, #tpu.memory_space<vmem>> -> memref<104xi32, #tpu.memory_space<vmem>>
      %dma_start3A_1282 = arith.constant 0 : i32
      %dma_start3A_1283 = arith.constant 0 : i32
      %dma_start3A_1284 = tpu.memref_slice %arg3[%dma_start3A_1282, %dma_start3A_1283] : memref<100000x64xf32, #tpu.memory_space<hbm>> -> memref<100000x64xf32, #tpu.memory_space<hbm>>
      tpu.enqueue_indirect_dma source(%dma_start3A_1284 : memref<100000x64xf32, #tpu.memory_space<hbm>>) target(%dma_start3A_1280 : memref<104x64xf32, #tpu.memory_space<vmem>>) offsets(%dma_start3A_1281 : memref<104xi32, #tpu.memory_space<vmem>>) semaphore(%arg7 : memref<!tpu.dma_semaphore, #tpu.memory_space<semaphore_mem>>)
      %mul3A_1285 = arith.constant 200 : i32
      %mul3A_1286 = arith.muli %add3A_1258, %mul3A_1285 : i32
      %add3A_1287 = arith.constant 104 : i32
      %add3A_1288 = arith.addi %mul3A_1286, %add3A_1287 : i32
      %add3A_1289 = arith.constant 104 : i32
      %add3A_1290 = arith.addi %mul3A_1276, %add3A_1289 : i32
      %dma_start3A_1291 = arith.constant 0 : i32
      %dma_start3A_1292 = tpu.memref_slice %arg6[%add3A_1290, %dma_start3A_1291] : memref<1400x64xf32, #tpu.memory_space<vmem>> -> memref<96x64xf32, #tpu.memory_space<vmem>>
      %dma_start3A_1293 = tpu.memref_slice %arg5[%add3A_1288] : memref<25600xi32, #tpu.memory_space<vmem>> -> memref<96xi32, #tpu.memory_space<vmem>>
      %dma_start3A_1294 = arith.constant 0 : i32
      %dma_start3A_1295 = arith.constant 0 : i32
      %dma_start3A_1296 = tpu.memref_slice %arg3[%dma_start3A_1294, %dma_start3A_1295] : memref<100000x64xf32, #tpu.memory_space<hbm>> -> memref<100000x64xf32, #tpu.memory_space<hbm>>
      tpu.enqueue_indirect_dma source(%dma_start3A_1296 : memref<100000x64xf32, #tpu.memory_space<hbm>>) target(%dma_start3A_1292 : memref<96x64xf32, #tpu.memory_space<vmem>>) offsets(%dma_start3A_1293 : memref<96xi32, #tpu.memory_space<vmem>>) semaphore(%arg7 : memref<!tpu.dma_semaphore, #tpu.memory_space<semaphore_mem>>)
      %scan3A_1297 = arith.constant 0 : i32
      scf.yield %scan3A_1297 : i32
    }
    %scan3A_303 = arith.constant 121 : i32
    %dma_wait3A_304 = arith.constant 0 : i32
    %dma_wait3A_305 = arith.constant 0 : i32
    %dma_wait3A_306 = tpu.memref_slice %arg6[%dma_wait3A_304, %dma_wait3A_305] : memref<1400x64xf32, #tpu.memory_space<vmem>> -> memref<104x64xf32, #tpu.memory_space<vmem>>
    %dma_wait3A_307 = arith.constant 0 : i32
    %dma_wait3A_308 = arith.constant 0 : i32
    %dma_wait3A_309 = tpu.memref_slice %arg3[%dma_wait3A_307, %dma_wait3A_308] : memref<100000x64xf32, #tpu.memory_space<hbm>> -> memref<104x64xf32, #tpu.memory_space<hbm>>
    %dma_wait3A_310 = arith.constant 0 : i32
    %dma_wait3A_311 = arith.constant 0 : i32
    %dma_wait3A_312 = tpu.memref_slice %arg6[%dma_wait3A_310, %dma_wait3A_311] : memref<1400x64xf32, #tpu.memory_space<vmem>> -> memref<104x64xf32, #tpu.memory_space<vmem>>
    %dma_wait3A_313 = arith.constant 0 : i32
    %dma_wait3A_314 = arith.constant 0 : i32
    %dma_wait3A_315 = tpu.memref_slice %arg3[%dma_wait3A_313, %dma_wait3A_314] : memref<100000x64xf32, #tpu.memory_space<hbm>> -> memref<104x64xf32, #tpu.memory_space<hbm>>
    tpu.wait_dma2 semaphore(%arg7 : memref<!tpu.dma_semaphore, #tpu.memory_space<semaphore_mem>>) src(%dma_wait3A_315 : memref<104x64xf32, #tpu.memory_space<hbm>>) dst(%dma_wait3A_312 : memref<104x64xf32, #tpu.memory_space<vmem>>)
    %dma_wait3A_316 = arith.constant 0 : i32
    %dma_wait3A_317 = arith.constant 0 : i32
    %dma_wait3A_318 = tpu.memref_slice %arg6[%dma_wait3A_316, %dma_wait3A_317] : memref<1400x64xf32, #tpu.memory_space<vmem>> -> memref<96x64xf32, #tpu.memory_space<vmem>>
    %dma_wait3A_319 = arith.constant 0 : i32
    %dma_wait3A_320 = arith.constant 0 : i32
    %dma_wait3A_321 = tpu.memref_slice %arg3[%dma_wait3A_319, %dma_wait3A_320] : memref<100000x64xf32, #tpu.memory_space<hbm>> -> memref<96x64xf32, #tpu.memory_space<hbm>>
    %dma_wait3A_322 = arith.constant 0 : i32
    %dma_wait3A_323 = arith.constant 0 : i32
    %dma_wait3A_324 = tpu.memref_slice %arg6[%dma_wait3A_322, %dma_wait3A_323] : memref<1400x64xf32, #tpu.memory_space<vmem>> -> memref<96x64xf32, #tpu.memory_space<vmem>>
    %dma_wait3A_325 = arith.constant 0 : i32
    %dma_wait3A_326 = arith.constant 0 : i32
    %dma_wait3A_327 = tpu.memref_slice %arg3[%dma_wait3A_325, %dma_wait3A_326] : memref<100000x64xf32, #tpu.memory_space<hbm>> -> memref<96x64xf32, #tpu.memory_space<hbm>>
    tpu.wait_dma2 semaphore(%arg7 : memref<!tpu.dma_semaphore, #tpu.memory_space<semaphore_mem>>) src(%dma_wait3A_327 : memref<96x64xf32, #tpu.memory_space<hbm>>) dst(%dma_wait3A_324 : memref<96x64xf32, #tpu.memory_space<vmem>>)
    %add3A_328 = arith.constant 492 : i32
    %add3A_329 = arith.addi %mul3A_2, %add3A_328 : i32
    %add3A_330 = arith.constant 0 : i32
    %add3A_331 = arith.addi %add3A_329, %add3A_330 : i32
    %mul3A_332 = arith.constant 56 : i32
    %mul3A_333 = arith.muli %add3A_331, %mul3A_332 : i32
    %multiple_of3A_334 = tpu.assume_multiple %mul3A_333, 8 : i32
    %dma_start3A_335 = arith.constant 800 : i32
    %dma_start3A_336 = arith.constant 0 : i32
    %dma_start3A_337 = tpu.memref_slice %arg6[%dma_start3A_335, %dma_start3A_336] : memref<1400x64xf32, #tpu.memory_space<vmem>> -> memref<50x64xf32, #tpu.memory_space<vmem>>
    %dma_start3A_338 = arith.constant 0 : i32
    %dma_start3A_339 = tpu.memref_slice %arg4[%multiple_of3A_334, %dma_start3A_338] : memref<917504x128xf32, #tpu.memory_space<hbm>> -> memref<50x64xf32, #tpu.memory_space<hbm>>
    %dma_start3A_340 = arith.constant 0 : i32
    %dma_start3A_341 = tpu.memref_slice %arg4[%multiple_of3A_334, %dma_start3A_340] : memref<917504x128xf32, #tpu.memory_space<hbm>> -> memref<50x64xf32, #tpu.memory_space<hbm>>
    %dma_start3A_342 = arith.constant 800 : i32
    %dma_start3A_343 = arith.constant 0 : i32
    %dma_start3A_344 = tpu.memref_slice %arg6[%dma_start3A_342, %dma_start3A_343] : memref<1400x64xf32, #tpu.memory_space<vmem>> -> memref<50x64xf32, #tpu.memory_space<vmem>>
    tpu.enqueue_dma source(%dma_start3A_344 : memref<50x64xf32, #tpu.memory_space<vmem>>) target(%dma_start3A_341 : memref<50x64xf32, #tpu.memory_space<hbm>>) target_semaphore(%arg8 : memref<!tpu.dma_semaphore, #tpu.memory_space<semaphore_mem>>)
    %add3A_345 = arith.constant 492 : i32
    %add3A_346 = arith.addi %mul3A_2, %add3A_345 : i32
    %add3A_347 = arith.constant 1 : i32
    %add3A_348 = arith.addi %add3A_346, %add3A_347 : i32
    %mul3A_349 = arith.constant 56 : i32
    %mul3A_350 = arith.muli %add3A_348, %mul3A_349 : i32
    %multiple_of3A_351 = tpu.assume_multiple %mul3A_350, 8 : i32
    %dma_start3A_352 = arith.constant 850 : i32
    %dma_start3A_353 = arith.constant 0 : i32
    %dma_start3A_354 = tpu.memref_slice %arg6[%dma_start3A_352, %dma_start3A_353] : memref<1400x64xf32, #tpu.memory_space<vmem>> -> memref<50x64xf32, #tpu.memory_space<vmem>>
    %dma_start3A_355 = arith.constant 0 : i32
    %dma_start3A_356 = tpu.memref_slice %arg4[%multiple_of3A_351, %dma_start3A_355] : memref<917504x128xf32, #tpu.memory_space<hbm>> -> memref<50x64xf32, #tpu.memory_space<hbm>>
    %dma_start3A_357 = arith.constant 0 : i32
    %dma_start3A_358 = tpu.memref_slice %arg4[%multiple_of3A_351, %dma_start3A_357] : memref<917504x128xf32, #tpu.memory_space<hbm>> -> memref<50x64xf32, #tpu.memory_space<hbm>>
    %dma_start3A_359 = arith.constant 850 : i32
    %dma_start3A_360 = arith.constant 0 : i32
    %dma_start3A_361 = tpu.memref_slice %arg6[%dma_start3A_359, %dma_start3A_360] : memref<1400x64xf32, #tpu.memory_space<vmem>> -> memref<50x64xf32, #tpu.memory_space<vmem>>
    tpu.enqueue_dma source(%dma_start3A_361 : memref<50x64xf32, #tpu.memory_space<vmem>>) target(%dma_start3A_358 : memref<50x64xf32, #tpu.memory_space<hbm>>) target_semaphore(%arg8 : memref<!tpu.dma_semaphore, #tpu.memory_space<semaphore_mem>>)
    %add3A_362 = arith.constant 492 : i32
    %add3A_363 = arith.addi %mul3A_2, %add3A_362 : i32
    %add3A_364 = arith.constant 2 : i32
    %add3A_365 = arith.addi %add3A_363, %add3A_364 : i32
    %mul3A_366 = arith.constant 56 : i32
    %mul3A_367 = arith.muli %add3A_365, %mul3A_366 : i32
    %multiple_of3A_368 = tpu.assume_multiple %mul3A_367, 8 : i32
    %dma_start3A_369 = arith.constant 900 : i32
    %dma_start3A_370 = arith.constant 0 : i32
    %dma_start3A_371 = tpu.memref_slice %arg6[%dma_start3A_369, %dma_start3A_370] : memref<1400x64xf32, #tpu.memory_space<vmem>> -> memref<50x64xf32, #tpu.memory_space<vmem>>
    %dma_start3A_372 = arith.constant 0 : i32
    %dma_start3A_373 = tpu.memref_slice %arg4[%multiple_of3A_368, %dma_start3A_372] : memref<917504x128xf32, #tpu.memory_space<hbm>> -> memref<50x64xf32, #tpu.memory_space<hbm>>
    %dma_start3A_374 = arith.constant 0 : i32
    %dma_start3A_375 = tpu.memref_slice %arg4[%multiple_of3A_368, %dma_start3A_374] : memref<917504x128xf32, #tpu.memory_space<hbm>> -> memref<50x64xf32, #tpu.memory_space<hbm>>
    %dma_start3A_376 = arith.constant 900 : i32
    %dma_start3A_377 = arith.constant 0 : i32
    %dma_start3A_378 = tpu.memref_slice %arg6[%dma_start3A_376, %dma_start3A_377] : memref<1400x64xf32, #tpu.memory_space<vmem>> -> memref<50x64xf32, #tpu.memory_space<vmem>>
    tpu.enqueue_dma source(%dma_start3A_378 : memref<50x64xf32, #tpu.memory_space<vmem>>) target(%dma_start3A_375 : memref<50x64xf32, #tpu.memory_space<hbm>>) target_semaphore(%arg8 : memref<!tpu.dma_semaphore, #tpu.memory_space<semaphore_mem>>)
    %add3A_379 = arith.constant 492 : i32
    %add3A_380 = arith.addi %mul3A_2, %add3A_379 : i32
    %add3A_381 = arith.constant 3 : i32
    %add3A_382 = arith.addi %add3A_380, %add3A_381 : i32
    %mul3A_383 = arith.constant 56 : i32
    %mul3A_384 = arith.muli %add3A_382, %mul3A_383 : i32
    %multiple_of3A_385 = tpu.assume_multiple %mul3A_384, 8 : i32
    %dma_start3A_386 = arith.constant 950 : i32
    %dma_start3A_387 = arith.constant 0 : i32
    %dma_start3A_388 = tpu.memref_slice %arg6[%dma_start3A_386, %dma_start3A_387] : memref<1400x64xf32, #tpu.memory_space<vmem>> -> memref<50x64xf32, #tpu.memory_space<vmem>>
    %dma_start3A_389 = arith.constant 0 : i32
    %dma_start3A_390 = tpu.memref_slice %arg4[%multiple_of3A_385, %dma_start3A_389] : memref<917504x128xf32, #tpu.memory_space<hbm>> -> memref<50x64xf32, #tpu.memory_space<hbm>>
    %dma_start3A_391 = arith.constant 0 : i32
    %dma_start3A_392 = tpu.memref_slice %arg4[%multiple_of3A_385, %dma_start3A_391] : memref<917504x128xf32, #tpu.memory_space<hbm>> -> memref<50x64xf32, #tpu.memory_space<hbm>>
    %dma_start3A_393 = arith.constant 950 : i32
    %dma_start3A_394 = arith.constant 0 : i32
    %dma_start3A_395 = tpu.memref_slice %arg6[%dma_start3A_393, %dma_start3A_394] : memref<1400x64xf32, #tpu.memory_space<vmem>> -> memref<50x64xf32, #tpu.memory_space<vmem>>
    tpu.enqueue_dma source(%dma_start3A_395 : memref<50x64xf32, #tpu.memory_space<vmem>>) target(%dma_start3A_392 : memref<50x64xf32, #tpu.memory_space<hbm>>) target_semaphore(%arg8 : memref<!tpu.dma_semaphore, #tpu.memory_space<semaphore_mem>>)
    %mul3A_396 = arith.constant 56 : i32
    %mul3A_397 = arith.muli %mul3A_2, %mul3A_396 : i32
    %dma_wait3A_398 = arith.constant 0 : i32
    %dma_wait3A_399 = arith.constant 0 : i32
    %dma_wait3A_400 = tpu.memref_slice %arg6[%dma_wait3A_398, %dma_wait3A_399] : memref<1400x64xf32, #tpu.memory_space<vmem>> -> memref<50x64xf32, #tpu.memory_space<vmem>>
    %dma_wait3A_401 = arith.constant 0 : i32
    %dma_wait3A_402 = tpu.memref_slice %arg4[%mul3A_397, %dma_wait3A_401] : memref<917504x128xf32, #tpu.memory_space<hbm>> -> memref<50x64xf32, #tpu.memory_space<hbm>>
    %dma_wait3A_403 = arith.constant 0 : i32
    %dma_wait3A_404 = arith.constant 0 : i32
    %dma_wait3A_405 = tpu.memref_slice %arg6[%dma_wait3A_403, %dma_wait3A_404] : memref<1400x64xf32, #tpu.memory_space<vmem>> -> memref<50x64xf32, #tpu.memory_space<vmem>>
    %dma_wait3A_406 = arith.constant 0 : i32
    %dma_wait3A_407 = tpu.memref_slice %arg4[%mul3A_397, %dma_wait3A_406] : memref<917504x128xf32, #tpu.memory_space<hbm>> -> memref<50x64xf32, #tpu.memory_space<hbm>>
    tpu.wait_dma2 semaphore(%arg8 : memref<!tpu.dma_semaphore, #tpu.memory_space<semaphore_mem>>) src(%dma_wait3A_407 : memref<50x64xf32, #tpu.memory_space<hbm>>) dst(%dma_wait3A_405 : memref<50x64xf32, #tpu.memory_space<vmem>>)
    %mul3A_408 = arith.constant 56 : i32
    %mul3A_409 = arith.muli %mul3A_2, %mul3A_408 : i32
    %dma_wait3A_410 = arith.constant 0 : i32
    %dma_wait3A_411 = arith.constant 0 : i32
    %dma_wait3A_412 = tpu.memref_slice %arg6[%dma_wait3A_410, %dma_wait3A_411] : memref<1400x64xf32, #tpu.memory_space<vmem>> -> memref<50x64xf32, #tpu.memory_space<vmem>>
    %dma_wait3A_413 = arith.constant 0 : i32
    %dma_wait3A_414 = tpu.memref_slice %arg4[%mul3A_409, %dma_wait3A_413] : memref<917504x128xf32, #tpu.memory_space<hbm>> -> memref<50x64xf32, #tpu.memory_space<hbm>>
    %dma_wait3A_415 = arith.constant 0 : i32
    %dma_wait3A_416 = arith.constant 0 : i32
    %dma_wait3A_417 = tpu.memref_slice %arg6[%dma_wait3A_415, %dma_wait3A_416] : memref<1400x64xf32, #tpu.memory_space<vmem>> -> memref<50x64xf32, #tpu.memory_space<vmem>>
    %dma_wait3A_418 = arith.constant 0 : i32
    %dma_wait3A_419 = tpu.memref_slice %arg4[%mul3A_409, %dma_wait3A_418] : memref<917504x128xf32, #tpu.memory_space<hbm>> -> memref<50x64xf32, #tpu.memory_space<hbm>>
    tpu.wait_dma2 semaphore(%arg8 : memref<!tpu.dma_semaphore, #tpu.memory_space<semaphore_mem>>) src(%dma_wait3A_419 : memref<50x64xf32, #tpu.memory_space<hbm>>) dst(%dma_wait3A_417 : memref<50x64xf32, #tpu.memory_space<vmem>>)
    %mul3A_420 = arith.constant 56 : i32
    %mul3A_421 = arith.muli %mul3A_2, %mul3A_420 : i32
    %dma_wait3A_422 = arith.constant 0 : i32
    %dma_wait3A_423 = arith.constant 0 : i32
    %dma_wait3A_424 = tpu.memref_slice %arg6[%dma_wait3A_422, %dma_wait3A_423] : memref<1400x64xf32, #tpu.memory_space<vmem>> -> memref<50x64xf32, #tpu.memory_space<vmem>>
    %dma_wait3A_425 = arith.constant 0 : i32
    %dma_wait3A_426 = tpu.memref_slice %arg4[%mul3A_421, %dma_wait3A_425] : memref<917504x128xf32, #tpu.memory_space<hbm>> -> memref<50x64xf32, #tpu.memory_space<hbm>>
    %dma_wait3A_427 = arith.constant 0 : i32
    %dma_wait3A_428 = arith.constant 0 : i32
    %dma_wait3A_429 = tpu.memref_slice %arg6[%dma_wait3A_427, %dma_wait3A_428] : memref<1400x64xf32, #tpu.memory_space<vmem>> -> memref<50x64xf32, #tpu.memory_space<vmem>>
    %dma_wait3A_430 = arith.constant 0 : i32
    %dma_wait3A_431 = tpu.memref_slice %arg4[%mul3A_421, %dma_wait3A_430] : memref<917504x128xf32, #tpu.memory_space<hbm>> -> memref<50x64xf32, #tpu.memory_space<hbm>>
    tpu.wait_dma2 semaphore(%arg8 : memref<!tpu.dma_semaphore, #tpu.memory_space<semaphore_mem>>) src(%dma_wait3A_431 : memref<50x64xf32, #tpu.memory_space<hbm>>) dst(%dma_wait3A_429 : memref<50x64xf32, #tpu.memory_space<vmem>>)
    %mul3A_432 = arith.constant 56 : i32
    %mul3A_433 = arith.muli %mul3A_2, %mul3A_432 : i32
    %dma_wait3A_434 = arith.constant 0 : i32
    %dma_wait3A_435 = arith.constant 0 : i32
    %dma_wait3A_436 = tpu.memref_slice %arg6[%dma_wait3A_434, %dma_wait3A_435] : memref<1400x64xf32, #tpu.memory_space<vmem>> -> memref<50x64xf32, #tpu.memory_space<vmem>>
    %dma_wait3A_437 = arith.constant 0 : i32
    %dma_wait3A_438 = tpu.memref_slice %arg4[%mul3A_433, %dma_wait3A_437] : memref<917504x128xf32, #tpu.memory_space<hbm>> -> memref<50x64xf32, #tpu.memory_space<hbm>>
    %dma_wait3A_439 = arith.constant 0 : i32
    %dma_wait3A_440 = arith.constant 0 : i32
    %dma_wait3A_441 = tpu.memref_slice %arg6[%dma_wait3A_439, %dma_wait3A_440] : memref<1400x64xf32, #tpu.memory_space<vmem>> -> memref<50x64xf32, #tpu.memory_space<vmem>>
    %dma_wait3A_442 = arith.constant 0 : i32
    %dma_wait3A_443 = tpu.memref_slice %arg4[%mul3A_433, %dma_wait3A_442] : memref<917504x128xf32, #tpu.memory_space<hbm>> -> memref<50x64xf32, #tpu.memory_space<hbm>>
    tpu.wait_dma2 semaphore(%arg8 : memref<!tpu.dma_semaphore, #tpu.memory_space<semaphore_mem>>) src(%dma_wait3A_443 : memref<50x64xf32, #tpu.memory_space<hbm>>) dst(%dma_wait3A_441 : memref<50x64xf32, #tpu.memory_space<vmem>>)
    %dma_wait3A_444 = arith.constant 0 : i32
    %dma_wait3A_445 = arith.constant 0 : i32
    %dma_wait3A_446 = tpu.memref_slice %arg6[%dma_wait3A_444, %dma_wait3A_445] : memref<1400x64xf32, #tpu.memory_space<vmem>> -> memref<104x64xf32, #tpu.memory_space<vmem>>
    %dma_wait3A_447 = arith.constant 0 : i32
    %dma_wait3A_448 = arith.constant 0 : i32
    %dma_wait3A_449 = tpu.memref_slice %arg3[%dma_wait3A_447, %dma_wait3A_448] : memref<100000x64xf32, #tpu.memory_space<hbm>> -> memref<104x64xf32, #tpu.memory_space<hbm>>
    %dma_wait3A_450 = arith.constant 0 : i32
    %dma_wait3A_451 = arith.constant 0 : i32
    %dma_wait3A_452 = tpu.memref_slice %arg6[%dma_wait3A_450, %dma_wait3A_451] : memref<1400x64xf32, #tpu.memory_space<vmem>> -> memref<104x64xf32, #tpu.memory_space<vmem>>
    %dma_wait3A_453 = arith.constant 0 : i32
    %dma_wait3A_454 = arith.constant 0 : i32
    %dma_wait3A_455 = tpu.memref_slice %arg3[%dma_wait3A_453, %dma_wait3A_454] : memref<100000x64xf32, #tpu.memory_space<hbm>> -> memref<104x64xf32, #tpu.memory_space<hbm>>
    tpu.wait_dma2 semaphore(%arg7 : memref<!tpu.dma_semaphore, #tpu.memory_space<semaphore_mem>>) src(%dma_wait3A_455 : memref<104x64xf32, #tpu.memory_space<hbm>>) dst(%dma_wait3A_452 : memref<104x64xf32, #tpu.memory_space<vmem>>)
    %dma_wait3A_456 = arith.constant 0 : i32
    %dma_wait3A_457 = arith.constant 0 : i32
    %dma_wait3A_458 = tpu.memref_slice %arg6[%dma_wait3A_456, %dma_wait3A_457] : memref<1400x64xf32, #tpu.memory_space<vmem>> -> memref<96x64xf32, #tpu.memory_space<vmem>>
    %dma_wait3A_459 = arith.constant 0 : i32
    %dma_wait3A_460 = arith.constant 0 : i32
    %dma_wait3A_461 = tpu.memref_slice %arg3[%dma_wait3A_459, %dma_wait3A_460] : memref<100000x64xf32, #tpu.memory_space<hbm>> -> memref<96x64xf32, #tpu.memory_space<hbm>>
    %dma_wait3A_462 = arith.constant 0 : i32
    %dma_wait3A_463 = arith.constant 0 : i32
    %dma_wait3A_464 = tpu.memref_slice %arg6[%dma_wait3A_462, %dma_wait3A_463] : memref<1400x64xf32, #tpu.memory_space<vmem>> -> memref<96x64xf32, #tpu.memory_space<vmem>>
    %dma_wait3A_465 = arith.constant 0 : i32
    %dma_wait3A_466 = arith.constant 0 : i32
    %dma_wait3A_467 = tpu.memref_slice %arg3[%dma_wait3A_465, %dma_wait3A_466] : memref<100000x64xf32, #tpu.memory_space<hbm>> -> memref<96x64xf32, #tpu.memory_space<hbm>>
    tpu.wait_dma2 semaphore(%arg7 : memref<!tpu.dma_semaphore, #tpu.memory_space<semaphore_mem>>) src(%dma_wait3A_467 : memref<96x64xf32, #tpu.memory_space<hbm>>) dst(%dma_wait3A_464 : memref<96x64xf32, #tpu.memory_space<vmem>>)
    %add3A_468 = arith.constant 496 : i32
    %add3A_469 = arith.addi %mul3A_2, %add3A_468 : i32
    %add3A_470 = arith.constant 0 : i32
    %add3A_471 = arith.addi %add3A_469, %add3A_470 : i32
    %mul3A_472 = arith.constant 56 : i32
    %mul3A_473 = arith.muli %add3A_471, %mul3A_472 : i32
    %multiple_of3A_474 = tpu.assume_multiple %mul3A_473, 8 : i32
    %dma_start3A_475 = arith.constant 1000 : i32
    %dma_start3A_476 = arith.constant 0 : i32
    %dma_start3A_477 = tpu.memref_slice %arg6[%dma_start3A_475, %dma_start3A_476] : memref<1400x64xf32, #tpu.memory_space<vmem>> -> memref<50x64xf32, #tpu.memory_space<vmem>>
    %dma_start3A_478 = arith.constant 0 : i32
    %dma_start3A_479 = tpu.memref_slice %arg4[%multiple_of3A_474, %dma_start3A_478] : memref<917504x128xf32, #tpu.memory_space<hbm>> -> memref<50x64xf32, #tpu.memory_space<hbm>>
    %dma_start3A_480 = arith.constant 0 : i32
    %dma_start3A_481 = tpu.memref_slice %arg4[%multiple_of3A_474, %dma_start3A_480] : memref<917504x128xf32, #tpu.memory_space<hbm>> -> memref<50x64xf32, #tpu.memory_space<hbm>>
    %dma_start3A_482 = arith.constant 1000 : i32
    %dma_start3A_483 = arith.constant 0 : i32
    %dma_start3A_484 = tpu.memref_slice %arg6[%dma_start3A_482, %dma_start3A_483] : memref<1400x64xf32, #tpu.memory_space<vmem>> -> memref<50x64xf32, #tpu.memory_space<vmem>>
    tpu.enqueue_dma source(%dma_start3A_484 : memref<50x64xf32, #tpu.memory_space<vmem>>) target(%dma_start3A_481 : memref<50x64xf32, #tpu.memory_space<hbm>>) target_semaphore(%arg8 : memref<!tpu.dma_semaphore, #tpu.memory_space<semaphore_mem>>)
    %add3A_485 = arith.constant 496 : i32
    %add3A_486 = arith.addi %mul3A_2, %add3A_485 : i32
    %add3A_487 = arith.constant 1 : i32
    %add3A_488 = arith.addi %add3A_486, %add3A_487 : i32
    %mul3A_489 = arith.constant 56 : i32
    %mul3A_490 = arith.muli %add3A_488, %mul3A_489 : i32
    %multiple_of3A_491 = tpu.assume_multiple %mul3A_490, 8 : i32
    %dma_start3A_492 = arith.constant 1050 : i32
    %dma_start3A_493 = arith.constant 0 : i32
    %dma_start3A_494 = tpu.memref_slice %arg6[%dma_start3A_492, %dma_start3A_493] : memref<1400x64xf32, #tpu.memory_space<vmem>> -> memref<50x64xf32, #tpu.memory_space<vmem>>
    %dma_start3A_495 = arith.constant 0 : i32
    %dma_start3A_496 = tpu.memref_slice %arg4[%multiple_of3A_491, %dma_start3A_495] : memref<917504x128xf32, #tpu.memory_space<hbm>> -> memref<50x64xf32, #tpu.memory_space<hbm>>
    %dma_start3A_497 = arith.constant 0 : i32
    %dma_start3A_498 = tpu.memref_slice %arg4[%multiple_of3A_491, %dma_start3A_497] : memref<917504x128xf32, #tpu.memory_space<hbm>> -> memref<50x64xf32, #tpu.memory_space<hbm>>
    %dma_start3A_499 = arith.constant 1050 : i32
    %dma_start3A_500 = arith.constant 0 : i32
    %dma_start3A_501 = tpu.memref_slice %arg6[%dma_start3A_499, %dma_start3A_500] : memref<1400x64xf32, #tpu.memory_space<vmem>> -> memref<50x64xf32, #tpu.memory_space<vmem>>
    tpu.enqueue_dma source(%dma_start3A_501 : memref<50x64xf32, #tpu.memory_space<vmem>>) target(%dma_start3A_498 : memref<50x64xf32, #tpu.memory_space<hbm>>) target_semaphore(%arg8 : memref<!tpu.dma_semaphore, #tpu.memory_space<semaphore_mem>>)
    %add3A_502 = arith.constant 496 : i32
    %add3A_503 = arith.addi %mul3A_2, %add3A_502 : i32
    %add3A_504 = arith.constant 2 : i32
    %add3A_505 = arith.addi %add3A_503, %add3A_504 : i32
    %mul3A_506 = arith.constant 56 : i32
    %mul3A_507 = arith.muli %add3A_505, %mul3A_506 : i32
    %multiple_of3A_508 = tpu.assume_multiple %mul3A_507, 8 : i32
    %dma_start3A_509 = arith.constant 1100 : i32
    %dma_start3A_510 = arith.constant 0 : i32
    %dma_start3A_511 = tpu.memref_slice %arg6[%dma_start3A_509, %dma_start3A_510] : memref<1400x64xf32, #tpu.memory_space<vmem>> -> memref<50x64xf32, #tpu.memory_space<vmem>>
    %dma_start3A_512 = arith.constant 0 : i32
    %dma_start3A_513 = tpu.memref_slice %arg4[%multiple_of3A_508, %dma_start3A_512] : memref<917504x128xf32, #tpu.memory_space<hbm>> -> memref<50x64xf32, #tpu.memory_space<hbm>>
    %dma_start3A_514 = arith.constant 0 : i32
    %dma_start3A_515 = tpu.memref_slice %arg4[%multiple_of3A_508, %dma_start3A_514] : memref<917504x128xf32, #tpu.memory_space<hbm>> -> memref<50x64xf32, #tpu.memory_space<hbm>>
    %dma_start3A_516 = arith.constant 1100 : i32
    %dma_start3A_517 = arith.constant 0 : i32
    %dma_start3A_518 = tpu.memref_slice %arg6[%dma_start3A_516, %dma_start3A_517] : memref<1400x64xf32, #tpu.memory_space<vmem>> -> memref<50x64xf32, #tpu.memory_space<vmem>>
    tpu.enqueue_dma source(%dma_start3A_518 : memref<50x64xf32, #tpu.memory_space<vmem>>) target(%dma_start3A_515 : memref<50x64xf32, #tpu.memory_space<hbm>>) target_semaphore(%arg8 : memref<!tpu.dma_semaphore, #tpu.memory_space<semaphore_mem>>)
    %add3A_519 = arith.constant 496 : i32
    %add3A_520 = arith.addi %mul3A_2, %add3A_519 : i32
    %add3A_521 = arith.constant 3 : i32
    %add3A_522 = arith.addi %add3A_520, %add3A_521 : i32
    %mul3A_523 = arith.constant 56 : i32
    %mul3A_524 = arith.muli %add3A_522, %mul3A_523 : i32
    %multiple_of3A_525 = tpu.assume_multiple %mul3A_524, 8 : i32
    %dma_start3A_526 = arith.constant 1150 : i32
    %dma_start3A_527 = arith.constant 0 : i32
    %dma_start3A_528 = tpu.memref_slice %arg6[%dma_start3A_526, %dma_start3A_527] : memref<1400x64xf32, #tpu.memory_space<vmem>> -> memref<50x64xf32, #tpu.memory_space<vmem>>
    %dma_start3A_529 = arith.constant 0 : i32
    %dma_start3A_530 = tpu.memref_slice %arg4[%multiple_of3A_525, %dma_start3A_529] : memref<917504x128xf32, #tpu.memory_space<hbm>> -> memref<50x64xf32, #tpu.memory_space<hbm>>
    %dma_start3A_531 = arith.constant 0 : i32
    %dma_start3A_532 = tpu.memref_slice %arg4[%multiple_of3A_525, %dma_start3A_531] : memref<917504x128xf32, #tpu.memory_space<hbm>> -> memref<50x64xf32, #tpu.memory_space<hbm>>
    %dma_start3A_533 = arith.constant 1150 : i32
    %dma_start3A_534 = arith.constant 0 : i32
    %dma_start3A_535 = tpu.memref_slice %arg6[%dma_start3A_533, %dma_start3A_534] : memref<1400x64xf32, #tpu.memory_space<vmem>> -> memref<50x64xf32, #tpu.memory_space<vmem>>
    tpu.enqueue_dma source(%dma_start3A_535 : memref<50x64xf32, #tpu.memory_space<vmem>>) target(%dma_start3A_532 : memref<50x64xf32, #tpu.memory_space<hbm>>) target_semaphore(%arg8 : memref<!tpu.dma_semaphore, #tpu.memory_space<semaphore_mem>>)
    %mul3A_536 = arith.constant 56 : i32
    %mul3A_537 = arith.muli %mul3A_2, %mul3A_536 : i32
    %dma_wait3A_538 = arith.constant 0 : i32
    %dma_wait3A_539 = arith.constant 0 : i32
    %dma_wait3A_540 = tpu.memref_slice %arg6[%dma_wait3A_538, %dma_wait3A_539] : memref<1400x64xf32, #tpu.memory_space<vmem>> -> memref<50x64xf32, #tpu.memory_space<vmem>>
    %dma_wait3A_541 = arith.constant 0 : i32
    %dma_wait3A_542 = tpu.memref_slice %arg4[%mul3A_537, %dma_wait3A_541] : memref<917504x128xf32, #tpu.memory_space<hbm>> -> memref<50x64xf32, #tpu.memory_space<hbm>>
    %dma_wait3A_543 = arith.constant 0 : i32
    %dma_wait3A_544 = arith.constant 0 : i32
    %dma_wait3A_545 = tpu.memref_slice %arg6[%dma_wait3A_543, %dma_wait3A_544] : memref<1400x64xf32, #tpu.memory_space<vmem>> -> memref<50x64xf32, #tpu.memory_space<vmem>>
    %dma_wait3A_546 = arith.constant 0 : i32
    %dma_wait3A_547 = tpu.memref_slice %arg4[%mul3A_537, %dma_wait3A_546] : memref<917504x128xf32, #tpu.memory_space<hbm>> -> memref<50x64xf32, #tpu.memory_space<hbm>>
    tpu.wait_dma2 semaphore(%arg8 : memref<!tpu.dma_semaphore, #tpu.memory_space<semaphore_mem>>) src(%dma_wait3A_547 : memref<50x64xf32, #tpu.memory_space<hbm>>) dst(%dma_wait3A_545 : memref<50x64xf32, #tpu.memory_space<vmem>>)
    %mul3A_548 = arith.constant 56 : i32
    %mul3A_549 = arith.muli %mul3A_2, %mul3A_548 : i32
    %dma_wait3A_550 = arith.constant 0 : i32
    %dma_wait3A_551 = arith.constant 0 : i32
    %dma_wait3A_552 = tpu.memref_slice %arg6[%dma_wait3A_550, %dma_wait3A_551] : memref<1400x64xf32, #tpu.memory_space<vmem>> -> memref<50x64xf32, #tpu.memory_space<vmem>>
    %dma_wait3A_553 = arith.constant 0 : i32
    %dma_wait3A_554 = tpu.memref_slice %arg4[%mul3A_549, %dma_wait3A_553] : memref<917504x128xf32, #tpu.memory_space<hbm>> -> memref<50x64xf32, #tpu.memory_space<hbm>>
    %dma_wait3A_555 = arith.constant 0 : i32
    %dma_wait3A_556 = arith.constant 0 : i32
    %dma_wait3A_557 = tpu.memref_slice %arg6[%dma_wait3A_555, %dma_wait3A_556] : memref<1400x64xf32, #tpu.memory_space<vmem>> -> memref<50x64xf32, #tpu.memory_space<vmem>>
    %dma_wait3A_558 = arith.constant 0 : i32
    %dma_wait3A_559 = tpu.memref_slice %arg4[%mul3A_549, %dma_wait3A_558] : memref<917504x128xf32, #tpu.memory_space<hbm>> -> memref<50x64xf32, #tpu.memory_space<hbm>>
    tpu.wait_dma2 semaphore(%arg8 : memref<!tpu.dma_semaphore, #tpu.memory_space<semaphore_mem>>) src(%dma_wait3A_559 : memref<50x64xf32, #tpu.memory_space<hbm>>) dst(%dma_wait3A_557 : memref<50x64xf32, #tpu.memory_space<vmem>>)
    %mul3A_560 = arith.constant 56 : i32
    %mul3A_561 = arith.muli %mul3A_2, %mul3A_560 : i32
    %dma_wait3A_562 = arith.constant 0 : i32
    %dma_wait3A_563 = arith.constant 0 : i32
    %dma_wait3A_564 = tpu.memref_slice %arg6[%dma_wait3A_562, %dma_wait3A_563] : memref<1400x64xf32, #tpu.memory_space<vmem>> -> memref<50x64xf32, #tpu.memory_space<vmem>>
    %dma_wait3A_565 = arith.constant 0 : i32
    %dma_wait3A_566 = tpu.memref_slice %arg4[%mul3A_561, %dma_wait3A_565] : memref<917504x128xf32, #tpu.memory_space<hbm>> -> memref<50x64xf32, #tpu.memory_space<hbm>>
    %dma_wait3A_567 = arith.constant 0 : i32
    %dma_wait3A_568 = arith.constant 0 : i32
    %dma_wait3A_569 = tpu.memref_slice %arg6[%dma_wait3A_567, %dma_wait3A_568] : memref<1400x64xf32, #tpu.memory_space<vmem>> -> memref<50x64xf32, #tpu.memory_space<vmem>>
    %dma_wait3A_570 = arith.constant 0 : i32
    %dma_wait3A_571 = tpu.memref_slice %arg4[%mul3A_561, %dma_wait3A_570] : memref<917504x128xf32, #tpu.memory_space<hbm>> -> memref<50x64xf32, #tpu.memory_space<hbm>>
    tpu.wait_dma2 semaphore(%arg8 : memref<!tpu.dma_semaphore, #tpu.memory_space<semaphore_mem>>) src(%dma_wait3A_571 : memref<50x64xf32, #tpu.memory_space<hbm>>) dst(%dma_wait3A_569 : memref<50x64xf32, #tpu.memory_space<vmem>>)
    %mul3A_572 = arith.constant 56 : i32
    %mul3A_573 = arith.muli %mul3A_2, %mul3A_572 : i32
    %dma_wait3A_574 = arith.constant 0 : i32
    %dma_wait3A_575 = arith.constant 0 : i32
    %dma_wait3A_576 = tpu.memref_slice %arg6[%dma_wait3A_574, %dma_wait3A_575] : memref<1400x64xf32, #tpu.memory_space<vmem>> -> memref<50x64xf32, #tpu.memory_space<vmem>>
    %dma_wait3A_577 = arith.constant 0 : i32
    %dma_wait3A_578 = tpu.memref_slice %arg4[%mul3A_573, %dma_wait3A_577] : memref<917504x128xf32, #tpu.memory_space<hbm>> -> memref<50x64xf32, #tpu.memory_space<hbm>>
    %dma_wait3A_579 = arith.constant 0 : i32
    %dma_wait3A_580 = arith.constant 0 : i32
    %dma_wait3A_581 = tpu.memref_slice %arg6[%dma_wait3A_579, %dma_wait3A_580] : memref<1400x64xf32, #tpu.memory_space<vmem>> -> memref<50x64xf32, #tpu.memory_space<vmem>>
    %dma_wait3A_582 = arith.constant 0 : i32
    %dma_wait3A_583 = tpu.memref_slice %arg4[%mul3A_573, %dma_wait3A_582] : memref<917504x128xf32, #tpu.memory_space<hbm>> -> memref<50x64xf32, #tpu.memory_space<hbm>>
    tpu.wait_dma2 semaphore(%arg8 : memref<!tpu.dma_semaphore, #tpu.memory_space<semaphore_mem>>) src(%dma_wait3A_583 : memref<50x64xf32, #tpu.memory_space<hbm>>) dst(%dma_wait3A_581 : memref<50x64xf32, #tpu.memory_space<vmem>>)
    %dma_wait3A_584 = arith.constant 0 : i32
    %dma_wait3A_585 = arith.constant 0 : i32
    %dma_wait3A_586 = tpu.memref_slice %arg6[%dma_wait3A_584, %dma_wait3A_585] : memref<1400x64xf32, #tpu.memory_space<vmem>> -> memref<104x64xf32, #tpu.memory_space<vmem>>
    %dma_wait3A_587 = arith.constant 0 : i32
    %dma_wait3A_588 = arith.constant 0 : i32
    %dma_wait3A_589 = tpu.memref_slice %arg3[%dma_wait3A_587, %dma_wait3A_588] : memref<100000x64xf32, #tpu.memory_space<hbm>> -> memref<104x64xf32, #tpu.memory_space<hbm>>
    %dma_wait3A_590 = arith.constant 0 : i32
    %dma_wait3A_591 = arith.constant 0 : i32
    %dma_wait3A_592 = tpu.memref_slice %arg6[%dma_wait3A_590, %dma_wait3A_591] : memref<1400x64xf32, #tpu.memory_space<vmem>> -> memref<104x64xf32, #tpu.memory_space<vmem>>
    %dma_wait3A_593 = arith.constant 0 : i32
    %dma_wait3A_594 = arith.constant 0 : i32
    %dma_wait3A_595 = tpu.memref_slice %arg3[%dma_wait3A_593, %dma_wait3A_594] : memref<100000x64xf32, #tpu.memory_space<hbm>> -> memref<104x64xf32, #tpu.memory_space<hbm>>
    tpu.wait_dma2 semaphore(%arg7 : memref<!tpu.dma_semaphore, #tpu.memory_space<semaphore_mem>>) src(%dma_wait3A_595 : memref<104x64xf32, #tpu.memory_space<hbm>>) dst(%dma_wait3A_592 : memref<104x64xf32, #tpu.memory_space<vmem>>)
    %dma_wait3A_596 = arith.constant 0 : i32
    %dma_wait3A_597 = arith.constant 0 : i32
    %dma_wait3A_598 = tpu.memref_slice %arg6[%dma_wait3A_596, %dma_wait3A_597] : memref<1400x64xf32, #tpu.memory_space<vmem>> -> memref<96x64xf32, #tpu.memory_space<vmem>>
    %dma_wait3A_599 = arith.constant 0 : i32
    %dma_wait3A_600 = arith.constant 0 : i32
    %dma_wait3A_601 = tpu.memref_slice %arg3[%dma_wait3A_599, %dma_wait3A_600] : memref<100000x64xf32, #tpu.memory_space<hbm>> -> memref<96x64xf32, #tpu.memory_space<hbm>>
    %dma_wait3A_602 = arith.constant 0 : i32
    %dma_wait3A_603 = arith.constant 0 : i32
    %dma_wait3A_604 = tpu.memref_slice %arg6[%dma_wait3A_602, %dma_wait3A_603] : memref<1400x64xf32, #tpu.memory_space<vmem>> -> memref<96x64xf32, #tpu.memory_space<vmem>>
    %dma_wait3A_605 = arith.constant 0 : i32
    %dma_wait3A_606 = arith.constant 0 : i32
    %dma_wait3A_607 = tpu.memref_slice %arg3[%dma_wait3A_605, %dma_wait3A_606] : memref<100000x64xf32, #tpu.memory_space<hbm>> -> memref<96x64xf32, #tpu.memory_space<hbm>>
    tpu.wait_dma2 semaphore(%arg7 : memref<!tpu.dma_semaphore, #tpu.memory_space<semaphore_mem>>) src(%dma_wait3A_607 : memref<96x64xf32, #tpu.memory_space<hbm>>) dst(%dma_wait3A_604 : memref<96x64xf32, #tpu.memory_space<vmem>>)
    %add3A_608 = arith.constant 500 : i32
    %add3A_609 = arith.addi %mul3A_2, %add3A_608 : i32
    %add3A_610 = arith.constant 0 : i32
    %add3A_611 = arith.addi %add3A_609, %add3A_610 : i32
    %mul3A_612 = arith.constant 56 : i32
    %mul3A_613 = arith.muli %add3A_611, %mul3A_612 : i32
    %multiple_of3A_614 = tpu.assume_multiple %mul3A_613, 8 : i32
    %dma_start3A_615 = arith.constant 1200 : i32
    %dma_start3A_616 = arith.constant 0 : i32
    %dma_start3A_617 = tpu.memref_slice %arg6[%dma_start3A_615, %dma_start3A_616] : memref<1400x64xf32, #tpu.memory_space<vmem>> -> memref<50x64xf32, #tpu.memory_space<vmem>>
    %dma_start3A_618 = arith.constant 0 : i32
    %dma_start3A_619 = tpu.memref_slice %arg4[%multiple_of3A_614, %dma_start3A_618] : memref<917504x128xf32, #tpu.memory_space<hbm>> -> memref<50x64xf32, #tpu.memory_space<hbm>>
    %dma_start3A_620 = arith.constant 0 : i32
    %dma_start3A_621 = tpu.memref_slice %arg4[%multiple_of3A_614, %dma_start3A_620] : memref<917504x128xf32, #tpu.memory_space<hbm>> -> memref<50x64xf32, #tpu.memory_space<hbm>>
    %dma_start3A_622 = arith.constant 1200 : i32
    %dma_start3A_623 = arith.constant 0 : i32
    %dma_start3A_624 = tpu.memref_slice %arg6[%dma_start3A_622, %dma_start3A_623] : memref<1400x64xf32, #tpu.memory_space<vmem>> -> memref<50x64xf32, #tpu.memory_space<vmem>>
    tpu.enqueue_dma source(%dma_start3A_624 : memref<50x64xf32, #tpu.memory_space<vmem>>) target(%dma_start3A_621 : memref<50x64xf32, #tpu.memory_space<hbm>>) target_semaphore(%arg8 : memref<!tpu.dma_semaphore, #tpu.memory_space<semaphore_mem>>)
    %add3A_625 = arith.constant 500 : i32
    %add3A_626 = arith.addi %mul3A_2, %add3A_625 : i32
    %add3A_627 = arith.constant 1 : i32
    %add3A_628 = arith.addi %add3A_626, %add3A_627 : i32
    %mul3A_629 = arith.constant 56 : i32
    %mul3A_630 = arith.muli %add3A_628, %mul3A_629 : i32
    %multiple_of3A_631 = tpu.assume_multiple %mul3A_630, 8 : i32
    %dma_start3A_632 = arith.constant 1250 : i32
    %dma_start3A_633 = arith.constant 0 : i32
    %dma_start3A_634 = tpu.memref_slice %arg6[%dma_start3A_632, %dma_start3A_633] : memref<1400x64xf32, #tpu.memory_space<vmem>> -> memref<50x64xf32, #tpu.memory_space<vmem>>
    %dma_start3A_635 = arith.constant 0 : i32
    %dma_start3A_636 = tpu.memref_slice %arg4[%multiple_of3A_631, %dma_start3A_635] : memref<917504x128xf32, #tpu.memory_space<hbm>> -> memref<50x64xf32, #tpu.memory_space<hbm>>
    %dma_start3A_637 = arith.constant 0 : i32
    %dma_start3A_638 = tpu.memref_slice %arg4[%multiple_of3A_631, %dma_start3A_637] : memref<917504x128xf32, #tpu.memory_space<hbm>> -> memref<50x64xf32, #tpu.memory_space<hbm>>
    %dma_start3A_639 = arith.constant 1250 : i32
    %dma_start3A_640 = arith.constant 0 : i32
    %dma_start3A_641 = tpu.memref_slice %arg6[%dma_start3A_639, %dma_start3A_640] : memref<1400x64xf32, #tpu.memory_space<vmem>> -> memref<50x64xf32, #tpu.memory_space<vmem>>
    tpu.enqueue_dma source(%dma_start3A_641 : memref<50x64xf32, #tpu.memory_space<vmem>>) target(%dma_start3A_638 : memref<50x64xf32, #tpu.memory_space<hbm>>) target_semaphore(%arg8 : memref<!tpu.dma_semaphore, #tpu.memory_space<semaphore_mem>>)
    %add3A_642 = arith.constant 500 : i32
    %add3A_643 = arith.addi %mul3A_2, %add3A_642 : i32
    %add3A_644 = arith.constant 2 : i32
    %add3A_645 = arith.addi %add3A_643, %add3A_644 : i32
    %mul3A_646 = arith.constant 56 : i32
    %mul3A_647 = arith.muli %add3A_645, %mul3A_646 : i32
    %multiple_of3A_648 = tpu.assume_multiple %mul3A_647, 8 : i32
    %dma_start3A_649 = arith.constant 1300 : i32
    %dma_start3A_650 = arith.constant 0 : i32
    %dma_start3A_651 = tpu.memref_slice %arg6[%dma_start3A_649, %dma_start3A_650] : memref<1400x64xf32, #tpu.memory_space<vmem>> -> memref<50x64xf32, #tpu.memory_space<vmem>>
    %dma_start3A_652 = arith.constant 0 : i32
    %dma_start3A_653 = tpu.memref_slice %arg4[%multiple_of3A_648, %dma_start3A_652] : memref<917504x128xf32, #tpu.memory_space<hbm>> -> memref<50x64xf32, #tpu.memory_space<hbm>>
    %dma_start3A_654 = arith.constant 0 : i32
    %dma_start3A_655 = tpu.memref_slice %arg4[%multiple_of3A_648, %dma_start3A_654] : memref<917504x128xf32, #tpu.memory_space<hbm>> -> memref<50x64xf32, #tpu.memory_space<hbm>>
    %dma_start3A_656 = arith.constant 1300 : i32
    %dma_start3A_657 = arith.constant 0 : i32
    %dma_start3A_658 = tpu.memref_slice %arg6[%dma_start3A_656, %dma_start3A_657] : memref<1400x64xf32, #tpu.memory_space<vmem>> -> memref<50x64xf32, #tpu.memory_space<vmem>>
    tpu.enqueue_dma source(%dma_start3A_658 : memref<50x64xf32, #tpu.memory_space<vmem>>) target(%dma_start3A_655 : memref<50x64xf32, #tpu.memory_space<hbm>>) target_semaphore(%arg8 : memref<!tpu.dma_semaphore, #tpu.memory_space<semaphore_mem>>)
    %add3A_659 = arith.constant 500 : i32
    %add3A_660 = arith.addi %mul3A_2, %add3A_659 : i32
    %add3A_661 = arith.constant 3 : i32
    %add3A_662 = arith.addi %add3A_660, %add3A_661 : i32
    %mul3A_663 = arith.constant 56 : i32
    %mul3A_664 = arith.muli %add3A_662, %mul3A_663 : i32
    %multiple_of3A_665 = tpu.assume_multiple %mul3A_664, 8 : i32
    %dma_start3A_666 = arith.constant 1350 : i32
    %dma_start3A_667 = arith.constant 0 : i32
    %dma_start3A_668 = tpu.memref_slice %arg6[%dma_start3A_666, %dma_start3A_667] : memref<1400x64xf32, #tpu.memory_space<vmem>> -> memref<50x64xf32, #tpu.memory_space<vmem>>
    %dma_start3A_669 = arith.constant 0 : i32
    %dma_start3A_670 = tpu.memref_slice %arg4[%multiple_of3A_665, %dma_start3A_669] : memref<917504x128xf32, #tpu.memory_space<hbm>> -> memref<50x64xf32, #tpu.memory_space<hbm>>
    %dma_start3A_671 = arith.constant 0 : i32
    %dma_start3A_672 = tpu.memref_slice %arg4[%multiple_of3A_665, %dma_start3A_671] : memref<917504x128xf32, #tpu.memory_space<hbm>> -> memref<50x64xf32, #tpu.memory_space<hbm>>
    %dma_start3A_673 = arith.constant 1350 : i32
    %dma_start3A_674 = arith.constant 0 : i32
    %dma_start3A_675 = tpu.memref_slice %arg6[%dma_start3A_673, %dma_start3A_674] : memref<1400x64xf32, #tpu.memory_space<vmem>> -> memref<50x64xf32, #tpu.memory_space<vmem>>
    tpu.enqueue_dma source(%dma_start3A_675 : memref<50x64xf32, #tpu.memory_space<vmem>>) target(%dma_start3A_672 : memref<50x64xf32, #tpu.memory_space<hbm>>) target_semaphore(%arg8 : memref<!tpu.dma_semaphore, #tpu.memory_space<semaphore_mem>>)
    %mul3A_676 = arith.constant 56 : i32
    %mul3A_677 = arith.muli %mul3A_2, %mul3A_676 : i32
    %dma_wait3A_678 = arith.constant 0 : i32
    %dma_wait3A_679 = arith.constant 0 : i32
    %dma_wait3A_680 = tpu.memref_slice %arg6[%dma_wait3A_678, %dma_wait3A_679] : memref<1400x64xf32, #tpu.memory_space<vmem>> -> memref<50x64xf32, #tpu.memory_space<vmem>>
    %dma_wait3A_681 = arith.constant 0 : i32
    %dma_wait3A_682 = tpu.memref_slice %arg4[%mul3A_677, %dma_wait3A_681] : memref<917504x128xf32, #tpu.memory_space<hbm>> -> memref<50x64xf32, #tpu.memory_space<hbm>>
    %dma_wait3A_683 = arith.constant 0 : i32
    %dma_wait3A_684 = arith.constant 0 : i32
    %dma_wait3A_685 = tpu.memref_slice %arg6[%dma_wait3A_683, %dma_wait3A_684] : memref<1400x64xf32, #tpu.memory_space<vmem>> -> memref<50x64xf32, #tpu.memory_space<vmem>>
    %dma_wait3A_686 = arith.constant 0 : i32
    %dma_wait3A_687 = tpu.memref_slice %arg4[%mul3A_677, %dma_wait3A_686] : memref<917504x128xf32, #tpu.memory_space<hbm>> -> memref<50x64xf32, #tpu.memory_space<hbm>>
    tpu.wait_dma2 semaphore(%arg8 : memref<!tpu.dma_semaphore, #tpu.memory_space<semaphore_mem>>) src(%dma_wait3A_687 : memref<50x64xf32, #tpu.memory_space<hbm>>) dst(%dma_wait3A_685 : memref<50x64xf32, #tpu.memory_space<vmem>>)
    %mul3A_688 = arith.constant 56 : i32
    %mul3A_689 = arith.muli %mul3A_2, %mul3A_688 : i32
    %dma_wait3A_690 = arith.constant 0 : i32
    %dma_wait3A_691 = arith.constant 0 : i32
    %dma_wait3A_692 = tpu.memref_slice %arg6[%dma_wait3A_690, %dma_wait3A_691] : memref<1400x64xf32, #tpu.memory_space<vmem>> -> memref<50x64xf32, #tpu.memory_space<vmem>>
    %dma_wait3A_693 = arith.constant 0 : i32
    %dma_wait3A_694 = tpu.memref_slice %arg4[%mul3A_689, %dma_wait3A_693] : memref<917504x128xf32, #tpu.memory_space<hbm>> -> memref<50x64xf32, #tpu.memory_space<hbm>>
    %dma_wait3A_695 = arith.constant 0 : i32
    %dma_wait3A_696 = arith.constant 0 : i32
    %dma_wait3A_697 = tpu.memref_slice %arg6[%dma_wait3A_695, %dma_wait3A_696] : memref<1400x64xf32, #tpu.memory_space<vmem>> -> memref<50x64xf32, #tpu.memory_space<vmem>>
    %dma_wait3A_698 = arith.constant 0 : i32
    %dma_wait3A_699 = tpu.memref_slice %arg4[%mul3A_689, %dma_wait3A_698] : memref<917504x128xf32, #tpu.memory_space<hbm>> -> memref<50x64xf32, #tpu.memory_space<hbm>>
    tpu.wait_dma2 semaphore(%arg8 : memref<!tpu.dma_semaphore, #tpu.memory_space<semaphore_mem>>) src(%dma_wait3A_699 : memref<50x64xf32, #tpu.memory_space<hbm>>) dst(%dma_wait3A_697 : memref<50x64xf32, #tpu.memory_space<vmem>>)
    %mul3A_700 = arith.constant 56 : i32
    %mul3A_701 = arith.muli %mul3A_2, %mul3A_700 : i32
    %dma_wait3A_702 = arith.constant 0 : i32
    %dma_wait3A_703 = arith.constant 0 : i32
    %dma_wait3A_704 = tpu.memref_slice %arg6[%dma_wait3A_702, %dma_wait3A_703] : memref<1400x64xf32, #tpu.memory_space<vmem>> -> memref<50x64xf32, #tpu.memory_space<vmem>>
    %dma_wait3A_705 = arith.constant 0 : i32
    %dma_wait3A_706 = tpu.memref_slice %arg4[%mul3A_701, %dma_wait3A_705] : memref<917504x128xf32, #tpu.memory_space<hbm>> -> memref<50x64xf32, #tpu.memory_space<hbm>>
    %dma_wait3A_707 = arith.constant 0 : i32
    %dma_wait3A_708 = arith.constant 0 : i32
    %dma_wait3A_709 = tpu.memref_slice %arg6[%dma_wait3A_707, %dma_wait3A_708] : memref<1400x64xf32, #tpu.memory_space<vmem>> -> memref<50x64xf32, #tpu.memory_space<vmem>>
    %dma_wait3A_710 = arith.constant 0 : i32
    %dma_wait3A_711 = tpu.memref_slice %arg4[%mul3A_701, %dma_wait3A_710] : memref<917504x128xf32, #tpu.memory_space<hbm>> -> memref<50x64xf32, #tpu.memory_space<hbm>>
    tpu.wait_dma2 semaphore(%arg8 : memref<!tpu.dma_semaphore, #tpu.memory_space<semaphore_mem>>) src(%dma_wait3A_711 : memref<50x64xf32, #tpu.memory_space<hbm>>) dst(%dma_wait3A_709 : memref<50x64xf32, #tpu.memory_space<vmem>>)
    %mul3A_712 = arith.constant 56 : i32
    %mul3A_713 = arith.muli %mul3A_2, %mul3A_712 : i32
    %dma_wait3A_714 = arith.constant 0 : i32
    %dma_wait3A_715 = arith.constant 0 : i32
    %dma_wait3A_716 = tpu.memref_slice %arg6[%dma_wait3A_714, %dma_wait3A_715] : memref<1400x64xf32, #tpu.memory_space<vmem>> -> memref<50x64xf32, #tpu.memory_space<vmem>>
    %dma_wait3A_717 = arith.constant 0 : i32
    %dma_wait3A_718 = tpu.memref_slice %arg4[%mul3A_713, %dma_wait3A_717] : memref<917504x128xf32, #tpu.memory_space<hbm>> -> memref<50x64xf32, #tpu.memory_space<hbm>>
    %dma_wait3A_719 = arith.constant 0 : i32
    %dma_wait3A_720 = arith.constant 0 : i32
    %dma_wait3A_721 = tpu.memref_slice %arg6[%dma_wait3A_719, %dma_wait3A_720] : memref<1400x64xf32, #tpu.memory_space<vmem>> -> memref<50x64xf32, #tpu.memory_space<vmem>>
    %dma_wait3A_722 = arith.constant 0 : i32
    %dma_wait3A_723 = tpu.memref_slice %arg4[%mul3A_713, %dma_wait3A_722] : memref<917504x128xf32, #tpu.memory_space<hbm>> -> memref<50x64xf32, #tpu.memory_space<hbm>>
    tpu.wait_dma2 semaphore(%arg8 : memref<!tpu.dma_semaphore, #tpu.memory_space<semaphore_mem>>) src(%dma_wait3A_723 : memref<50x64xf32, #tpu.memory_space<hbm>>) dst(%dma_wait3A_721 : memref<50x64xf32, #tpu.memory_space<vmem>>)
    %dma_wait3A_724 = arith.constant 0 : i32
    %dma_wait3A_725 = arith.constant 0 : i32
    %dma_wait3A_726 = tpu.memref_slice %arg6[%dma_wait3A_724, %dma_wait3A_725] : memref<1400x64xf32, #tpu.memory_space<vmem>> -> memref<104x64xf32, #tpu.memory_space<vmem>>
    %dma_wait3A_727 = arith.constant 0 : i32
    %dma_wait3A_728 = arith.constant 0 : i32
    %dma_wait3A_729 = tpu.memref_slice %arg3[%dma_wait3A_727, %dma_wait3A_728] : memref<100000x64xf32, #tpu.memory_space<hbm>> -> memref<104x64xf32, #tpu.memory_space<hbm>>
    %dma_wait3A_730 = arith.constant 0 : i32
    %dma_wait3A_731 = arith.constant 0 : i32
    %dma_wait3A_732 = tpu.memref_slice %arg6[%dma_wait3A_730, %dma_wait3A_731] : memref<1400x64xf32, #tpu.memory_space<vmem>> -> memref<104x64xf32, #tpu.memory_space<vmem>>
    %dma_wait3A_733 = arith.constant 0 : i32
    %dma_wait3A_734 = arith.constant 0 : i32
    %dma_wait3A_735 = tpu.memref_slice %arg3[%dma_wait3A_733, %dma_wait3A_734] : memref<100000x64xf32, #tpu.memory_space<hbm>> -> memref<104x64xf32, #tpu.memory_space<hbm>>
    tpu.wait_dma2 semaphore(%arg7 : memref<!tpu.dma_semaphore, #tpu.memory_space<semaphore_mem>>) src(%dma_wait3A_735 : memref<104x64xf32, #tpu.memory_space<hbm>>) dst(%dma_wait3A_732 : memref<104x64xf32, #tpu.memory_space<vmem>>)
    %dma_wait3A_736 = arith.constant 0 : i32
    %dma_wait3A_737 = arith.constant 0 : i32
    %dma_wait3A_738 = tpu.memref_slice %arg6[%dma_wait3A_736, %dma_wait3A_737] : memref<1400x64xf32, #tpu.memory_space<vmem>> -> memref<96x64xf32, #tpu.memory_space<vmem>>
    %dma_wait3A_739 = arith.constant 0 : i32
    %dma_wait3A_740 = arith.constant 0 : i32
    %dma_wait3A_741 = tpu.memref_slice %arg3[%dma_wait3A_739, %dma_wait3A_740] : memref<100000x64xf32, #tpu.memory_space<hbm>> -> memref<96x64xf32, #tpu.memory_space<hbm>>
    %dma_wait3A_742 = arith.constant 0 : i32
    %dma_wait3A_743 = arith.constant 0 : i32
    %dma_wait3A_744 = tpu.memref_slice %arg6[%dma_wait3A_742, %dma_wait3A_743] : memref<1400x64xf32, #tpu.memory_space<vmem>> -> memref<96x64xf32, #tpu.memory_space<vmem>>
    %dma_wait3A_745 = arith.constant 0 : i32
    %dma_wait3A_746 = arith.constant 0 : i32
    %dma_wait3A_747 = tpu.memref_slice %arg3[%dma_wait3A_745, %dma_wait3A_746] : memref<100000x64xf32, #tpu.memory_space<hbm>> -> memref<96x64xf32, #tpu.memory_space<hbm>>
    tpu.wait_dma2 semaphore(%arg7 : memref<!tpu.dma_semaphore, #tpu.memory_space<semaphore_mem>>) src(%dma_wait3A_747 : memref<96x64xf32, #tpu.memory_space<hbm>>) dst(%dma_wait3A_744 : memref<96x64xf32, #tpu.memory_space<vmem>>)
    %add3A_748 = arith.constant 504 : i32
    %add3A_749 = arith.addi %mul3A_2, %add3A_748 : i32
    %add3A_750 = arith.constant 0 : i32
    %add3A_751 = arith.addi %add3A_749, %add3A_750 : i32
    %mul3A_752 = arith.constant 56 : i32
    %mul3A_753 = arith.muli %add3A_751, %mul3A_752 : i32
    %multiple_of3A_754 = tpu.assume_multiple %mul3A_753, 8 : i32
    %dma_start3A_755 = arith.constant 0 : i32
    %dma_start3A_756 = arith.constant 0 : i32
    %dma_start3A_757 = tpu.memref_slice %arg6[%dma_start3A_755, %dma_start3A_756] : memref<1400x64xf32, #tpu.memory_space<vmem>> -> memref<50x64xf32, #tpu.memory_space<vmem>>
    %dma_start3A_758 = arith.constant 0 : i32
    %dma_start3A_759 = tpu.memref_slice %arg4[%multiple_of3A_754, %dma_start3A_758] : memref<917504x128xf32, #tpu.memory_space<hbm>> -> memref<50x64xf32, #tpu.memory_space<hbm>>
    %dma_start3A_760 = arith.constant 0 : i32
    %dma_start3A_761 = tpu.memref_slice %arg4[%multiple_of3A_754, %dma_start3A_760] : memref<917504x128xf32, #tpu.memory_space<hbm>> -> memref<50x64xf32, #tpu.memory_space<hbm>>
    %dma_start3A_762 = arith.constant 0 : i32
    %dma_start3A_763 = arith.constant 0 : i32
    %dma_start3A_764 = tpu.memref_slice %arg6[%dma_start3A_762, %dma_start3A_763] : memref<1400x64xf32, #tpu.memory_space<vmem>> -> memref<50x64xf32, #tpu.memory_space<vmem>>
    tpu.enqueue_dma source(%dma_start3A_764 : memref<50x64xf32, #tpu.memory_space<vmem>>) target(%dma_start3A_761 : memref<50x64xf32, #tpu.memory_space<hbm>>) target_semaphore(%arg8 : memref<!tpu.dma_semaphore, #tpu.memory_space<semaphore_mem>>)
    %add3A_765 = arith.constant 504 : i32
    %add3A_766 = arith.addi %mul3A_2, %add3A_765 : i32
    %add3A_767 = arith.constant 1 : i32
    %add3A_768 = arith.addi %add3A_766, %add3A_767 : i32
    %mul3A_769 = arith.constant 56 : i32
    %mul3A_770 = arith.muli %add3A_768, %mul3A_769 : i32
    %multiple_of3A_771 = tpu.assume_multiple %mul3A_770, 8 : i32
    %dma_start3A_772 = arith.constant 50 : i32
    %dma_start3A_773 = arith.constant 0 : i32
    %dma_start3A_774 = tpu.memref_slice %arg6[%dma_start3A_772, %dma_start3A_773] : memref<1400x64xf32, #tpu.memory_space<vmem>> -> memref<50x64xf32, #tpu.memory_space<vmem>>
    %dma_start3A_775 = arith.constant 0 : i32
    %dma_start3A_776 = tpu.memref_slice %arg4[%multiple_of3A_771, %dma_start3A_775] : memref<917504x128xf32, #tpu.memory_space<hbm>> -> memref<50x64xf32, #tpu.memory_space<hbm>>
    %dma_start3A_777 = arith.constant 0 : i32
    %dma_start3A_778 = tpu.memref_slice %arg4[%multiple_of3A_771, %dma_start3A_777] : memref<917504x128xf32, #tpu.memory_space<hbm>> -> memref<50x64xf32, #tpu.memory_space<hbm>>
    %dma_start3A_779 = arith.constant 50 : i32
    %dma_start3A_780 = arith.constant 0 : i32
    %dma_start3A_781 = tpu.memref_slice %arg6[%dma_start3A_779, %dma_start3A_780] : memref<1400x64xf32, #tpu.memory_space<vmem>> -> memref<50x64xf32, #tpu.memory_space<vmem>>
    tpu.enqueue_dma source(%dma_start3A_781 : memref<50x64xf32, #tpu.memory_space<vmem>>) target(%dma_start3A_778 : memref<50x64xf32, #tpu.memory_space<hbm>>) target_semaphore(%arg8 : memref<!tpu.dma_semaphore, #tpu.memory_space<semaphore_mem>>)
    %add3A_782 = arith.constant 504 : i32
    %add3A_783 = arith.addi %mul3A_2, %add3A_782 : i32
    %add3A_784 = arith.constant 2 : i32
    %add3A_785 = arith.addi %add3A_783, %add3A_784 : i32
    %mul3A_786 = arith.constant 56 : i32
    %mul3A_787 = arith.muli %add3A_785, %mul3A_786 : i32
    %multiple_of3A_788 = tpu.assume_multiple %mul3A_787, 8 : i32
    %dma_start3A_789 = arith.constant 100 : i32
    %dma_start3A_790 = arith.constant 0 : i32
    %dma_start3A_791 = tpu.memref_slice %arg6[%dma_start3A_789, %dma_start3A_790] : memref<1400x64xf32, #tpu.memory_space<vmem>> -> memref<50x64xf32, #tpu.memory_space<vmem>>
    %dma_start3A_792 = arith.constant 0 : i32
    %dma_start3A_793 = tpu.memref_slice %arg4[%multiple_of3A_788, %dma_start3A_792] : memref<917504x128xf32, #tpu.memory_space<hbm>> -> memref<50x64xf32, #tpu.memory_space<hbm>>
    %dma_start3A_794 = arith.constant 0 : i32
    %dma_start3A_795 = tpu.memref_slice %arg4[%multiple_of3A_788, %dma_start3A_794] : memref<917504x128xf32, #tpu.memory_space<hbm>> -> memref<50x64xf32, #tpu.memory_space<hbm>>
    %dma_start3A_796 = arith.constant 100 : i32
    %dma_start3A_797 = arith.constant 0 : i32
    %dma_start3A_798 = tpu.memref_slice %arg6[%dma_start3A_796, %dma_start3A_797] : memref<1400x64xf32, #tpu.memory_space<vmem>> -> memref<50x64xf32, #tpu.memory_space<vmem>>
    tpu.enqueue_dma source(%dma_start3A_798 : memref<50x64xf32, #tpu.memory_space<vmem>>) target(%dma_start3A_795 : memref<50x64xf32, #tpu.memory_space<hbm>>) target_semaphore(%arg8 : memref<!tpu.dma_semaphore, #tpu.memory_space<semaphore_mem>>)
    %add3A_799 = arith.constant 504 : i32
    %add3A_800 = arith.addi %mul3A_2, %add3A_799 : i32
    %add3A_801 = arith.constant 3 : i32
    %add3A_802 = arith.addi %add3A_800, %add3A_801 : i32
    %mul3A_803 = arith.constant 56 : i32
    %mul3A_804 = arith.muli %add3A_802, %mul3A_803 : i32
    %multiple_of3A_805 = tpu.assume_multiple %mul3A_804, 8 : i32
    %dma_start3A_806 = arith.constant 150 : i32
    %dma_start3A_807 = arith.constant 0 : i32
    %dma_start3A_808 = tpu.memref_slice %arg6[%dma_start3A_806, %dma_start3A_807] : memref<1400x64xf32, #tpu.memory_space<vmem>> -> memref<50x64xf32, #tpu.memory_space<vmem>>
    %dma_start3A_809 = arith.constant 0 : i32
    %dma_start3A_810 = tpu.memref_slice %arg4[%multiple_of3A_805, %dma_start3A_809] : memref<917504x128xf32, #tpu.memory_space<hbm>> -> memref<50x64xf32, #tpu.memory_space<hbm>>
    %dma_start3A_811 = arith.constant 0 : i32
    %dma_start3A_812 = tpu.memref_slice %arg4[%multiple_of3A_805, %dma_start3A_811] : memref<917504x128xf32, #tpu.memory_space<hbm>> -> memref<50x64xf32, #tpu.memory_space<hbm>>
    %dma_start3A_813 = arith.constant 150 : i32
    %dma_start3A_814 = arith.constant 0 : i32
    %dma_start3A_815 = tpu.memref_slice %arg6[%dma_start3A_813, %dma_start3A_814] : memref<1400x64xf32, #tpu.memory_space<vmem>> -> memref<50x64xf32, #tpu.memory_space<vmem>>
    tpu.enqueue_dma source(%dma_start3A_815 : memref<50x64xf32, #tpu.memory_space<vmem>>) target(%dma_start3A_812 : memref<50x64xf32, #tpu.memory_space<hbm>>) target_semaphore(%arg8 : memref<!tpu.dma_semaphore, #tpu.memory_space<semaphore_mem>>)
    %mul3A_816 = arith.constant 56 : i32
    %mul3A_817 = arith.muli %mul3A_2, %mul3A_816 : i32
    %dma_wait3A_818 = arith.constant 0 : i32
    %dma_wait3A_819 = arith.constant 0 : i32
    %dma_wait3A_820 = tpu.memref_slice %arg6[%dma_wait3A_818, %dma_wait3A_819] : memref<1400x64xf32, #tpu.memory_space<vmem>> -> memref<50x64xf32, #tpu.memory_space<vmem>>
    %dma_wait3A_821 = arith.constant 0 : i32
    %dma_wait3A_822 = tpu.memref_slice %arg4[%mul3A_817, %dma_wait3A_821] : memref<917504x128xf32, #tpu.memory_space<hbm>> -> memref<50x64xf32, #tpu.memory_space<hbm>>
    %dma_wait3A_823 = arith.constant 0 : i32
    %dma_wait3A_824 = arith.constant 0 : i32
    %dma_wait3A_825 = tpu.memref_slice %arg6[%dma_wait3A_823, %dma_wait3A_824] : memref<1400x64xf32, #tpu.memory_space<vmem>> -> memref<50x64xf32, #tpu.memory_space<vmem>>
    %dma_wait3A_826 = arith.constant 0 : i32
    %dma_wait3A_827 = tpu.memref_slice %arg4[%mul3A_817, %dma_wait3A_826] : memref<917504x128xf32, #tpu.memory_space<hbm>> -> memref<50x64xf32, #tpu.memory_space<hbm>>
    tpu.wait_dma2 semaphore(%arg8 : memref<!tpu.dma_semaphore, #tpu.memory_space<semaphore_mem>>) src(%dma_wait3A_827 : memref<50x64xf32, #tpu.memory_space<hbm>>) dst(%dma_wait3A_825 : memref<50x64xf32, #tpu.memory_space<vmem>>)
    %mul3A_828 = arith.constant 56 : i32
    %mul3A_829 = arith.muli %mul3A_2, %mul3A_828 : i32
    %dma_wait3A_830 = arith.constant 0 : i32
    %dma_wait3A_831 = arith.constant 0 : i32
    %dma_wait3A_832 = tpu.memref_slice %arg6[%dma_wait3A_830, %dma_wait3A_831] : memref<1400x64xf32, #tpu.memory_space<vmem>> -> memref<50x64xf32, #tpu.memory_space<vmem>>
    %dma_wait3A_833 = arith.constant 0 : i32
    %dma_wait3A_834 = tpu.memref_slice %arg4[%mul3A_829, %dma_wait3A_833] : memref<917504x128xf32, #tpu.memory_space<hbm>> -> memref<50x64xf32, #tpu.memory_space<hbm>>
    %dma_wait3A_835 = arith.constant 0 : i32
    %dma_wait3A_836 = arith.constant 0 : i32
    %dma_wait3A_837 = tpu.memref_slice %arg6[%dma_wait3A_835, %dma_wait3A_836] : memref<1400x64xf32, #tpu.memory_space<vmem>> -> memref<50x64xf32, #tpu.memory_space<vmem>>
    %dma_wait3A_838 = arith.constant 0 : i32
    %dma_wait3A_839 = tpu.memref_slice %arg4[%mul3A_829, %dma_wait3A_838] : memref<917504x128xf32, #tpu.memory_space<hbm>> -> memref<50x64xf32, #tpu.memory_space<hbm>>
    tpu.wait_dma2 semaphore(%arg8 : memref<!tpu.dma_semaphore, #tpu.memory_space<semaphore_mem>>) src(%dma_wait3A_839 : memref<50x64xf32, #tpu.memory_space<hbm>>) dst(%dma_wait3A_837 : memref<50x64xf32, #tpu.memory_space<vmem>>)
    %mul3A_840 = arith.constant 56 : i32
    %mul3A_841 = arith.muli %mul3A_2, %mul3A_840 : i32
    %dma_wait3A_842 = arith.constant 0 : i32
    %dma_wait3A_843 = arith.constant 0 : i32
    %dma_wait3A_844 = tpu.memref_slice %arg6[%dma_wait3A_842, %dma_wait3A_843] : memref<1400x64xf32, #tpu.memory_space<vmem>> -> memref<50x64xf32, #tpu.memory_space<vmem>>
    %dma_wait3A_845 = arith.constant 0 : i32
    %dma_wait3A_846 = tpu.memref_slice %arg4[%mul3A_841, %dma_wait3A_845] : memref<917504x128xf32, #tpu.memory_space<hbm>> -> memref<50x64xf32, #tpu.memory_space<hbm>>
    %dma_wait3A_847 = arith.constant 0 : i32
    %dma_wait3A_848 = arith.constant 0 : i32
    %dma_wait3A_849 = tpu.memref_slice %arg6[%dma_wait3A_847, %dma_wait3A_848] : memref<1400x64xf32, #tpu.memory_space<vmem>> -> memref<50x64xf32, #tpu.memory_space<vmem>>
    %dma_wait3A_850 = arith.constant 0 : i32
    %dma_wait3A_851 = tpu.memref_slice %arg4[%mul3A_841, %dma_wait3A_850] : memref<917504x128xf32, #tpu.memory_space<hbm>> -> memref<50x64xf32, #tpu.memory_space<hbm>>
    tpu.wait_dma2 semaphore(%arg8 : memref<!tpu.dma_semaphore, #tpu.memory_space<semaphore_mem>>) src(%dma_wait3A_851 : memref<50x64xf32, #tpu.memory_space<hbm>>) dst(%dma_wait3A_849 : memref<50x64xf32, #tpu.memory_space<vmem>>)
    %mul3A_852 = arith.constant 56 : i32
    %mul3A_853 = arith.muli %mul3A_2, %mul3A_852 : i32
    %dma_wait3A_854 = arith.constant 0 : i32
    %dma_wait3A_855 = arith.constant 0 : i32
    %dma_wait3A_856 = tpu.memref_slice %arg6[%dma_wait3A_854, %dma_wait3A_855] : memref<1400x64xf32, #tpu.memory_space<vmem>> -> memref<50x64xf32, #tpu.memory_space<vmem>>
    %dma_wait3A_857 = arith.constant 0 : i32
    %dma_wait3A_858 = tpu.memref_slice %arg4[%mul3A_853, %dma_wait3A_857] : memref<917504x128xf32, #tpu.memory_space<hbm>> -> memref<50x64xf32, #tpu.memory_space<hbm>>
    %dma_wait3A_859 = arith.constant 0 : i32
    %dma_wait3A_860 = arith.constant 0 : i32
    %dma_wait3A_861 = tpu.memref_slice %arg6[%dma_wait3A_859, %dma_wait3A_860] : memref<1400x64xf32, #tpu.memory_space<vmem>> -> memref<50x64xf32, #tpu.memory_space<vmem>>
    %dma_wait3A_862 = arith.constant 0 : i32
    %dma_wait3A_863 = tpu.memref_slice %arg4[%mul3A_853, %dma_wait3A_862] : memref<917504x128xf32, #tpu.memory_space<hbm>> -> memref<50x64xf32, #tpu.memory_space<hbm>>
    tpu.wait_dma2 semaphore(%arg8 : memref<!tpu.dma_semaphore, #tpu.memory_space<semaphore_mem>>) src(%dma_wait3A_863 : memref<50x64xf32, #tpu.memory_space<hbm>>) dst(%dma_wait3A_861 : memref<50x64xf32, #tpu.memory_space<vmem>>)
    %dma_wait3A_864 = arith.constant 0 : i32
    %dma_wait3A_865 = arith.constant 0 : i32
    %dma_wait3A_866 = tpu.memref_slice %arg6[%dma_wait3A_864, %dma_wait3A_865] : memref<1400x64xf32, #tpu.memory_space<vmem>> -> memref<104x64xf32, #tpu.memory_space<vmem>>
    %dma_wait3A_867 = arith.constant 0 : i32
    %dma_wait3A_868 = arith.constant 0 : i32
    %dma_wait3A_869 = tpu.memref_slice %arg3[%dma_wait3A_867, %dma_wait3A_868] : memref<100000x64xf32, #tpu.memory_space<hbm>> -> memref<104x64xf32, #tpu.memory_space<hbm>>
    %dma_wait3A_870 = arith.constant 0 : i32
    %dma_wait3A_871 = arith.constant 0 : i32
    %dma_wait3A_872 = tpu.memref_slice %arg6[%dma_wait3A_870, %dma_wait3A_871] : memref<1400x64xf32, #tpu.memory_space<vmem>> -> memref<104x64xf32, #tpu.memory_space<vmem>>
    %dma_wait3A_873 = arith.constant 0 : i32
    %dma_wait3A_874 = arith.constant 0 : i32
    %dma_wait3A_875 = tpu.memref_slice %arg3[%dma_wait3A_873, %dma_wait3A_874] : memref<100000x64xf32, #tpu.memory_space<hbm>> -> memref<104x64xf32, #tpu.memory_space<hbm>>
    tpu.wait_dma2 semaphore(%arg7 : memref<!tpu.dma_semaphore, #tpu.memory_space<semaphore_mem>>) src(%dma_wait3A_875 : memref<104x64xf32, #tpu.memory_space<hbm>>) dst(%dma_wait3A_872 : memref<104x64xf32, #tpu.memory_space<vmem>>)
    %dma_wait3A_876 = arith.constant 0 : i32
    %dma_wait3A_877 = arith.constant 0 : i32
    %dma_wait3A_878 = tpu.memref_slice %arg6[%dma_wait3A_876, %dma_wait3A_877] : memref<1400x64xf32, #tpu.memory_space<vmem>> -> memref<96x64xf32, #tpu.memory_space<vmem>>
    %dma_wait3A_879 = arith.constant 0 : i32
    %dma_wait3A_880 = arith.constant 0 : i32
    %dma_wait3A_881 = tpu.memref_slice %arg3[%dma_wait3A_879, %dma_wait3A_880] : memref<100000x64xf32, #tpu.memory_space<hbm>> -> memref<96x64xf32, #tpu.memory_space<hbm>>
    %dma_wait3A_882 = arith.constant 0 : i32
    %dma_wait3A_883 = arith.constant 0 : i32
    %dma_wait3A_884 = tpu.memref_slice %arg6[%dma_wait3A_882, %dma_wait3A_883] : memref<1400x64xf32, #tpu.memory_space<vmem>> -> memref<96x64xf32, #tpu.memory_space<vmem>>
    %dma_wait3A_885 = arith.constant 0 : i32
    %dma_wait3A_886 = arith.constant 0 : i32
    %dma_wait3A_887 = tpu.memref_slice %arg3[%dma_wait3A_885, %dma_wait3A_886] : memref<100000x64xf32, #tpu.memory_space<hbm>> -> memref<96x64xf32, #tpu.memory_space<hbm>>
    tpu.wait_dma2 semaphore(%arg7 : memref<!tpu.dma_semaphore, #tpu.memory_space<semaphore_mem>>) src(%dma_wait3A_887 : memref<96x64xf32, #tpu.memory_space<hbm>>) dst(%dma_wait3A_884 : memref<96x64xf32, #tpu.memory_space<vmem>>)
    %add3A_888 = arith.constant 508 : i32
    %add3A_889 = arith.addi %mul3A_2, %add3A_888 : i32
    %add3A_890 = arith.constant 0 : i32
    %add3A_891 = arith.addi %add3A_889, %add3A_890 : i32
    %mul3A_892 = arith.constant 56 : i32
    %mul3A_893 = arith.muli %add3A_891, %mul3A_892 : i32
    %multiple_of3A_894 = tpu.assume_multiple %mul3A_893, 8 : i32
    %dma_start3A_895 = arith.constant 200 : i32
    %dma_start3A_896 = arith.constant 0 : i32
    %dma_start3A_897 = tpu.memref_slice %arg6[%dma_start3A_895, %dma_start3A_896] : memref<1400x64xf32, #tpu.memory_space<vmem>> -> memref<50x64xf32, #tpu.memory_space<vmem>>
    %dma_start3A_898 = arith.constant 0 : i32
    %dma_start3A_899 = tpu.memref_slice %arg4[%multiple_of3A_894, %dma_start3A_898] : memref<917504x128xf32, #tpu.memory_space<hbm>> -> memref<50x64xf32, #tpu.memory_space<hbm>>
    %dma_start3A_900 = arith.constant 0 : i32
    %dma_start3A_901 = tpu.memref_slice %arg4[%multiple_of3A_894, %dma_start3A_900] : memref<917504x128xf32, #tpu.memory_space<hbm>> -> memref<50x64xf32, #tpu.memory_space<hbm>>
    %dma_start3A_902 = arith.constant 200 : i32
    %dma_start3A_903 = arith.constant 0 : i32
    %dma_start3A_904 = tpu.memref_slice %arg6[%dma_start3A_902, %dma_start3A_903] : memref<1400x64xf32, #tpu.memory_space<vmem>> -> memref<50x64xf32, #tpu.memory_space<vmem>>
    tpu.enqueue_dma source(%dma_start3A_904 : memref<50x64xf32, #tpu.memory_space<vmem>>) target(%dma_start3A_901 : memref<50x64xf32, #tpu.memory_space<hbm>>) target_semaphore(%arg8 : memref<!tpu.dma_semaphore, #tpu.memory_space<semaphore_mem>>)
    %add3A_905 = arith.constant 508 : i32
    %add3A_906 = arith.addi %mul3A_2, %add3A_905 : i32
    %add3A_907 = arith.constant 1 : i32
    %add3A_908 = arith.addi %add3A_906, %add3A_907 : i32
    %mul3A_909 = arith.constant 56 : i32
    %mul3A_910 = arith.muli %add3A_908, %mul3A_909 : i32
    %multiple_of3A_911 = tpu.assume_multiple %mul3A_910, 8 : i32
    %dma_start3A_912 = arith.constant 250 : i32
    %dma_start3A_913 = arith.constant 0 : i32
    %dma_start3A_914 = tpu.memref_slice %arg6[%dma_start3A_912, %dma_start3A_913] : memref<1400x64xf32, #tpu.memory_space<vmem>> -> memref<50x64xf32, #tpu.memory_space<vmem>>
    %dma_start3A_915 = arith.constant 0 : i32
    %dma_start3A_916 = tpu.memref_slice %arg4[%multiple_of3A_911, %dma_start3A_915] : memref<917504x128xf32, #tpu.memory_space<hbm>> -> memref<50x64xf32, #tpu.memory_space<hbm>>
    %dma_start3A_917 = arith.constant 0 : i32
    %dma_start3A_918 = tpu.memref_slice %arg4[%multiple_of3A_911, %dma_start3A_917] : memref<917504x128xf32, #tpu.memory_space<hbm>> -> memref<50x64xf32, #tpu.memory_space<hbm>>
    %dma_start3A_919 = arith.constant 250 : i32
    %dma_start3A_920 = arith.constant 0 : i32
    %dma_start3A_921 = tpu.memref_slice %arg6[%dma_start3A_919, %dma_start3A_920] : memref<1400x64xf32, #tpu.memory_space<vmem>> -> memref<50x64xf32, #tpu.memory_space<vmem>>
    tpu.enqueue_dma source(%dma_start3A_921 : memref<50x64xf32, #tpu.memory_space<vmem>>) target(%dma_start3A_918 : memref<50x64xf32, #tpu.memory_space<hbm>>) target_semaphore(%arg8 : memref<!tpu.dma_semaphore, #tpu.memory_space<semaphore_mem>>)
    %add3A_922 = arith.constant 508 : i32
    %add3A_923 = arith.addi %mul3A_2, %add3A_922 : i32
    %add3A_924 = arith.constant 2 : i32
    %add3A_925 = arith.addi %add3A_923, %add3A_924 : i32
    %mul3A_926 = arith.constant 56 : i32
    %mul3A_927 = arith.muli %add3A_925, %mul3A_926 : i32
    %multiple_of3A_928 = tpu.assume_multiple %mul3A_927, 8 : i32
    %dma_start3A_929 = arith.constant 300 : i32
    %dma_start3A_930 = arith.constant 0 : i32
    %dma_start3A_931 = tpu.memref_slice %arg6[%dma_start3A_929, %dma_start3A_930] : memref<1400x64xf32, #tpu.memory_space<vmem>> -> memref<50x64xf32, #tpu.memory_space<vmem>>
    %dma_start3A_932 = arith.constant 0 : i32
    %dma_start3A_933 = tpu.memref_slice %arg4[%multiple_of3A_928, %dma_start3A_932] : memref<917504x128xf32, #tpu.memory_space<hbm>> -> memref<50x64xf32, #tpu.memory_space<hbm>>
    %dma_start3A_934 = arith.constant 0 : i32
    %dma_start3A_935 = tpu.memref_slice %arg4[%multiple_of3A_928, %dma_start3A_934] : memref<917504x128xf32, #tpu.memory_space<hbm>> -> memref<50x64xf32, #tpu.memory_space<hbm>>
    %dma_start3A_936 = arith.constant 300 : i32
    %dma_start3A_937 = arith.constant 0 : i32
    %dma_start3A_938 = tpu.memref_slice %arg6[%dma_start3A_936, %dma_start3A_937] : memref<1400x64xf32, #tpu.memory_space<vmem>> -> memref<50x64xf32, #tpu.memory_space<vmem>>
    tpu.enqueue_dma source(%dma_start3A_938 : memref<50x64xf32, #tpu.memory_space<vmem>>) target(%dma_start3A_935 : memref<50x64xf32, #tpu.memory_space<hbm>>) target_semaphore(%arg8 : memref<!tpu.dma_semaphore, #tpu.memory_space<semaphore_mem>>)
    %add3A_939 = arith.constant 508 : i32
    %add3A_940 = arith.addi %mul3A_2, %add3A_939 : i32
    %add3A_941 = arith.constant 3 : i32
    %add3A_942 = arith.addi %add3A_940, %add3A_941 : i32
    %mul3A_943 = arith.constant 56 : i32
    %mul3A_944 = arith.muli %add3A_942, %mul3A_943 : i32
    %multiple_of3A_945 = tpu.assume_multiple %mul3A_944, 8 : i32
    %dma_start3A_946 = arith.constant 350 : i32
    %dma_start3A_947 = arith.constant 0 : i32
    %dma_start3A_948 = tpu.memref_slice %arg6[%dma_start3A_946, %dma_start3A_947] : memref<1400x64xf32, #tpu.memory_space<vmem>> -> memref<50x64xf32, #tpu.memory_space<vmem>>
    %dma_start3A_949 = arith.constant 0 : i32
    %dma_start3A_950 = tpu.memref_slice %arg4[%multiple_of3A_945, %dma_start3A_949] : memref<917504x128xf32, #tpu.memory_space<hbm>> -> memref<50x64xf32, #tpu.memory_space<hbm>>
    %dma_start3A_951 = arith.constant 0 : i32
    %dma_start3A_952 = tpu.memref_slice %arg4[%multiple_of3A_945, %dma_start3A_951] : memref<917504x128xf32, #tpu.memory_space<hbm>> -> memref<50x64xf32, #tpu.memory_space<hbm>>
    %dma_start3A_953 = arith.constant 350 : i32
    %dma_start3A_954 = arith.constant 0 : i32
    %dma_start3A_955 = tpu.memref_slice %arg6[%dma_start3A_953, %dma_start3A_954] : memref<1400x64xf32, #tpu.memory_space<vmem>> -> memref<50x64xf32, #tpu.memory_space<vmem>>
    tpu.enqueue_dma source(%dma_start3A_955 : memref<50x64xf32, #tpu.memory_space<vmem>>) target(%dma_start3A_952 : memref<50x64xf32, #tpu.memory_space<hbm>>) target_semaphore(%arg8 : memref<!tpu.dma_semaphore, #tpu.memory_space<semaphore_mem>>)
    %mul3A_956 = arith.constant 56 : i32
    %mul3A_957 = arith.muli %mul3A_2, %mul3A_956 : i32
    %dma_wait3A_958 = arith.constant 0 : i32
    %dma_wait3A_959 = arith.constant 0 : i32
    %dma_wait3A_960 = tpu.memref_slice %arg6[%dma_wait3A_958, %dma_wait3A_959] : memref<1400x64xf32, #tpu.memory_space<vmem>> -> memref<50x64xf32, #tpu.memory_space<vmem>>
    %dma_wait3A_961 = arith.constant 0 : i32
    %dma_wait3A_962 = tpu.memref_slice %arg4[%mul3A_957, %dma_wait3A_961] : memref<917504x128xf32, #tpu.memory_space<hbm>> -> memref<50x64xf32, #tpu.memory_space<hbm>>
    %dma_wait3A_963 = arith.constant 0 : i32
    %dma_wait3A_964 = arith.constant 0 : i32
    %dma_wait3A_965 = tpu.memref_slice %arg6[%dma_wait3A_963, %dma_wait3A_964] : memref<1400x64xf32, #tpu.memory_space<vmem>> -> memref<50x64xf32, #tpu.memory_space<vmem>>
    %dma_wait3A_966 = arith.constant 0 : i32
    %dma_wait3A_967 = tpu.memref_slice %arg4[%mul3A_957, %dma_wait3A_966] : memref<917504x128xf32, #tpu.memory_space<hbm>> -> memref<50x64xf32, #tpu.memory_space<hbm>>
    tpu.wait_dma2 semaphore(%arg8 : memref<!tpu.dma_semaphore, #tpu.memory_space<semaphore_mem>>) src(%dma_wait3A_967 : memref<50x64xf32, #tpu.memory_space<hbm>>) dst(%dma_wait3A_965 : memref<50x64xf32, #tpu.memory_space<vmem>>)
    %mul3A_968 = arith.constant 56 : i32
    %mul3A_969 = arith.muli %mul3A_2, %mul3A_968 : i32
    %dma_wait3A_970 = arith.constant 0 : i32
    %dma_wait3A_971 = arith.constant 0 : i32
    %dma_wait3A_972 = tpu.memref_slice %arg6[%dma_wait3A_970, %dma_wait3A_971] : memref<1400x64xf32, #tpu.memory_space<vmem>> -> memref<50x64xf32, #tpu.memory_space<vmem>>
    %dma_wait3A_973 = arith.constant 0 : i32
    %dma_wait3A_974 = tpu.memref_slice %arg4[%mul3A_969, %dma_wait3A_973] : memref<917504x128xf32, #tpu.memory_space<hbm>> -> memref<50x64xf32, #tpu.memory_space<hbm>>
    %dma_wait3A_975 = arith.constant 0 : i32
    %dma_wait3A_976 = arith.constant 0 : i32
    %dma_wait3A_977 = tpu.memref_slice %arg6[%dma_wait3A_975, %dma_wait3A_976] : memref<1400x64xf32, #tpu.memory_space<vmem>> -> memref<50x64xf32, #tpu.memory_space<vmem>>
    %dma_wait3A_978 = arith.constant 0 : i32
    %dma_wait3A_979 = tpu.memref_slice %arg4[%mul3A_969, %dma_wait3A_978] : memref<917504x128xf32, #tpu.memory_space<hbm>> -> memref<50x64xf32, #tpu.memory_space<hbm>>
    tpu.wait_dma2 semaphore(%arg8 : memref<!tpu.dma_semaphore, #tpu.memory_space<semaphore_mem>>) src(%dma_wait3A_979 : memref<50x64xf32, #tpu.memory_space<hbm>>) dst(%dma_wait3A_977 : memref<50x64xf32, #tpu.memory_space<vmem>>)
    %mul3A_980 = arith.constant 56 : i32
    %mul3A_981 = arith.muli %mul3A_2, %mul3A_980 : i32
    %dma_wait3A_982 = arith.constant 0 : i32
    %dma_wait3A_983 = arith.constant 0 : i32
    %dma_wait3A_984 = tpu.memref_slice %arg6[%dma_wait3A_982, %dma_wait3A_983] : memref<1400x64xf32, #tpu.memory_space<vmem>> -> memref<50x64xf32, #tpu.memory_space<vmem>>
    %dma_wait3A_985 = arith.constant 0 : i32
    %dma_wait3A_986 = tpu.memref_slice %arg4[%mul3A_981, %dma_wait3A_985] : memref<917504x128xf32, #tpu.memory_space<hbm>> -> memref<50x64xf32, #tpu.memory_space<hbm>>
    %dma_wait3A_987 = arith.constant 0 : i32
    %dma_wait3A_988 = arith.constant 0 : i32
    %dma_wait3A_989 = tpu.memref_slice %arg6[%dma_wait3A_987, %dma_wait3A_988] : memref<1400x64xf32, #tpu.memory_space<vmem>> -> memref<50x64xf32, #tpu.memory_space<vmem>>
    %dma_wait3A_990 = arith.constant 0 : i32
    %dma_wait3A_991 = tpu.memref_slice %arg4[%mul3A_981, %dma_wait3A_990] : memref<917504x128xf32, #tpu.memory_space<hbm>> -> memref<50x64xf32, #tpu.memory_space<hbm>>
    tpu.wait_dma2 semaphore(%arg8 : memref<!tpu.dma_semaphore, #tpu.memory_space<semaphore_mem>>) src(%dma_wait3A_991 : memref<50x64xf32, #tpu.memory_space<hbm>>) dst(%dma_wait3A_989 : memref<50x64xf32, #tpu.memory_space<vmem>>)
    %mul3A_992 = arith.constant 56 : i32
    %mul3A_993 = arith.muli %mul3A_2, %mul3A_992 : i32
    %dma_wait3A_994 = arith.constant 0 : i32
    %dma_wait3A_995 = arith.constant 0 : i32
    %dma_wait3A_996 = tpu.memref_slice %arg6[%dma_wait3A_994, %dma_wait3A_995] : memref<1400x64xf32, #tpu.memory_space<vmem>> -> memref<50x64xf32, #tpu.memory_space<vmem>>
    %dma_wait3A_997 = arith.constant 0 : i32
    %dma_wait3A_998 = tpu.memref_slice %arg4[%mul3A_993, %dma_wait3A_997] : memref<917504x128xf32, #tpu.memory_space<hbm>> -> memref<50x64xf32, #tpu.memory_space<hbm>>
    %dma_wait3A_999 = arith.constant 0 : i32
    %dma_wait3A_1000 = arith.constant 0 : i32
    %dma_wait3A_1001 = tpu.memref_slice %arg6[%dma_wait3A_999, %dma_wait3A_1000] : memref<1400x64xf32, #tpu.memory_space<vmem>> -> memref<50x64xf32, #tpu.memory_space<vmem>>
    %dma_wait3A_1002 = arith.constant 0 : i32
    %dma_wait3A_1003 = tpu.memref_slice %arg4[%mul3A_993, %dma_wait3A_1002] : memref<917504x128xf32, #tpu.memory_space<hbm>> -> memref<50x64xf32, #tpu.memory_space<hbm>>
    tpu.wait_dma2 semaphore(%arg8 : memref<!tpu.dma_semaphore, #tpu.memory_space<semaphore_mem>>) src(%dma_wait3A_1003 : memref<50x64xf32, #tpu.memory_space<hbm>>) dst(%dma_wait3A_1001 : memref<50x64xf32, #tpu.memory_space<vmem>>)
    %mul3A_1004 = arith.constant 56 : i32
    %mul3A_1005 = arith.muli %mul3A_2, %mul3A_1004 : i32
    %dma_wait3A_1006 = arith.constant 0 : i32
    %dma_wait3A_1007 = arith.constant 0 : i32
    %dma_wait3A_1008 = tpu.memref_slice %arg6[%dma_wait3A_1006, %dma_wait3A_1007] : memref<1400x64xf32, #tpu.memory_space<vmem>> -> memref<50x64xf32, #tpu.memory_space<vmem>>
    %dma_wait3A_1009 = arith.constant 0 : i32
    %dma_wait3A_1010 = tpu.memref_slice %arg4[%mul3A_1005, %dma_wait3A_1009] : memref<917504x128xf32, #tpu.memory_space<hbm>> -> memref<50x64xf32, #tpu.memory_space<hbm>>
    %dma_wait3A_1011 = arith.constant 0 : i32
    %dma_wait3A_1012 = arith.constant 0 : i32
    %dma_wait3A_1013 = tpu.memref_slice %arg6[%dma_wait3A_1011, %dma_wait3A_1012] : memref<1400x64xf32, #tpu.memory_space<vmem>> -> memref<50x64xf32, #tpu.memory_space<vmem>>
    %dma_wait3A_1014 = arith.constant 0 : i32
    %dma_wait3A_1015 = tpu.memref_slice %arg4[%mul3A_1005, %dma_wait3A_1014] : memref<917504x128xf32, #tpu.memory_space<hbm>> -> memref<50x64xf32, #tpu.memory_space<hbm>>
    tpu.wait_dma2 semaphore(%arg8 : memref<!tpu.dma_semaphore, #tpu.memory_space<semaphore_mem>>) src(%dma_wait3A_1015 : memref<50x64xf32, #tpu.memory_space<hbm>>) dst(%dma_wait3A_1013 : memref<50x64xf32, #tpu.memory_space<vmem>>)
    %mul3A_1016 = arith.constant 56 : i32
    %mul3A_1017 = arith.muli %mul3A_2, %mul3A_1016 : i32
    %dma_wait3A_1018 = arith.constant 0 : i32
    %dma_wait3A_1019 = arith.constant 0 : i32
    %dma_wait3A_1020 = tpu.memref_slice %arg6[%dma_wait3A_1018, %dma_wait3A_1019] : memref<1400x64xf32, #tpu.memory_space<vmem>> -> memref<50x64xf32, #tpu.memory_space<vmem>>
    %dma_wait3A_1021 = arith.constant 0 : i32
    %dma_wait3A_1022 = tpu.memref_slice %arg4[%mul3A_1017, %dma_wait3A_1021] : memref<917504x128xf32, #tpu.memory_space<hbm>> -> memref<50x64xf32, #tpu.memory_space<hbm>>
    %dma_wait3A_1023 = arith.constant 0 : i32
    %dma_wait3A_1024 = arith.constant 0 : i32
    %dma_wait3A_1025 = tpu.memref_slice %arg6[%dma_wait3A_1023, %dma_wait3A_1024] : memref<1400x64xf32, #tpu.memory_space<vmem>> -> memref<50x64xf32, #tpu.memory_space<vmem>>
    %dma_wait3A_1026 = arith.constant 0 : i32
    %dma_wait3A_1027 = tpu.memref_slice %arg4[%mul3A_1017, %dma_wait3A_1026] : memref<917504x128xf32, #tpu.memory_space<hbm>> -> memref<50x64xf32, #tpu.memory_space<hbm>>
    tpu.wait_dma2 semaphore(%arg8 : memref<!tpu.dma_semaphore, #tpu.memory_space<semaphore_mem>>) src(%dma_wait3A_1027 : memref<50x64xf32, #tpu.memory_space<hbm>>) dst(%dma_wait3A_1025 : memref<50x64xf32, #tpu.memory_space<vmem>>)
    %mul3A_1028 = arith.constant 56 : i32
    %mul3A_1029 = arith.muli %mul3A_2, %mul3A_1028 : i32
    %dma_wait3A_1030 = arith.constant 0 : i32
    %dma_wait3A_1031 = arith.constant 0 : i32
    %dma_wait3A_1032 = tpu.memref_slice %arg6[%dma_wait3A_1030, %dma_wait3A_1031] : memref<1400x64xf32, #tpu.memory_space<vmem>> -> memref<50x64xf32, #tpu.memory_space<vmem>>
    %dma_wait3A_1033 = arith.constant 0 : i32
    %dma_wait3A_1034 = tpu.memref_slice %arg4[%mul3A_1029, %dma_wait3A_1033] : memref<917504x128xf32, #tpu.memory_space<hbm>> -> memref<50x64xf32, #tpu.memory_space<hbm>>
    %dma_wait3A_1035 = arith.constant 0 : i32
    %dma_wait3A_1036 = arith.constant 0 : i32
    %dma_wait3A_1037 = tpu.memref_slice %arg6[%dma_wait3A_1035, %dma_wait3A_1036] : memref<1400x64xf32, #tpu.memory_space<vmem>> -> memref<50x64xf32, #tpu.memory_space<vmem>>
    %dma_wait3A_1038 = arith.constant 0 : i32
    %dma_wait3A_1039 = tpu.memref_slice %arg4[%mul3A_1029, %dma_wait3A_1038] : memref<917504x128xf32, #tpu.memory_space<hbm>> -> memref<50x64xf32, #tpu.memory_space<hbm>>
    tpu.wait_dma2 semaphore(%arg8 : memref<!tpu.dma_semaphore, #tpu.memory_space<semaphore_mem>>) src(%dma_wait3A_1039 : memref<50x64xf32, #tpu.memory_space<hbm>>) dst(%dma_wait3A_1037 : memref<50x64xf32, #tpu.memory_space<vmem>>)
    %mul3A_1040 = arith.constant 56 : i32
    %mul3A_1041 = arith.muli %mul3A_2, %mul3A_1040 : i32
    %dma_wait3A_1042 = arith.constant 0 : i32
    %dma_wait3A_1043 = arith.constant 0 : i32
    %dma_wait3A_1044 = tpu.memref_slice %arg6[%dma_wait3A_1042, %dma_wait3A_1043] : memref<1400x64xf32, #tpu.memory_space<vmem>> -> memref<50x64xf32, #tpu.memory_space<vmem>>
    %dma_wait3A_1045 = arith.constant 0 : i32
    %dma_wait3A_1046 = tpu.memref_slice %arg4[%mul3A_1041, %dma_wait3A_1045] : memref<917504x128xf32, #tpu.memory_space<hbm>> -> memref<50x64xf32, #tpu.memory_space<hbm>>
    %dma_wait3A_1047 = arith.constant 0 : i32
    %dma_wait3A_1048 = arith.constant 0 : i32
    %dma_wait3A_1049 = tpu.memref_slice %arg6[%dma_wait3A_1047, %dma_wait3A_1048] : memref<1400x64xf32, #tpu.memory_space<vmem>> -> memref<50x64xf32, #tpu.memory_space<vmem>>
    %dma_wait3A_1050 = arith.constant 0 : i32
    %dma_wait3A_1051 = tpu.memref_slice %arg4[%mul3A_1041, %dma_wait3A_1050] : memref<917504x128xf32, #tpu.memory_space<hbm>> -> memref<50x64xf32, #tpu.memory_space<hbm>>
    tpu.wait_dma2 semaphore(%arg8 : memref<!tpu.dma_semaphore, #tpu.memory_space<semaphore_mem>>) src(%dma_wait3A_1051 : memref<50x64xf32, #tpu.memory_space<hbm>>) dst(%dma_wait3A_1049 : memref<50x64xf32, #tpu.memory_space<vmem>>)
    %mul3A_1052 = arith.constant 56 : i32
    %mul3A_1053 = arith.muli %mul3A_2, %mul3A_1052 : i32
    %dma_wait3A_1054 = arith.constant 0 : i32
    %dma_wait3A_1055 = arith.constant 0 : i32
    %dma_wait3A_1056 = tpu.memref_slice %arg6[%dma_wait3A_1054, %dma_wait3A_1055] : memref<1400x64xf32, #tpu.memory_space<vmem>> -> memref<50x64xf32, #tpu.memory_space<vmem>>
    %dma_wait3A_1057 = arith.constant 0 : i32
    %dma_wait3A_1058 = tpu.memref_slice %arg4[%mul3A_1053, %dma_wait3A_1057] : memref<917504x128xf32, #tpu.memory_space<hbm>> -> memref<50x64xf32, #tpu.memory_space<hbm>>
    %dma_wait3A_1059 = arith.constant 0 : i32
    %dma_wait3A_1060 = arith.constant 0 : i32
    %dma_wait3A_1061 = tpu.memref_slice %arg6[%dma_wait3A_1059, %dma_wait3A_1060] : memref<1400x64xf32, #tpu.memory_space<vmem>> -> memref<50x64xf32, #tpu.memory_space<vmem>>
    %dma_wait3A_1062 = arith.constant 0 : i32
    %dma_wait3A_1063 = tpu.memref_slice %arg4[%mul3A_1053, %dma_wait3A_1062] : memref<917504x128xf32, #tpu.memory_space<hbm>> -> memref<50x64xf32, #tpu.memory_space<hbm>>
    tpu.wait_dma2 semaphore(%arg8 : memref<!tpu.dma_semaphore, #tpu.memory_space<semaphore_mem>>) src(%dma_wait3A_1063 : memref<50x64xf32, #tpu.memory_space<hbm>>) dst(%dma_wait3A_1061 : memref<50x64xf32, #tpu.memory_space<vmem>>)
    %mul3A_1064 = arith.constant 56 : i32
    %mul3A_1065 = arith.muli %mul3A_2, %mul3A_1064 : i32
    %dma_wait3A_1066 = arith.constant 0 : i32
    %dma_wait3A_1067 = arith.constant 0 : i32
    %dma_wait3A_1068 = tpu.memref_slice %arg6[%dma_wait3A_1066, %dma_wait3A_1067] : memref<1400x64xf32, #tpu.memory_space<vmem>> -> memref<50x64xf32, #tpu.memory_space<vmem>>
    %dma_wait3A_1069 = arith.constant 0 : i32
    %dma_wait3A_1070 = tpu.memref_slice %arg4[%mul3A_1065, %dma_wait3A_1069] : memref<917504x128xf32, #tpu.memory_space<hbm>> -> memref<50x64xf32, #tpu.memory_space<hbm>>
    %dma_wait3A_1071 = arith.constant 0 : i32
    %dma_wait3A_1072 = arith.constant 0 : i32
    %dma_wait3A_1073 = tpu.memref_slice %arg6[%dma_wait3A_1071, %dma_wait3A_1072] : memref<1400x64xf32, #tpu.memory_space<vmem>> -> memref<50x64xf32, #tpu.memory_space<vmem>>
    %dma_wait3A_1074 = arith.constant 0 : i32
    %dma_wait3A_1075 = tpu.memref_slice %arg4[%mul3A_1065, %dma_wait3A_1074] : memref<917504x128xf32, #tpu.memory_space<hbm>> -> memref<50x64xf32, #tpu.memory_space<hbm>>
    tpu.wait_dma2 semaphore(%arg8 : memref<!tpu.dma_semaphore, #tpu.memory_space<semaphore_mem>>) src(%dma_wait3A_1075 : memref<50x64xf32, #tpu.memory_space<hbm>>) dst(%dma_wait3A_1073 : memref<50x64xf32, #tpu.memory_space<vmem>>)
    %mul3A_1076 = arith.constant 56 : i32
    %mul3A_1077 = arith.muli %mul3A_2, %mul3A_1076 : i32
    %dma_wait3A_1078 = arith.constant 0 : i32
    %dma_wait3A_1079 = arith.constant 0 : i32
    %dma_wait3A_1080 = tpu.memref_slice %arg6[%dma_wait3A_1078, %dma_wait3A_1079] : memref<1400x64xf32, #tpu.memory_space<vmem>> -> memref<50x64xf32, #tpu.memory_space<vmem>>
    %dma_wait3A_1081 = arith.constant 0 : i32
    %dma_wait3A_1082 = tpu.memref_slice %arg4[%mul3A_1077, %dma_wait3A_1081] : memref<917504x128xf32, #tpu.memory_space<hbm>> -> memref<50x64xf32, #tpu.memory_space<hbm>>
    %dma_wait3A_1083 = arith.constant 0 : i32
    %dma_wait3A_1084 = arith.constant 0 : i32
    %dma_wait3A_1085 = tpu.memref_slice %arg6[%dma_wait3A_1083, %dma_wait3A_1084] : memref<1400x64xf32, #tpu.memory_space<vmem>> -> memref<50x64xf32, #tpu.memory_space<vmem>>
    %dma_wait3A_1086 = arith.constant 0 : i32
    %dma_wait3A_1087 = tpu.memref_slice %arg4[%mul3A_1077, %dma_wait3A_1086] : memref<917504x128xf32, #tpu.memory_space<hbm>> -> memref<50x64xf32, #tpu.memory_space<hbm>>
    tpu.wait_dma2 semaphore(%arg8 : memref<!tpu.dma_semaphore, #tpu.memory_space<semaphore_mem>>) src(%dma_wait3A_1087 : memref<50x64xf32, #tpu.memory_space<hbm>>) dst(%dma_wait3A_1085 : memref<50x64xf32, #tpu.memory_space<vmem>>)
    %mul3A_1088 = arith.constant 56 : i32
    %mul3A_1089 = arith.muli %mul3A_2, %mul3A_1088 : i32
    %dma_wait3A_1090 = arith.constant 0 : i32
    %dma_wait3A_1091 = arith.constant 0 : i32
    %dma_wait3A_1092 = tpu.memref_slice %arg6[%dma_wait3A_1090, %dma_wait3A_1091] : memref<1400x64xf32, #tpu.memory_space<vmem>> -> memref<50x64xf32, #tpu.memory_space<vmem>>
    %dma_wait3A_1093 = arith.constant 0 : i32
    %dma_wait3A_1094 = tpu.memref_slice %arg4[%mul3A_1089, %dma_wait3A_1093] : memref<917504x128xf32, #tpu.memory_space<hbm>> -> memref<50x64xf32, #tpu.memory_space<hbm>>
    %dma_wait3A_1095 = arith.constant 0 : i32
    %dma_wait3A_1096 = arith.constant 0 : i32
    %dma_wait3A_1097 = tpu.memref_slice %arg6[%dma_wait3A_1095, %dma_wait3A_1096] : memref<1400x64xf32, #tpu.memory_space<vmem>> -> memref<50x64xf32, #tpu.memory_space<vmem>>
    %dma_wait3A_1098 = arith.constant 0 : i32
    %dma_wait3A_1099 = tpu.memref_slice %arg4[%mul3A_1089, %dma_wait3A_1098] : memref<917504x128xf32, #tpu.memory_space<hbm>> -> memref<50x64xf32, #tpu.memory_space<hbm>>
    tpu.wait_dma2 semaphore(%arg8 : memref<!tpu.dma_semaphore, #tpu.memory_space<semaphore_mem>>) src(%dma_wait3A_1099 : memref<50x64xf32, #tpu.memory_space<hbm>>) dst(%dma_wait3A_1097 : memref<50x64xf32, #tpu.memory_space<vmem>>)
    return
  }
}

#map = affine_map<(d0, d1) -> (0)>
#map1 = affine_map<(d0, d1) -> (0, 0)>
module attributes {stable_mosaic.version = 14 : i64} {
  func.func @k(%arg0: i32, %arg1: i32, %arg2: memref<16384xi32, #tpu.memory_space<hbm>>, %arg3: memref<1000000x128xf32, #tpu.memory_space<hbm>>, %arg4: memref<16384x128xf32, #tpu.memory_space<hbm>>, %arg5: memref<512xi32, #tpu.memory_space<vmem>>, %arg6: memref<128x128xf32, #tpu.memory_space<vmem>>, %arg7: memref<!tpu.dma_semaphore, #tpu.memory_space<semaphore_mem>>, %arg8: memref<!tpu.dma_semaphore, #tpu.memory_space<semaphore_mem>>) attributes {dimension_semantics = [#tpu.dimension_semantics<core_parallel>, #tpu.dimension_semantics<subcore_parallel>], iteration_bounds = array<i64: 2, 16>, scalar_prefetch = 0 : i64, scratch_operands = 4 : i64, tpu.core_type = #tpu.core_type<sc_vector_subcore>, window_params = [{transform_indices = #map}, {transform_indices = #map1}, {transform_indices = #map1}]} {
    %mul3A = arith.constant 2 : i32
    %mul3A_0 = arith.muli %arg1, %mul3A : i32
    %add3A = arith.addi %mul3A_0, %arg0 : i32
    %mul3A_1 = arith.constant 512 : i32
    %mul3A_2 = arith.muli %add3A, %mul3A_1 : i32
    "tpu.region"() ({
      %run_scoped3A = tpu.sem_alloc : memref<!tpu.dma_semaphore, #tpu.memory_space<semaphore_mem>>
      %dma_start3A_424 = tpu.memref_slice %arg2[%mul3A_2] : memref<16384xi32, #tpu.memory_space<hbm>> -> memref<512xi32, #tpu.memory_space<hbm>>
      %dma_start3A_425 = tpu.memref_slice %arg2[%mul3A_2] : memref<16384xi32, #tpu.memory_space<hbm>> -> memref<512xi32, #tpu.memory_space<hbm>>
      tpu.enqueue_dma source(%dma_start3A_425 : memref<512xi32, #tpu.memory_space<hbm>>) target(%arg5 : memref<512xi32, #tpu.memory_space<vmem>>) target_semaphore(%run_scoped3A : memref<!tpu.dma_semaphore, #tpu.memory_space<semaphore_mem>>)
      %dma_wait3A_426 = tpu.memref_slice %arg2[%mul3A_2] : memref<16384xi32, #tpu.memory_space<hbm>> -> memref<512xi32, #tpu.memory_space<hbm>>
      %dma_wait3A_427 = tpu.memref_slice %arg2[%mul3A_2] : memref<16384xi32, #tpu.memory_space<hbm>> -> memref<512xi32, #tpu.memory_space<hbm>>
      tpu.wait_dma2 semaphore(%run_scoped3A : memref<!tpu.dma_semaphore, #tpu.memory_space<semaphore_mem>>) src(%dma_wait3A_427 : memref<512xi32, #tpu.memory_space<hbm>>) dst(%arg5 : memref<512xi32, #tpu.memory_space<vmem>>)
      tpu.yield
    }) : () -> ()
    %dma_start3A = arith.constant 0 : i32
    %dma_start3A_3 = arith.constant 0 : i32
    %dma_start3A_4 = tpu.memref_slice %arg6[%dma_start3A, %dma_start3A_3] : memref<128x128xf32, #tpu.memory_space<vmem>> -> memref<64x128xf32, #tpu.memory_space<vmem>>
    %dma_start3A_5 = arith.constant 0 : i32
    %dma_start3A_6 = tpu.memref_slice %arg5[%dma_start3A_5] : memref<512xi32, #tpu.memory_space<vmem>> -> memref<64xi32, #tpu.memory_space<vmem>>
    %dma_start3A_7 = arith.constant 0 : i32
    %dma_start3A_8 = arith.constant 0 : i32
    %dma_start3A_9 = tpu.memref_slice %arg3[%dma_start3A_7, %dma_start3A_8] : memref<1000000x128xf32, #tpu.memory_space<hbm>> -> memref<1000000x128xf32, #tpu.memory_space<hbm>>
    tpu.enqueue_indirect_dma source(%dma_start3A_9 : memref<1000000x128xf32, #tpu.memory_space<hbm>>) target(%dma_start3A_4 : memref<64x128xf32, #tpu.memory_space<vmem>>) offsets(%dma_start3A_6 : memref<64xi32, #tpu.memory_space<vmem>>) semaphore(%arg7 : memref<!tpu.dma_semaphore, #tpu.memory_space<semaphore_mem>>)
    %dma_start3A_10 = arith.constant 64 : i32
    %dma_start3A_11 = arith.constant 0 : i32
    %dma_start3A_12 = tpu.memref_slice %arg6[%dma_start3A_10, %dma_start3A_11] : memref<128x128xf32, #tpu.memory_space<vmem>> -> memref<64x128xf32, #tpu.memory_space<vmem>>
    %dma_start3A_13 = arith.constant 64 : i32
    %dma_start3A_14 = tpu.memref_slice %arg5[%dma_start3A_13] : memref<512xi32, #tpu.memory_space<vmem>> -> memref<64xi32, #tpu.memory_space<vmem>>
    %dma_start3A_15 = arith.constant 0 : i32
    %dma_start3A_16 = arith.constant 0 : i32
    %dma_start3A_17 = tpu.memref_slice %arg3[%dma_start3A_15, %dma_start3A_16] : memref<1000000x128xf32, #tpu.memory_space<hbm>> -> memref<1000000x128xf32, #tpu.memory_space<hbm>>
    tpu.enqueue_indirect_dma source(%dma_start3A_17 : memref<1000000x128xf32, #tpu.memory_space<hbm>>) target(%dma_start3A_12 : memref<64x128xf32, #tpu.memory_space<vmem>>) offsets(%dma_start3A_14 : memref<64xi32, #tpu.memory_space<vmem>>) semaphore(%arg7 : memref<!tpu.dma_semaphore, #tpu.memory_space<semaphore_mem>>)
    %dma_wait3A = arith.constant 0 : i32
    %dma_wait3A_18 = arith.constant 0 : i32
    %dma_wait3A_19 = tpu.memref_slice %arg6[%dma_wait3A, %dma_wait3A_18] : memref<128x128xf32, #tpu.memory_space<vmem>> -> memref<64x128xf32, #tpu.memory_space<vmem>>
    %dma_wait3A_20 = arith.constant 0 : i32
    %dma_wait3A_21 = arith.constant 0 : i32
    %dma_wait3A_22 = tpu.memref_slice %arg3[%dma_wait3A_20, %dma_wait3A_21] : memref<1000000x128xf32, #tpu.memory_space<hbm>> -> memref<64x128xf32, #tpu.memory_space<hbm>>
    %dma_wait3A_23 = arith.constant 0 : i32
    %dma_wait3A_24 = arith.constant 0 : i32
    %dma_wait3A_25 = tpu.memref_slice %arg6[%dma_wait3A_23, %dma_wait3A_24] : memref<128x128xf32, #tpu.memory_space<vmem>> -> memref<64x128xf32, #tpu.memory_space<vmem>>
    %dma_wait3A_26 = arith.constant 0 : i32
    %dma_wait3A_27 = arith.constant 0 : i32
    %dma_wait3A_28 = tpu.memref_slice %arg3[%dma_wait3A_26, %dma_wait3A_27] : memref<1000000x128xf32, #tpu.memory_space<hbm>> -> memref<64x128xf32, #tpu.memory_space<hbm>>
    tpu.wait_dma2 semaphore(%arg7 : memref<!tpu.dma_semaphore, #tpu.memory_space<semaphore_mem>>) src(%dma_wait3A_28 : memref<64x128xf32, #tpu.memory_space<hbm>>) dst(%dma_wait3A_25 : memref<64x128xf32, #tpu.memory_space<vmem>>)
    %mul3A_29 = arith.constant 512 : i32
    %mul3A_30 = arith.muli %add3A, %mul3A_29 : i32
    %add3A_31 = arith.constant 0 : i32
    %add3A_32 = arith.addi %mul3A_30, %add3A_31 : i32
    %multiple_of3A = tpu.assume_multiple %add3A_32, 8 : i32
    %dma_start3A_33 = arith.constant 0 : i32
    %dma_start3A_34 = arith.constant 0 : i32
    %dma_start3A_35 = tpu.memref_slice %arg6[%dma_start3A_33, %dma_start3A_34] : memref<128x128xf32, #tpu.memory_space<vmem>> -> memref<64x128xf32, #tpu.memory_space<vmem>>
    %dma_start3A_36 = arith.constant 0 : i32
    %dma_start3A_37 = arith.constant 0 : i32
    %dma_start3A_38 = tpu.memref_slice %dma_start3A_35[%dma_start3A_36, %dma_start3A_37] : memref<64x128xf32, #tpu.memory_space<vmem>> -> memref<64x64xf32, #tpu.memory_space<vmem>>
    %dma_start3A_39 = arith.constant 0 : i32
    %dma_start3A_40 = tpu.memref_slice %arg4[%multiple_of3A, %dma_start3A_39] : memref<16384x128xf32, #tpu.memory_space<hbm>> -> memref<64x64xf32, #tpu.memory_space<hbm>>
    %dma_start3A_41 = arith.constant 0 : i32
    %dma_start3A_42 = tpu.memref_slice %arg4[%multiple_of3A, %dma_start3A_41] : memref<16384x128xf32, #tpu.memory_space<hbm>> -> memref<64x64xf32, #tpu.memory_space<hbm>>
    %dma_start3A_43 = arith.constant 0 : i32
    %dma_start3A_44 = arith.constant 0 : i32
    %dma_start3A_45 = tpu.memref_slice %arg6[%dma_start3A_43, %dma_start3A_44] : memref<128x128xf32, #tpu.memory_space<vmem>> -> memref<64x128xf32, #tpu.memory_space<vmem>>
    %dma_start3A_46 = arith.constant 0 : i32
    %dma_start3A_47 = arith.constant 0 : i32
    %dma_start3A_48 = tpu.memref_slice %dma_start3A_45[%dma_start3A_46, %dma_start3A_47] : memref<64x128xf32, #tpu.memory_space<vmem>> -> memref<64x64xf32, #tpu.memory_space<vmem>>
    tpu.enqueue_dma source(%dma_start3A_48 : memref<64x64xf32, #tpu.memory_space<vmem>>) target(%dma_start3A_42 : memref<64x64xf32, #tpu.memory_space<hbm>>) target_semaphore(%arg8 : memref<!tpu.dma_semaphore, #tpu.memory_space<semaphore_mem>>)
    %mul3A_49 = arith.constant 512 : i32
    %mul3A_50 = arith.muli %add3A, %mul3A_49 : i32
    %dma_wait3A_51 = arith.constant 0 : i32
    %dma_wait3A_52 = arith.constant 0 : i32
    %dma_wait3A_53 = tpu.memref_slice %arg6[%dma_wait3A_51, %dma_wait3A_52] : memref<128x128xf32, #tpu.memory_space<vmem>> -> memref<64x64xf32, #tpu.memory_space<vmem>>
    %dma_wait3A_54 = arith.constant 0 : i32
    %dma_wait3A_55 = tpu.memref_slice %arg4[%mul3A_50, %dma_wait3A_54] : memref<16384x128xf32, #tpu.memory_space<hbm>> -> memref<64x64xf32, #tpu.memory_space<hbm>>
    %dma_wait3A_56 = arith.constant 0 : i32
    %dma_wait3A_57 = arith.constant 0 : i32
    %dma_wait3A_58 = tpu.memref_slice %arg6[%dma_wait3A_56, %dma_wait3A_57] : memref<128x128xf32, #tpu.memory_space<vmem>> -> memref<64x64xf32, #tpu.memory_space<vmem>>
    %dma_wait3A_59 = arith.constant 0 : i32
    %dma_wait3A_60 = tpu.memref_slice %arg4[%mul3A_50, %dma_wait3A_59] : memref<16384x128xf32, #tpu.memory_space<hbm>> -> memref<64x64xf32, #tpu.memory_space<hbm>>
    tpu.wait_dma2 semaphore(%arg8 : memref<!tpu.dma_semaphore, #tpu.memory_space<semaphore_mem>>) src(%dma_wait3A_60 : memref<64x64xf32, #tpu.memory_space<hbm>>) dst(%dma_wait3A_58 : memref<64x64xf32, #tpu.memory_space<vmem>>)
    %dma_start3A_61 = arith.constant 0 : i32
    %dma_start3A_62 = arith.constant 0 : i32
    %dma_start3A_63 = tpu.memref_slice %arg6[%dma_start3A_61, %dma_start3A_62] : memref<128x128xf32, #tpu.memory_space<vmem>> -> memref<64x128xf32, #tpu.memory_space<vmem>>
    %dma_start3A_64 = arith.constant 128 : i32
    %dma_start3A_65 = tpu.memref_slice %arg5[%dma_start3A_64] : memref<512xi32, #tpu.memory_space<vmem>> -> memref<64xi32, #tpu.memory_space<vmem>>
    %dma_start3A_66 = arith.constant 0 : i32
    %dma_start3A_67 = arith.constant 0 : i32
    %dma_start3A_68 = tpu.memref_slice %arg3[%dma_start3A_66, %dma_start3A_67] : memref<1000000x128xf32, #tpu.memory_space<hbm>> -> memref<1000000x128xf32, #tpu.memory_space<hbm>>
    tpu.enqueue_indirect_dma source(%dma_start3A_68 : memref<1000000x128xf32, #tpu.memory_space<hbm>>) target(%dma_start3A_63 : memref<64x128xf32, #tpu.memory_space<vmem>>) offsets(%dma_start3A_65 : memref<64xi32, #tpu.memory_space<vmem>>) semaphore(%arg7 : memref<!tpu.dma_semaphore, #tpu.memory_space<semaphore_mem>>)
    %dma_wait3A_69 = arith.constant 0 : i32
    %dma_wait3A_70 = arith.constant 0 : i32
    %dma_wait3A_71 = tpu.memref_slice %arg6[%dma_wait3A_69, %dma_wait3A_70] : memref<128x128xf32, #tpu.memory_space<vmem>> -> memref<64x128xf32, #tpu.memory_space<vmem>>
    %dma_wait3A_72 = arith.constant 0 : i32
    %dma_wait3A_73 = arith.constant 0 : i32
    %dma_wait3A_74 = tpu.memref_slice %arg3[%dma_wait3A_72, %dma_wait3A_73] : memref<1000000x128xf32, #tpu.memory_space<hbm>> -> memref<64x128xf32, #tpu.memory_space<hbm>>
    %dma_wait3A_75 = arith.constant 0 : i32
    %dma_wait3A_76 = arith.constant 0 : i32
    %dma_wait3A_77 = tpu.memref_slice %arg6[%dma_wait3A_75, %dma_wait3A_76] : memref<128x128xf32, #tpu.memory_space<vmem>> -> memref<64x128xf32, #tpu.memory_space<vmem>>
    %dma_wait3A_78 = arith.constant 0 : i32
    %dma_wait3A_79 = arith.constant 0 : i32
    %dma_wait3A_80 = tpu.memref_slice %arg3[%dma_wait3A_78, %dma_wait3A_79] : memref<1000000x128xf32, #tpu.memory_space<hbm>> -> memref<64x128xf32, #tpu.memory_space<hbm>>
    tpu.wait_dma2 semaphore(%arg7 : memref<!tpu.dma_semaphore, #tpu.memory_space<semaphore_mem>>) src(%dma_wait3A_80 : memref<64x128xf32, #tpu.memory_space<hbm>>) dst(%dma_wait3A_77 : memref<64x128xf32, #tpu.memory_space<vmem>>)
    %mul3A_81 = arith.constant 512 : i32
    %mul3A_82 = arith.muli %add3A, %mul3A_81 : i32
    %add3A_83 = arith.constant 64 : i32
    %add3A_84 = arith.addi %mul3A_82, %add3A_83 : i32
    %multiple_of3A_85 = tpu.assume_multiple %add3A_84, 8 : i32
    %dma_start3A_86 = arith.constant 64 : i32
    %dma_start3A_87 = arith.constant 0 : i32
    %dma_start3A_88 = tpu.memref_slice %arg6[%dma_start3A_86, %dma_start3A_87] : memref<128x128xf32, #tpu.memory_space<vmem>> -> memref<64x128xf32, #tpu.memory_space<vmem>>
    %dma_start3A_89 = arith.constant 0 : i32
    %dma_start3A_90 = arith.constant 0 : i32
    %dma_start3A_91 = tpu.memref_slice %dma_start3A_88[%dma_start3A_89, %dma_start3A_90] : memref<64x128xf32, #tpu.memory_space<vmem>> -> memref<64x64xf32, #tpu.memory_space<vmem>>
    %dma_start3A_92 = arith.constant 0 : i32
    %dma_start3A_93 = tpu.memref_slice %arg4[%multiple_of3A_85, %dma_start3A_92] : memref<16384x128xf32, #tpu.memory_space<hbm>> -> memref<64x64xf32, #tpu.memory_space<hbm>>
    %dma_start3A_94 = arith.constant 0 : i32
    %dma_start3A_95 = tpu.memref_slice %arg4[%multiple_of3A_85, %dma_start3A_94] : memref<16384x128xf32, #tpu.memory_space<hbm>> -> memref<64x64xf32, #tpu.memory_space<hbm>>
    %dma_start3A_96 = arith.constant 64 : i32
    %dma_start3A_97 = arith.constant 0 : i32
    %dma_start3A_98 = tpu.memref_slice %arg6[%dma_start3A_96, %dma_start3A_97] : memref<128x128xf32, #tpu.memory_space<vmem>> -> memref<64x128xf32, #tpu.memory_space<vmem>>
    %dma_start3A_99 = arith.constant 0 : i32
    %dma_start3A_100 = arith.constant 0 : i32
    %dma_start3A_101 = tpu.memref_slice %dma_start3A_98[%dma_start3A_99, %dma_start3A_100] : memref<64x128xf32, #tpu.memory_space<vmem>> -> memref<64x64xf32, #tpu.memory_space<vmem>>
    tpu.enqueue_dma source(%dma_start3A_101 : memref<64x64xf32, #tpu.memory_space<vmem>>) target(%dma_start3A_95 : memref<64x64xf32, #tpu.memory_space<hbm>>) target_semaphore(%arg8 : memref<!tpu.dma_semaphore, #tpu.memory_space<semaphore_mem>>)
    %mul3A_102 = arith.constant 512 : i32
    %mul3A_103 = arith.muli %add3A, %mul3A_102 : i32
    %dma_wait3A_104 = arith.constant 0 : i32
    %dma_wait3A_105 = arith.constant 0 : i32
    %dma_wait3A_106 = tpu.memref_slice %arg6[%dma_wait3A_104, %dma_wait3A_105] : memref<128x128xf32, #tpu.memory_space<vmem>> -> memref<64x64xf32, #tpu.memory_space<vmem>>
    %dma_wait3A_107 = arith.constant 0 : i32
    %dma_wait3A_108 = tpu.memref_slice %arg4[%mul3A_103, %dma_wait3A_107] : memref<16384x128xf32, #tpu.memory_space<hbm>> -> memref<64x64xf32, #tpu.memory_space<hbm>>
    %dma_wait3A_109 = arith.constant 0 : i32
    %dma_wait3A_110 = arith.constant 0 : i32
    %dma_wait3A_111 = tpu.memref_slice %arg6[%dma_wait3A_109, %dma_wait3A_110] : memref<128x128xf32, #tpu.memory_space<vmem>> -> memref<64x64xf32, #tpu.memory_space<vmem>>
    %dma_wait3A_112 = arith.constant 0 : i32
    %dma_wait3A_113 = tpu.memref_slice %arg4[%mul3A_103, %dma_wait3A_112] : memref<16384x128xf32, #tpu.memory_space<hbm>> -> memref<64x64xf32, #tpu.memory_space<hbm>>
    tpu.wait_dma2 semaphore(%arg8 : memref<!tpu.dma_semaphore, #tpu.memory_space<semaphore_mem>>) src(%dma_wait3A_113 : memref<64x64xf32, #tpu.memory_space<hbm>>) dst(%dma_wait3A_111 : memref<64x64xf32, #tpu.memory_space<vmem>>)
    %dma_start3A_114 = arith.constant 64 : i32
    %dma_start3A_115 = arith.constant 0 : i32
    %dma_start3A_116 = tpu.memref_slice %arg6[%dma_start3A_114, %dma_start3A_115] : memref<128x128xf32, #tpu.memory_space<vmem>> -> memref<64x128xf32, #tpu.memory_space<vmem>>
    %dma_start3A_117 = arith.constant 192 : i32
    %dma_start3A_118 = tpu.memref_slice %arg5[%dma_start3A_117] : memref<512xi32, #tpu.memory_space<vmem>> -> memref<64xi32, #tpu.memory_space<vmem>>
    %dma_start3A_119 = arith.constant 0 : i32
    %dma_start3A_120 = arith.constant 0 : i32
    %dma_start3A_121 = tpu.memref_slice %arg3[%dma_start3A_119, %dma_start3A_120] : memref<1000000x128xf32, #tpu.memory_space<hbm>> -> memref<1000000x128xf32, #tpu.memory_space<hbm>>
    tpu.enqueue_indirect_dma source(%dma_start3A_121 : memref<1000000x128xf32, #tpu.memory_space<hbm>>) target(%dma_start3A_116 : memref<64x128xf32, #tpu.memory_space<vmem>>) offsets(%dma_start3A_118 : memref<64xi32, #tpu.memory_space<vmem>>) semaphore(%arg7 : memref<!tpu.dma_semaphore, #tpu.memory_space<semaphore_mem>>)
    %dma_wait3A_122 = arith.constant 0 : i32
    %dma_wait3A_123 = arith.constant 0 : i32
    %dma_wait3A_124 = tpu.memref_slice %arg6[%dma_wait3A_122, %dma_wait3A_123] : memref<128x128xf32, #tpu.memory_space<vmem>> -> memref<64x128xf32, #tpu.memory_space<vmem>>
    %dma_wait3A_125 = arith.constant 0 : i32
    %dma_wait3A_126 = arith.constant 0 : i32
    %dma_wait3A_127 = tpu.memref_slice %arg3[%dma_wait3A_125, %dma_wait3A_126] : memref<1000000x128xf32, #tpu.memory_space<hbm>> -> memref<64x128xf32, #tpu.memory_space<hbm>>
    %dma_wait3A_128 = arith.constant 0 : i32
    %dma_wait3A_129 = arith.constant 0 : i32
    %dma_wait3A_130 = tpu.memref_slice %arg6[%dma_wait3A_128, %dma_wait3A_129] : memref<128x128xf32, #tpu.memory_space<vmem>> -> memref<64x128xf32, #tpu.memory_space<vmem>>
    %dma_wait3A_131 = arith.constant 0 : i32
    %dma_wait3A_132 = arith.constant 0 : i32
    %dma_wait3A_133 = tpu.memref_slice %arg3[%dma_wait3A_131, %dma_wait3A_132] : memref<1000000x128xf32, #tpu.memory_space<hbm>> -> memref<64x128xf32, #tpu.memory_space<hbm>>
    tpu.wait_dma2 semaphore(%arg7 : memref<!tpu.dma_semaphore, #tpu.memory_space<semaphore_mem>>) src(%dma_wait3A_133 : memref<64x128xf32, #tpu.memory_space<hbm>>) dst(%dma_wait3A_130 : memref<64x128xf32, #tpu.memory_space<vmem>>)
    %mul3A_134 = arith.constant 512 : i32
    %mul3A_135 = arith.muli %add3A, %mul3A_134 : i32
    %add3A_136 = arith.constant 128 : i32
    %add3A_137 = arith.addi %mul3A_135, %add3A_136 : i32
    %multiple_of3A_138 = tpu.assume_multiple %add3A_137, 8 : i32
    %dma_start3A_139 = arith.constant 0 : i32
    %dma_start3A_140 = arith.constant 0 : i32
    %dma_start3A_141 = tpu.memref_slice %arg6[%dma_start3A_139, %dma_start3A_140] : memref<128x128xf32, #tpu.memory_space<vmem>> -> memref<64x128xf32, #tpu.memory_space<vmem>>
    %dma_start3A_142 = arith.constant 0 : i32
    %dma_start3A_143 = arith.constant 0 : i32
    %dma_start3A_144 = tpu.memref_slice %dma_start3A_141[%dma_start3A_142, %dma_start3A_143] : memref<64x128xf32, #tpu.memory_space<vmem>> -> memref<64x64xf32, #tpu.memory_space<vmem>>
    %dma_start3A_145 = arith.constant 0 : i32
    %dma_start3A_146 = tpu.memref_slice %arg4[%multiple_of3A_138, %dma_start3A_145] : memref<16384x128xf32, #tpu.memory_space<hbm>> -> memref<64x64xf32, #tpu.memory_space<hbm>>
    %dma_start3A_147 = arith.constant 0 : i32
    %dma_start3A_148 = tpu.memref_slice %arg4[%multiple_of3A_138, %dma_start3A_147] : memref<16384x128xf32, #tpu.memory_space<hbm>> -> memref<64x64xf32, #tpu.memory_space<hbm>>
    %dma_start3A_149 = arith.constant 0 : i32
    %dma_start3A_150 = arith.constant 0 : i32
    %dma_start3A_151 = tpu.memref_slice %arg6[%dma_start3A_149, %dma_start3A_150] : memref<128x128xf32, #tpu.memory_space<vmem>> -> memref<64x128xf32, #tpu.memory_space<vmem>>
    %dma_start3A_152 = arith.constant 0 : i32
    %dma_start3A_153 = arith.constant 0 : i32
    %dma_start3A_154 = tpu.memref_slice %dma_start3A_151[%dma_start3A_152, %dma_start3A_153] : memref<64x128xf32, #tpu.memory_space<vmem>> -> memref<64x64xf32, #tpu.memory_space<vmem>>
    tpu.enqueue_dma source(%dma_start3A_154 : memref<64x64xf32, #tpu.memory_space<vmem>>) target(%dma_start3A_148 : memref<64x64xf32, #tpu.memory_space<hbm>>) target_semaphore(%arg8 : memref<!tpu.dma_semaphore, #tpu.memory_space<semaphore_mem>>)
    %mul3A_155 = arith.constant 512 : i32
    %mul3A_156 = arith.muli %add3A, %mul3A_155 : i32
    %dma_wait3A_157 = arith.constant 0 : i32
    %dma_wait3A_158 = arith.constant 0 : i32
    %dma_wait3A_159 = tpu.memref_slice %arg6[%dma_wait3A_157, %dma_wait3A_158] : memref<128x128xf32, #tpu.memory_space<vmem>> -> memref<64x64xf32, #tpu.memory_space<vmem>>
    %dma_wait3A_160 = arith.constant 0 : i32
    %dma_wait3A_161 = tpu.memref_slice %arg4[%mul3A_156, %dma_wait3A_160] : memref<16384x128xf32, #tpu.memory_space<hbm>> -> memref<64x64xf32, #tpu.memory_space<hbm>>
    %dma_wait3A_162 = arith.constant 0 : i32
    %dma_wait3A_163 = arith.constant 0 : i32
    %dma_wait3A_164 = tpu.memref_slice %arg6[%dma_wait3A_162, %dma_wait3A_163] : memref<128x128xf32, #tpu.memory_space<vmem>> -> memref<64x64xf32, #tpu.memory_space<vmem>>
    %dma_wait3A_165 = arith.constant 0 : i32
    %dma_wait3A_166 = tpu.memref_slice %arg4[%mul3A_156, %dma_wait3A_165] : memref<16384x128xf32, #tpu.memory_space<hbm>> -> memref<64x64xf32, #tpu.memory_space<hbm>>
    tpu.wait_dma2 semaphore(%arg8 : memref<!tpu.dma_semaphore, #tpu.memory_space<semaphore_mem>>) src(%dma_wait3A_166 : memref<64x64xf32, #tpu.memory_space<hbm>>) dst(%dma_wait3A_164 : memref<64x64xf32, #tpu.memory_space<vmem>>)
    %dma_start3A_167 = arith.constant 0 : i32
    %dma_start3A_168 = arith.constant 0 : i32
    %dma_start3A_169 = tpu.memref_slice %arg6[%dma_start3A_167, %dma_start3A_168] : memref<128x128xf32, #tpu.memory_space<vmem>> -> memref<64x128xf32, #tpu.memory_space<vmem>>
    %dma_start3A_170 = arith.constant 256 : i32
    %dma_start3A_171 = tpu.memref_slice %arg5[%dma_start3A_170] : memref<512xi32, #tpu.memory_space<vmem>> -> memref<64xi32, #tpu.memory_space<vmem>>
    %dma_start3A_172 = arith.constant 0 : i32
    %dma_start3A_173 = arith.constant 0 : i32
    %dma_start3A_174 = tpu.memref_slice %arg3[%dma_start3A_172, %dma_start3A_173] : memref<1000000x128xf32, #tpu.memory_space<hbm>> -> memref<1000000x128xf32, #tpu.memory_space<hbm>>
    tpu.enqueue_indirect_dma source(%dma_start3A_174 : memref<1000000x128xf32, #tpu.memory_space<hbm>>) target(%dma_start3A_169 : memref<64x128xf32, #tpu.memory_space<vmem>>) offsets(%dma_start3A_171 : memref<64xi32, #tpu.memory_space<vmem>>) semaphore(%arg7 : memref<!tpu.dma_semaphore, #tpu.memory_space<semaphore_mem>>)
    %dma_wait3A_175 = arith.constant 0 : i32
    %dma_wait3A_176 = arith.constant 0 : i32
    %dma_wait3A_177 = tpu.memref_slice %arg6[%dma_wait3A_175, %dma_wait3A_176] : memref<128x128xf32, #tpu.memory_space<vmem>> -> memref<64x128xf32, #tpu.memory_space<vmem>>
    %dma_wait3A_178 = arith.constant 0 : i32
    %dma_wait3A_179 = arith.constant 0 : i32
    %dma_wait3A_180 = tpu.memref_slice %arg3[%dma_wait3A_178, %dma_wait3A_179] : memref<1000000x128xf32, #tpu.memory_space<hbm>> -> memref<64x128xf32, #tpu.memory_space<hbm>>
    %dma_wait3A_181 = arith.constant 0 : i32
    %dma_wait3A_182 = arith.constant 0 : i32
    %dma_wait3A_183 = tpu.memref_slice %arg6[%dma_wait3A_181, %dma_wait3A_182] : memref<128x128xf32, #tpu.memory_space<vmem>> -> memref<64x128xf32, #tpu.memory_space<vmem>>
    %dma_wait3A_184 = arith.constant 0 : i32
    %dma_wait3A_185 = arith.constant 0 : i32
    %dma_wait3A_186 = tpu.memref_slice %arg3[%dma_wait3A_184, %dma_wait3A_185] : memref<1000000x128xf32, #tpu.memory_space<hbm>> -> memref<64x128xf32, #tpu.memory_space<hbm>>
    tpu.wait_dma2 semaphore(%arg7 : memref<!tpu.dma_semaphore, #tpu.memory_space<semaphore_mem>>) src(%dma_wait3A_186 : memref<64x128xf32, #tpu.memory_space<hbm>>) dst(%dma_wait3A_183 : memref<64x128xf32, #tpu.memory_space<vmem>>)
    %mul3A_187 = arith.constant 512 : i32
    %mul3A_188 = arith.muli %add3A, %mul3A_187 : i32
    %add3A_189 = arith.constant 192 : i32
    %add3A_190 = arith.addi %mul3A_188, %add3A_189 : i32
    %multiple_of3A_191 = tpu.assume_multiple %add3A_190, 8 : i32
    %dma_start3A_192 = arith.constant 64 : i32
    %dma_start3A_193 = arith.constant 0 : i32
    %dma_start3A_194 = tpu.memref_slice %arg6[%dma_start3A_192, %dma_start3A_193] : memref<128x128xf32, #tpu.memory_space<vmem>> -> memref<64x128xf32, #tpu.memory_space<vmem>>
    %dma_start3A_195 = arith.constant 0 : i32
    %dma_start3A_196 = arith.constant 0 : i32
    %dma_start3A_197 = tpu.memref_slice %dma_start3A_194[%dma_start3A_195, %dma_start3A_196] : memref<64x128xf32, #tpu.memory_space<vmem>> -> memref<64x64xf32, #tpu.memory_space<vmem>>
    %dma_start3A_198 = arith.constant 0 : i32
    %dma_start3A_199 = tpu.memref_slice %arg4[%multiple_of3A_191, %dma_start3A_198] : memref<16384x128xf32, #tpu.memory_space<hbm>> -> memref<64x64xf32, #tpu.memory_space<hbm>>
    %dma_start3A_200 = arith.constant 0 : i32
    %dma_start3A_201 = tpu.memref_slice %arg4[%multiple_of3A_191, %dma_start3A_200] : memref<16384x128xf32, #tpu.memory_space<hbm>> -> memref<64x64xf32, #tpu.memory_space<hbm>>
    %dma_start3A_202 = arith.constant 64 : i32
    %dma_start3A_203 = arith.constant 0 : i32
    %dma_start3A_204 = tpu.memref_slice %arg6[%dma_start3A_202, %dma_start3A_203] : memref<128x128xf32, #tpu.memory_space<vmem>> -> memref<64x128xf32, #tpu.memory_space<vmem>>
    %dma_start3A_205 = arith.constant 0 : i32
    %dma_start3A_206 = arith.constant 0 : i32
    %dma_start3A_207 = tpu.memref_slice %dma_start3A_204[%dma_start3A_205, %dma_start3A_206] : memref<64x128xf32, #tpu.memory_space<vmem>> -> memref<64x64xf32, #tpu.memory_space<vmem>>
    tpu.enqueue_dma source(%dma_start3A_207 : memref<64x64xf32, #tpu.memory_space<vmem>>) target(%dma_start3A_201 : memref<64x64xf32, #tpu.memory_space<hbm>>) target_semaphore(%arg8 : memref<!tpu.dma_semaphore, #tpu.memory_space<semaphore_mem>>)
    %mul3A_208 = arith.constant 512 : i32
    %mul3A_209 = arith.muli %add3A, %mul3A_208 : i32
    %dma_wait3A_210 = arith.constant 0 : i32
    %dma_wait3A_211 = arith.constant 0 : i32
    %dma_wait3A_212 = tpu.memref_slice %arg6[%dma_wait3A_210, %dma_wait3A_211] : memref<128x128xf32, #tpu.memory_space<vmem>> -> memref<64x64xf32, #tpu.memory_space<vmem>>
    %dma_wait3A_213 = arith.constant 0 : i32
    %dma_wait3A_214 = tpu.memref_slice %arg4[%mul3A_209, %dma_wait3A_213] : memref<16384x128xf32, #tpu.memory_space<hbm>> -> memref<64x64xf32, #tpu.memory_space<hbm>>
    %dma_wait3A_215 = arith.constant 0 : i32
    %dma_wait3A_216 = arith.constant 0 : i32
    %dma_wait3A_217 = tpu.memref_slice %arg6[%dma_wait3A_215, %dma_wait3A_216] : memref<128x128xf32, #tpu.memory_space<vmem>> -> memref<64x64xf32, #tpu.memory_space<vmem>>
    %dma_wait3A_218 = arith.constant 0 : i32
    %dma_wait3A_219 = tpu.memref_slice %arg4[%mul3A_209, %dma_wait3A_218] : memref<16384x128xf32, #tpu.memory_space<hbm>> -> memref<64x64xf32, #tpu.memory_space<hbm>>
    tpu.wait_dma2 semaphore(%arg8 : memref<!tpu.dma_semaphore, #tpu.memory_space<semaphore_mem>>) src(%dma_wait3A_219 : memref<64x64xf32, #tpu.memory_space<hbm>>) dst(%dma_wait3A_217 : memref<64x64xf32, #tpu.memory_space<vmem>>)
    %dma_start3A_220 = arith.constant 64 : i32
    %dma_start3A_221 = arith.constant 0 : i32
    %dma_start3A_222 = tpu.memref_slice %arg6[%dma_start3A_220, %dma_start3A_221] : memref<128x128xf32, #tpu.memory_space<vmem>> -> memref<64x128xf32, #tpu.memory_space<vmem>>
    %dma_start3A_223 = arith.constant 320 : i32
    %dma_start3A_224 = tpu.memref_slice %arg5[%dma_start3A_223] : memref<512xi32, #tpu.memory_space<vmem>> -> memref<64xi32, #tpu.memory_space<vmem>>
    %dma_start3A_225 = arith.constant 0 : i32
    %dma_start3A_226 = arith.constant 0 : i32
    %dma_start3A_227 = tpu.memref_slice %arg3[%dma_start3A_225, %dma_start3A_226] : memref<1000000x128xf32, #tpu.memory_space<hbm>> -> memref<1000000x128xf32, #tpu.memory_space<hbm>>
    tpu.enqueue_indirect_dma source(%dma_start3A_227 : memref<1000000x128xf32, #tpu.memory_space<hbm>>) target(%dma_start3A_222 : memref<64x128xf32, #tpu.memory_space<vmem>>) offsets(%dma_start3A_224 : memref<64xi32, #tpu.memory_space<vmem>>) semaphore(%arg7 : memref<!tpu.dma_semaphore, #tpu.memory_space<semaphore_mem>>)
    %dma_wait3A_228 = arith.constant 0 : i32
    %dma_wait3A_229 = arith.constant 0 : i32
    %dma_wait3A_230 = tpu.memref_slice %arg6[%dma_wait3A_228, %dma_wait3A_229] : memref<128x128xf32, #tpu.memory_space<vmem>> -> memref<64x128xf32, #tpu.memory_space<vmem>>
    %dma_wait3A_231 = arith.constant 0 : i32
    %dma_wait3A_232 = arith.constant 0 : i32
    %dma_wait3A_233 = tpu.memref_slice %arg3[%dma_wait3A_231, %dma_wait3A_232] : memref<1000000x128xf32, #tpu.memory_space<hbm>> -> memref<64x128xf32, #tpu.memory_space<hbm>>
    %dma_wait3A_234 = arith.constant 0 : i32
    %dma_wait3A_235 = arith.constant 0 : i32
    %dma_wait3A_236 = tpu.memref_slice %arg6[%dma_wait3A_234, %dma_wait3A_235] : memref<128x128xf32, #tpu.memory_space<vmem>> -> memref<64x128xf32, #tpu.memory_space<vmem>>
    %dma_wait3A_237 = arith.constant 0 : i32
    %dma_wait3A_238 = arith.constant 0 : i32
    %dma_wait3A_239 = tpu.memref_slice %arg3[%dma_wait3A_237, %dma_wait3A_238] : memref<1000000x128xf32, #tpu.memory_space<hbm>> -> memref<64x128xf32, #tpu.memory_space<hbm>>
    tpu.wait_dma2 semaphore(%arg7 : memref<!tpu.dma_semaphore, #tpu.memory_space<semaphore_mem>>) src(%dma_wait3A_239 : memref<64x128xf32, #tpu.memory_space<hbm>>) dst(%dma_wait3A_236 : memref<64x128xf32, #tpu.memory_space<vmem>>)
    %mul3A_240 = arith.constant 512 : i32
    %mul3A_241 = arith.muli %add3A, %mul3A_240 : i32
    %add3A_242 = arith.constant 256 : i32
    %add3A_243 = arith.addi %mul3A_241, %add3A_242 : i32
    %multiple_of3A_244 = tpu.assume_multiple %add3A_243, 8 : i32
    %dma_start3A_245 = arith.constant 0 : i32
    %dma_start3A_246 = arith.constant 0 : i32
    %dma_start3A_247 = tpu.memref_slice %arg6[%dma_start3A_245, %dma_start3A_246] : memref<128x128xf32, #tpu.memory_space<vmem>> -> memref<64x128xf32, #tpu.memory_space<vmem>>
    %dma_start3A_248 = arith.constant 0 : i32
    %dma_start3A_249 = arith.constant 0 : i32
    %dma_start3A_250 = tpu.memref_slice %dma_start3A_247[%dma_start3A_248, %dma_start3A_249] : memref<64x128xf32, #tpu.memory_space<vmem>> -> memref<64x64xf32, #tpu.memory_space<vmem>>
    %dma_start3A_251 = arith.constant 0 : i32
    %dma_start3A_252 = tpu.memref_slice %arg4[%multiple_of3A_244, %dma_start3A_251] : memref<16384x128xf32, #tpu.memory_space<hbm>> -> memref<64x64xf32, #tpu.memory_space<hbm>>
    %dma_start3A_253 = arith.constant 0 : i32
    %dma_start3A_254 = tpu.memref_slice %arg4[%multiple_of3A_244, %dma_start3A_253] : memref<16384x128xf32, #tpu.memory_space<hbm>> -> memref<64x64xf32, #tpu.memory_space<hbm>>
    %dma_start3A_255 = arith.constant 0 : i32
    %dma_start3A_256 = arith.constant 0 : i32
    %dma_start3A_257 = tpu.memref_slice %arg6[%dma_start3A_255, %dma_start3A_256] : memref<128x128xf32, #tpu.memory_space<vmem>> -> memref<64x128xf32, #tpu.memory_space<vmem>>
    %dma_start3A_258 = arith.constant 0 : i32
    %dma_start3A_259 = arith.constant 0 : i32
    %dma_start3A_260 = tpu.memref_slice %dma_start3A_257[%dma_start3A_258, %dma_start3A_259] : memref<64x128xf32, #tpu.memory_space<vmem>> -> memref<64x64xf32, #tpu.memory_space<vmem>>
    tpu.enqueue_dma source(%dma_start3A_260 : memref<64x64xf32, #tpu.memory_space<vmem>>) target(%dma_start3A_254 : memref<64x64xf32, #tpu.memory_space<hbm>>) target_semaphore(%arg8 : memref<!tpu.dma_semaphore, #tpu.memory_space<semaphore_mem>>)
    %mul3A_261 = arith.constant 512 : i32
    %mul3A_262 = arith.muli %add3A, %mul3A_261 : i32
    %dma_wait3A_263 = arith.constant 0 : i32
    %dma_wait3A_264 = arith.constant 0 : i32
    %dma_wait3A_265 = tpu.memref_slice %arg6[%dma_wait3A_263, %dma_wait3A_264] : memref<128x128xf32, #tpu.memory_space<vmem>> -> memref<64x64xf32, #tpu.memory_space<vmem>>
    %dma_wait3A_266 = arith.constant 0 : i32
    %dma_wait3A_267 = tpu.memref_slice %arg4[%mul3A_262, %dma_wait3A_266] : memref<16384x128xf32, #tpu.memory_space<hbm>> -> memref<64x64xf32, #tpu.memory_space<hbm>>
    %dma_wait3A_268 = arith.constant 0 : i32
    %dma_wait3A_269 = arith.constant 0 : i32
    %dma_wait3A_270 = tpu.memref_slice %arg6[%dma_wait3A_268, %dma_wait3A_269] : memref<128x128xf32, #tpu.memory_space<vmem>> -> memref<64x64xf32, #tpu.memory_space<vmem>>
    %dma_wait3A_271 = arith.constant 0 : i32
    %dma_wait3A_272 = tpu.memref_slice %arg4[%mul3A_262, %dma_wait3A_271] : memref<16384x128xf32, #tpu.memory_space<hbm>> -> memref<64x64xf32, #tpu.memory_space<hbm>>
    tpu.wait_dma2 semaphore(%arg8 : memref<!tpu.dma_semaphore, #tpu.memory_space<semaphore_mem>>) src(%dma_wait3A_272 : memref<64x64xf32, #tpu.memory_space<hbm>>) dst(%dma_wait3A_270 : memref<64x64xf32, #tpu.memory_space<vmem>>)
    %dma_start3A_273 = arith.constant 0 : i32
    %dma_start3A_274 = arith.constant 0 : i32
    %dma_start3A_275 = tpu.memref_slice %arg6[%dma_start3A_273, %dma_start3A_274] : memref<128x128xf32, #tpu.memory_space<vmem>> -> memref<64x128xf32, #tpu.memory_space<vmem>>
    %dma_start3A_276 = arith.constant 384 : i32
    %dma_start3A_277 = tpu.memref_slice %arg5[%dma_start3A_276] : memref<512xi32, #tpu.memory_space<vmem>> -> memref<64xi32, #tpu.memory_space<vmem>>
    %dma_start3A_278 = arith.constant 0 : i32
    %dma_start3A_279 = arith.constant 0 : i32
    %dma_start3A_280 = tpu.memref_slice %arg3[%dma_start3A_278, %dma_start3A_279] : memref<1000000x128xf32, #tpu.memory_space<hbm>> -> memref<1000000x128xf32, #tpu.memory_space<hbm>>
    tpu.enqueue_indirect_dma source(%dma_start3A_280 : memref<1000000x128xf32, #tpu.memory_space<hbm>>) target(%dma_start3A_275 : memref<64x128xf32, #tpu.memory_space<vmem>>) offsets(%dma_start3A_277 : memref<64xi32, #tpu.memory_space<vmem>>) semaphore(%arg7 : memref<!tpu.dma_semaphore, #tpu.memory_space<semaphore_mem>>)
    %dma_wait3A_281 = arith.constant 0 : i32
    %dma_wait3A_282 = arith.constant 0 : i32
    %dma_wait3A_283 = tpu.memref_slice %arg6[%dma_wait3A_281, %dma_wait3A_282] : memref<128x128xf32, #tpu.memory_space<vmem>> -> memref<64x128xf32, #tpu.memory_space<vmem>>
    %dma_wait3A_284 = arith.constant 0 : i32
    %dma_wait3A_285 = arith.constant 0 : i32
    %dma_wait3A_286 = tpu.memref_slice %arg3[%dma_wait3A_284, %dma_wait3A_285] : memref<1000000x128xf32, #tpu.memory_space<hbm>> -> memref<64x128xf32, #tpu.memory_space<hbm>>
    %dma_wait3A_287 = arith.constant 0 : i32
    %dma_wait3A_288 = arith.constant 0 : i32
    %dma_wait3A_289 = tpu.memref_slice %arg6[%dma_wait3A_287, %dma_wait3A_288] : memref<128x128xf32, #tpu.memory_space<vmem>> -> memref<64x128xf32, #tpu.memory_space<vmem>>
    %dma_wait3A_290 = arith.constant 0 : i32
    %dma_wait3A_291 = arith.constant 0 : i32
    %dma_wait3A_292 = tpu.memref_slice %arg3[%dma_wait3A_290, %dma_wait3A_291] : memref<1000000x128xf32, #tpu.memory_space<hbm>> -> memref<64x128xf32, #tpu.memory_space<hbm>>
    tpu.wait_dma2 semaphore(%arg7 : memref<!tpu.dma_semaphore, #tpu.memory_space<semaphore_mem>>) src(%dma_wait3A_292 : memref<64x128xf32, #tpu.memory_space<hbm>>) dst(%dma_wait3A_289 : memref<64x128xf32, #tpu.memory_space<vmem>>)
    %mul3A_293 = arith.constant 512 : i32
    %mul3A_294 = arith.muli %add3A, %mul3A_293 : i32
    %add3A_295 = arith.constant 320 : i32
    %add3A_296 = arith.addi %mul3A_294, %add3A_295 : i32
    %multiple_of3A_297 = tpu.assume_multiple %add3A_296, 8 : i32
    %dma_start3A_298 = arith.constant 64 : i32
    %dma_start3A_299 = arith.constant 0 : i32
    %dma_start3A_300 = tpu.memref_slice %arg6[%dma_start3A_298, %dma_start3A_299] : memref<128x128xf32, #tpu.memory_space<vmem>> -> memref<64x128xf32, #tpu.memory_space<vmem>>
    %dma_start3A_301 = arith.constant 0 : i32
    %dma_start3A_302 = arith.constant 0 : i32
    %dma_start3A_303 = tpu.memref_slice %dma_start3A_300[%dma_start3A_301, %dma_start3A_302] : memref<64x128xf32, #tpu.memory_space<vmem>> -> memref<64x64xf32, #tpu.memory_space<vmem>>
    %dma_start3A_304 = arith.constant 0 : i32
    %dma_start3A_305 = tpu.memref_slice %arg4[%multiple_of3A_297, %dma_start3A_304] : memref<16384x128xf32, #tpu.memory_space<hbm>> -> memref<64x64xf32, #tpu.memory_space<hbm>>
    %dma_start3A_306 = arith.constant 0 : i32
    %dma_start3A_307 = tpu.memref_slice %arg4[%multiple_of3A_297, %dma_start3A_306] : memref<16384x128xf32, #tpu.memory_space<hbm>> -> memref<64x64xf32, #tpu.memory_space<hbm>>
    %dma_start3A_308 = arith.constant 64 : i32
    %dma_start3A_309 = arith.constant 0 : i32
    %dma_start3A_310 = tpu.memref_slice %arg6[%dma_start3A_308, %dma_start3A_309] : memref<128x128xf32, #tpu.memory_space<vmem>> -> memref<64x128xf32, #tpu.memory_space<vmem>>
    %dma_start3A_311 = arith.constant 0 : i32
    %dma_start3A_312 = arith.constant 0 : i32
    %dma_start3A_313 = tpu.memref_slice %dma_start3A_310[%dma_start3A_311, %dma_start3A_312] : memref<64x128xf32, #tpu.memory_space<vmem>> -> memref<64x64xf32, #tpu.memory_space<vmem>>
    tpu.enqueue_dma source(%dma_start3A_313 : memref<64x64xf32, #tpu.memory_space<vmem>>) target(%dma_start3A_307 : memref<64x64xf32, #tpu.memory_space<hbm>>) target_semaphore(%arg8 : memref<!tpu.dma_semaphore, #tpu.memory_space<semaphore_mem>>)
    %mul3A_314 = arith.constant 512 : i32
    %mul3A_315 = arith.muli %add3A, %mul3A_314 : i32
    %dma_wait3A_316 = arith.constant 0 : i32
    %dma_wait3A_317 = arith.constant 0 : i32
    %dma_wait3A_318 = tpu.memref_slice %arg6[%dma_wait3A_316, %dma_wait3A_317] : memref<128x128xf32, #tpu.memory_space<vmem>> -> memref<64x64xf32, #tpu.memory_space<vmem>>
    %dma_wait3A_319 = arith.constant 0 : i32
    %dma_wait3A_320 = tpu.memref_slice %arg4[%mul3A_315, %dma_wait3A_319] : memref<16384x128xf32, #tpu.memory_space<hbm>> -> memref<64x64xf32, #tpu.memory_space<hbm>>
    %dma_wait3A_321 = arith.constant 0 : i32
    %dma_wait3A_322 = arith.constant 0 : i32
    %dma_wait3A_323 = tpu.memref_slice %arg6[%dma_wait3A_321, %dma_wait3A_322] : memref<128x128xf32, #tpu.memory_space<vmem>> -> memref<64x64xf32, #tpu.memory_space<vmem>>
    %dma_wait3A_324 = arith.constant 0 : i32
    %dma_wait3A_325 = tpu.memref_slice %arg4[%mul3A_315, %dma_wait3A_324] : memref<16384x128xf32, #tpu.memory_space<hbm>> -> memref<64x64xf32, #tpu.memory_space<hbm>>
    tpu.wait_dma2 semaphore(%arg8 : memref<!tpu.dma_semaphore, #tpu.memory_space<semaphore_mem>>) src(%dma_wait3A_325 : memref<64x64xf32, #tpu.memory_space<hbm>>) dst(%dma_wait3A_323 : memref<64x64xf32, #tpu.memory_space<vmem>>)
    %dma_start3A_326 = arith.constant 64 : i32
    %dma_start3A_327 = arith.constant 0 : i32
    %dma_start3A_328 = tpu.memref_slice %arg6[%dma_start3A_326, %dma_start3A_327] : memref<128x128xf32, #tpu.memory_space<vmem>> -> memref<64x128xf32, #tpu.memory_space<vmem>>
    %dma_start3A_329 = arith.constant 448 : i32
    %dma_start3A_330 = tpu.memref_slice %arg5[%dma_start3A_329] : memref<512xi32, #tpu.memory_space<vmem>> -> memref<64xi32, #tpu.memory_space<vmem>>
    %dma_start3A_331 = arith.constant 0 : i32
    %dma_start3A_332 = arith.constant 0 : i32
    %dma_start3A_333 = tpu.memref_slice %arg3[%dma_start3A_331, %dma_start3A_332] : memref<1000000x128xf32, #tpu.memory_space<hbm>> -> memref<1000000x128xf32, #tpu.memory_space<hbm>>
    tpu.enqueue_indirect_dma source(%dma_start3A_333 : memref<1000000x128xf32, #tpu.memory_space<hbm>>) target(%dma_start3A_328 : memref<64x128xf32, #tpu.memory_space<vmem>>) offsets(%dma_start3A_330 : memref<64xi32, #tpu.memory_space<vmem>>) semaphore(%arg7 : memref<!tpu.dma_semaphore, #tpu.memory_space<semaphore_mem>>)
    %dma_wait3A_334 = arith.constant 0 : i32
    %dma_wait3A_335 = arith.constant 0 : i32
    %dma_wait3A_336 = tpu.memref_slice %arg6[%dma_wait3A_334, %dma_wait3A_335] : memref<128x128xf32, #tpu.memory_space<vmem>> -> memref<64x128xf32, #tpu.memory_space<vmem>>
    %dma_wait3A_337 = arith.constant 0 : i32
    %dma_wait3A_338 = arith.constant 0 : i32
    %dma_wait3A_339 = tpu.memref_slice %arg3[%dma_wait3A_337, %dma_wait3A_338] : memref<1000000x128xf32, #tpu.memory_space<hbm>> -> memref<64x128xf32, #tpu.memory_space<hbm>>
    %dma_wait3A_340 = arith.constant 0 : i32
    %dma_wait3A_341 = arith.constant 0 : i32
    %dma_wait3A_342 = tpu.memref_slice %arg6[%dma_wait3A_340, %dma_wait3A_341] : memref<128x128xf32, #tpu.memory_space<vmem>> -> memref<64x128xf32, #tpu.memory_space<vmem>>
    %dma_wait3A_343 = arith.constant 0 : i32
    %dma_wait3A_344 = arith.constant 0 : i32
    %dma_wait3A_345 = tpu.memref_slice %arg3[%dma_wait3A_343, %dma_wait3A_344] : memref<1000000x128xf32, #tpu.memory_space<hbm>> -> memref<64x128xf32, #tpu.memory_space<hbm>>
    tpu.wait_dma2 semaphore(%arg7 : memref<!tpu.dma_semaphore, #tpu.memory_space<semaphore_mem>>) src(%dma_wait3A_345 : memref<64x128xf32, #tpu.memory_space<hbm>>) dst(%dma_wait3A_342 : memref<64x128xf32, #tpu.memory_space<vmem>>)
    %mul3A_346 = arith.constant 512 : i32
    %mul3A_347 = arith.muli %add3A, %mul3A_346 : i32
    %add3A_348 = arith.constant 384 : i32
    %add3A_349 = arith.addi %mul3A_347, %add3A_348 : i32
    %multiple_of3A_350 = tpu.assume_multiple %add3A_349, 8 : i32
    %dma_start3A_351 = arith.constant 0 : i32
    %dma_start3A_352 = arith.constant 0 : i32
    %dma_start3A_353 = tpu.memref_slice %arg6[%dma_start3A_351, %dma_start3A_352] : memref<128x128xf32, #tpu.memory_space<vmem>> -> memref<64x128xf32, #tpu.memory_space<vmem>>
    %dma_start3A_354 = arith.constant 0 : i32
    %dma_start3A_355 = arith.constant 0 : i32
    %dma_start3A_356 = tpu.memref_slice %dma_start3A_353[%dma_start3A_354, %dma_start3A_355] : memref<64x128xf32, #tpu.memory_space<vmem>> -> memref<64x64xf32, #tpu.memory_space<vmem>>
    %dma_start3A_357 = arith.constant 0 : i32
    %dma_start3A_358 = tpu.memref_slice %arg4[%multiple_of3A_350, %dma_start3A_357] : memref<16384x128xf32, #tpu.memory_space<hbm>> -> memref<64x64xf32, #tpu.memory_space<hbm>>
    %dma_start3A_359 = arith.constant 0 : i32
    %dma_start3A_360 = tpu.memref_slice %arg4[%multiple_of3A_350, %dma_start3A_359] : memref<16384x128xf32, #tpu.memory_space<hbm>> -> memref<64x64xf32, #tpu.memory_space<hbm>>
    %dma_start3A_361 = arith.constant 0 : i32
    %dma_start3A_362 = arith.constant 0 : i32
    %dma_start3A_363 = tpu.memref_slice %arg6[%dma_start3A_361, %dma_start3A_362] : memref<128x128xf32, #tpu.memory_space<vmem>> -> memref<64x128xf32, #tpu.memory_space<vmem>>
    %dma_start3A_364 = arith.constant 0 : i32
    %dma_start3A_365 = arith.constant 0 : i32
    %dma_start3A_366 = tpu.memref_slice %dma_start3A_363[%dma_start3A_364, %dma_start3A_365] : memref<64x128xf32, #tpu.memory_space<vmem>> -> memref<64x64xf32, #tpu.memory_space<vmem>>
    tpu.enqueue_dma source(%dma_start3A_366 : memref<64x64xf32, #tpu.memory_space<vmem>>) target(%dma_start3A_360 : memref<64x64xf32, #tpu.memory_space<hbm>>) target_semaphore(%arg8 : memref<!tpu.dma_semaphore, #tpu.memory_space<semaphore_mem>>)
    %mul3A_367 = arith.constant 512 : i32
    %mul3A_368 = arith.muli %add3A, %mul3A_367 : i32
    %dma_wait3A_369 = arith.constant 0 : i32
    %dma_wait3A_370 = arith.constant 0 : i32
    %dma_wait3A_371 = tpu.memref_slice %arg6[%dma_wait3A_369, %dma_wait3A_370] : memref<128x128xf32, #tpu.memory_space<vmem>> -> memref<64x64xf32, #tpu.memory_space<vmem>>
    %dma_wait3A_372 = arith.constant 0 : i32
    %dma_wait3A_373 = tpu.memref_slice %arg4[%mul3A_368, %dma_wait3A_372] : memref<16384x128xf32, #tpu.memory_space<hbm>> -> memref<64x64xf32, #tpu.memory_space<hbm>>
    %dma_wait3A_374 = arith.constant 0 : i32
    %dma_wait3A_375 = arith.constant 0 : i32
    %dma_wait3A_376 = tpu.memref_slice %arg6[%dma_wait3A_374, %dma_wait3A_375] : memref<128x128xf32, #tpu.memory_space<vmem>> -> memref<64x64xf32, #tpu.memory_space<vmem>>
    %dma_wait3A_377 = arith.constant 0 : i32
    %dma_wait3A_378 = tpu.memref_slice %arg4[%mul3A_368, %dma_wait3A_377] : memref<16384x128xf32, #tpu.memory_space<hbm>> -> memref<64x64xf32, #tpu.memory_space<hbm>>
    tpu.wait_dma2 semaphore(%arg8 : memref<!tpu.dma_semaphore, #tpu.memory_space<semaphore_mem>>) src(%dma_wait3A_378 : memref<64x64xf32, #tpu.memory_space<hbm>>) dst(%dma_wait3A_376 : memref<64x64xf32, #tpu.memory_space<vmem>>)
    %dma_wait3A_379 = arith.constant 0 : i32
    %dma_wait3A_380 = arith.constant 0 : i32
    %dma_wait3A_381 = tpu.memref_slice %arg6[%dma_wait3A_379, %dma_wait3A_380] : memref<128x128xf32, #tpu.memory_space<vmem>> -> memref<64x128xf32, #tpu.memory_space<vmem>>
    %dma_wait3A_382 = arith.constant 0 : i32
    %dma_wait3A_383 = arith.constant 0 : i32
    %dma_wait3A_384 = tpu.memref_slice %arg3[%dma_wait3A_382, %dma_wait3A_383] : memref<1000000x128xf32, #tpu.memory_space<hbm>> -> memref<64x128xf32, #tpu.memory_space<hbm>>
    %dma_wait3A_385 = arith.constant 0 : i32
    %dma_wait3A_386 = arith.constant 0 : i32
    %dma_wait3A_387 = tpu.memref_slice %arg6[%dma_wait3A_385, %dma_wait3A_386] : memref<128x128xf32, #tpu.memory_space<vmem>> -> memref<64x128xf32, #tpu.memory_space<vmem>>
    %dma_wait3A_388 = arith.constant 0 : i32
    %dma_wait3A_389 = arith.constant 0 : i32
    %dma_wait3A_390 = tpu.memref_slice %arg3[%dma_wait3A_388, %dma_wait3A_389] : memref<1000000x128xf32, #tpu.memory_space<hbm>> -> memref<64x128xf32, #tpu.memory_space<hbm>>
    tpu.wait_dma2 semaphore(%arg7 : memref<!tpu.dma_semaphore, #tpu.memory_space<semaphore_mem>>) src(%dma_wait3A_390 : memref<64x128xf32, #tpu.memory_space<hbm>>) dst(%dma_wait3A_387 : memref<64x128xf32, #tpu.memory_space<vmem>>)
    %mul3A_391 = arith.constant 512 : i32
    %mul3A_392 = arith.muli %add3A, %mul3A_391 : i32
    %add3A_393 = arith.constant 448 : i32
    %add3A_394 = arith.addi %mul3A_392, %add3A_393 : i32
    %multiple_of3A_395 = tpu.assume_multiple %add3A_394, 8 : i32
    %dma_start3A_396 = arith.constant 64 : i32
    %dma_start3A_397 = arith.constant 0 : i32
    %dma_start3A_398 = tpu.memref_slice %arg6[%dma_start3A_396, %dma_start3A_397] : memref<128x128xf32, #tpu.memory_space<vmem>> -> memref<64x128xf32, #tpu.memory_space<vmem>>
    %dma_start3A_399 = arith.constant 0 : i32
    %dma_start3A_400 = arith.constant 0 : i32
    %dma_start3A_401 = tpu.memref_slice %dma_start3A_398[%dma_start3A_399, %dma_start3A_400] : memref<64x128xf32, #tpu.memory_space<vmem>> -> memref<64x64xf32, #tpu.memory_space<vmem>>
    %dma_start3A_402 = arith.constant 0 : i32
    %dma_start3A_403 = tpu.memref_slice %arg4[%multiple_of3A_395, %dma_start3A_402] : memref<16384x128xf32, #tpu.memory_space<hbm>> -> memref<64x64xf32, #tpu.memory_space<hbm>>
    %dma_start3A_404 = arith.constant 0 : i32
    %dma_start3A_405 = tpu.memref_slice %arg4[%multiple_of3A_395, %dma_start3A_404] : memref<16384x128xf32, #tpu.memory_space<hbm>> -> memref<64x64xf32, #tpu.memory_space<hbm>>
    %dma_start3A_406 = arith.constant 64 : i32
    %dma_start3A_407 = arith.constant 0 : i32
    %dma_start3A_408 = tpu.memref_slice %arg6[%dma_start3A_406, %dma_start3A_407] : memref<128x128xf32, #tpu.memory_space<vmem>> -> memref<64x128xf32, #tpu.memory_space<vmem>>
    %dma_start3A_409 = arith.constant 0 : i32
    %dma_start3A_410 = arith.constant 0 : i32
    %dma_start3A_411 = tpu.memref_slice %dma_start3A_408[%dma_start3A_409, %dma_start3A_410] : memref<64x128xf32, #tpu.memory_space<vmem>> -> memref<64x64xf32, #tpu.memory_space<vmem>>
    tpu.enqueue_dma source(%dma_start3A_411 : memref<64x64xf32, #tpu.memory_space<vmem>>) target(%dma_start3A_405 : memref<64x64xf32, #tpu.memory_space<hbm>>) target_semaphore(%arg8 : memref<!tpu.dma_semaphore, #tpu.memory_space<semaphore_mem>>)
    %mul3A_412 = arith.constant 512 : i32
    %mul3A_413 = arith.muli %add3A, %mul3A_412 : i32
    %dma_wait3A_414 = arith.constant 0 : i32
    %dma_wait3A_415 = arith.constant 0 : i32
    %dma_wait3A_416 = tpu.memref_slice %arg6[%dma_wait3A_414, %dma_wait3A_415] : memref<128x128xf32, #tpu.memory_space<vmem>> -> memref<64x64xf32, #tpu.memory_space<vmem>>
    %dma_wait3A_417 = arith.constant 0 : i32
    %dma_wait3A_418 = tpu.memref_slice %arg4[%mul3A_413, %dma_wait3A_417] : memref<16384x128xf32, #tpu.memory_space<hbm>> -> memref<64x64xf32, #tpu.memory_space<hbm>>
    %dma_wait3A_419 = arith.constant 0 : i32
    %dma_wait3A_420 = arith.constant 0 : i32
    %dma_wait3A_421 = tpu.memref_slice %arg6[%dma_wait3A_419, %dma_wait3A_420] : memref<128x128xf32, #tpu.memory_space<vmem>> -> memref<64x64xf32, #tpu.memory_space<vmem>>
    %dma_wait3A_422 = arith.constant 0 : i32
    %dma_wait3A_423 = tpu.memref_slice %arg4[%mul3A_413, %dma_wait3A_422] : memref<16384x128xf32, #tpu.memory_space<hbm>> -> memref<64x64xf32, #tpu.memory_space<hbm>>
    tpu.wait_dma2 semaphore(%arg8 : memref<!tpu.dma_semaphore, #tpu.memory_space<semaphore_mem>>) src(%dma_wait3A_423 : memref<64x64xf32, #tpu.memory_space<hbm>>) dst(%dma_wait3A_421 : memref<64x64xf32, #tpu.memory_space<vmem>>)
    return
  }
}

</mosaic_0001>

<sc_bundles>
// kernel: kernel.4.cloned.1.call-start
scs
__scs_entry_jumppad:
0x0: {  	(pc) =	sbr.rel $0x88, $3  }
0x1: {  	(tag) =	ssettag $0x0;
	lr =	simm.s32 $0x1  }
0x2: {  	[smem:$0x3F9D] =	sst lr;
	_ =	strace $0xD0000000  }
0x3: {  	_ = 	snop  }
0x4: {  	_ = 	snop  }
0x5: {  	_ = 	snop  }
0x6: {  	_ = 	snop  }
0x7: {  	_ = 	snop  }
__scs_overlays_trampoline_lowered:
0x8: {  	[smem:$0x3FAC] =	sst s0  }
0x9: {  	[smem:$0x3FAD] =	sst s1  }
0xa: {  	[smem:$0x3FAE] =	sst s2  }
0xb: {  	[smem:$0x3FAF] =	sst s3  }
0xc: {  	[smem:$0x3FB0] =	sst s4  }
0xd: {  	[smem:$0x3FB1] =	sst s5  }
0xe: {  	[smem:$0x3FB2] =	sst s6  }
0xf: {  	[smem:$0x3FB3] =	sst s7  }
0x10: {  	[smem:$0x3FB4] =	sst s8  }
0x11: {  	[smem:$0x3FB5] =	sst s9;
	s0 =	simm.s32 @!p0 $0x0  }
0x12: {  	s1 =	sld [smem:$0x3F9B];
	s0 =	simm.s32 @p0 $0x1  }
0x13: {  	[smem:$0x3FB6] =	sst s0;
	s0 =	simm.s32 @!p1 $0x0  }
0x14: {  	s2 =	sld [smem:$0x3F9A];
	s0 =	simm.s32 @p1 $0x1  }
0x15: {  	[smem:$0x3FB7] =	sst s0;
	s0 =	simm.s32 @!p2 $0x0  }
0x16: {  	s3 =	sld [smem:$0x3FDB];
	s0 =	simm.s32 @p2 $0x1  }
0x17: {  	s4 =	simm.s32 $0x1BF5;
	[smem:$0x3FB9] =	sst s0  }
0x18: {  	s0 =	sld [smem:$0x3F9C];
	_ =	swait.ge [sflag:s4], $0x0  }
0x19: {  	s7 =	sld [smem:$0x3F9D]  }
0x1a: {  	s8 =	sadd.s32 $0xFFFFE003, lr  }
0x1b: {  	s9 =	sadd.s32 $0xFFFFFEF7, lr;
	s5 =	simm.s32 $0xFFFFFFFF;
	p2 =	slt.u32 s8, $0xFFFFF086  }
0x1c: {  	p1 =	slt.u32 s9, $0xF7A;
	s5 =	simm.s32 @!p2 $0x0  }
0x1d: {  	s5 =	simm.s32 @p1 $0x1;
	p0 =	seq.s32 s7, s2  }
0x1e: {  	s7 =	smul.u32 @!p0 $0xF7A, s2;
	p2 =	seq.s32 @!p0 s5, $0x0  }
0x1f: {  	s9 =	smul.u32 $0xF7A, s1;
	s8 =	simm.s32 @!p0 $0x1BF5;
	p2 =	por !p2, p0  }
0x20: {  	[sflag:s8] =	ssyncset.s32 @!p0 $0xFFFFF086;
	s6 =	sadd.s32 @!p0 s3, s7;
	s7 =	simm.s32 @!p0 $0x108  }
0x21: {  	s3 =	sadd.s32 s3, s9;
	s6 =	sadd.s32 @!p0 $0x88, s6;
	s7 =	simm.s32 @p2 $0x1082  }
0x22: {  	[simem:s7], [sflag:s8] =	dma.local @!p0 [hbm:s6], $0xF7A  }
0x23: {  	s9 =	sor.u32 $0xD0000000, s2;
	s6 =	simm.s32 $0x108;
	_ =	swait.ge @!p0 [sflag:s8], $0x0  }
0x24: {  	s3 =	sadd.s32 $0x88, s3;
	s6 =	simm.s32 @!p1 $0x1082;
	[sflag:s4] =	ssyncset.s32 $0xFFFFF086  }
0x25: {  	[simem:s6], [sflag:s4] =	dma.local [hbm:s3], $0xF7A  }
0x26: {  	[smem:$0x3F9D] =	sst s1;
	(tag) =	ssettag s2;
	_ =	strace s9  }
0x27: {  	s1 =	sld [smem:$0x3FAD]  }
0x28: {  	s2 =	sld [smem:$0x3FAE]  }
0x29: {  	s4 =	sld [smem:$0x3FB0]  }
0x2a: {  	p0 =	seq.s32 s5, $0x0;
	s5 =	sld [smem:$0x3FB1]  }
0x2b: {  	s6 =	sld [smem:$0x3FB2]  }
0x2c: {  	s7 =	sld [smem:$0x3FB3]  }
0x2d: {  	s3 =	simm.s32 $0x108;
	s8 =	sld [smem:$0x3FB4]  }
0x2e: {  	s3 =	simm.s32 @!p0 $0x1082;
	s9 =	sld [smem:$0x3FB5]  }
0x2f: {  	lr =	sadd.s32 s0, s3;
	s0 =	sld [smem:$0x3FAC]  }
0x30: {  	s3 =	sld [smem:$0x3FAF]  }
0x31: {  	[smem:$0x3FB8] =	sst s10  }
0x32: {  	s10 =	sld [smem:$0x3FB6];
	_ =	sdelay $0x3  }
0x33: {  	p0 =	seq.s32 s10, $0x1;
	s10 =	sld [smem:$0x3FB8];
	_ =	sdelay $0x3  }
0x34: {  	[smem:$0x3FB8] =	sst s10  }
0x35: {  	s10 =	sld [smem:$0x3FB7];
	_ =	sdelay $0x3  }
0x36: {  	p1 =	seq.s32 s10, $0x1;
	s10 =	sld [smem:$0x3FB8];
	_ =	sdelay $0x3  }
0x37: {  	[smem:$0x3FB8] =	sst s10  }
0x38: {  	s10 =	sld [smem:$0x3FB9]  }
0x39: {  	_ = 	snop;
	(pc) =	sbr.ind lr, $3  }
0x3a: {  	_ = 	snop  }
0x3b: {  	_ = 	snop  }
0x3c: {  	p2 =	seq.s32 s10, $0x1;
	s10 =	sld [smem:$0x3FB8]  }
0x3d: {  	_ =	shalt  }
0x3e: {  	_ =	shalt  }
0x3f: {  	_ =	shalt  }
0x40: {  	_ =	shalt  }
0x41: {  	_ =	shalt  }
0x42: {  	_ =	shalt  }
0x43: {  	_ =	shalt  }
0x44: {  	_ =	shalt  }
0x45: {  	_ =	shalt  }
0x46: {  	_ =	shalt  }
0x47: {  	_ =	shalt  }
0x48: {  	_ =	shalt  }
0x49: {  	_ =	shalt  }
0x4a: {  	_ =	shalt  }
0x4b: {  	_ =	shalt  }
0x4c: {  	_ =	shalt  }
0x4d: {  	_ =	shalt  }
0x4e: {  	_ =	shalt  }
0x4f: {  	_ =	shalt  }
0x50: {  	_ =	shalt  }
0x51: {  	_ =	shalt  }
0x52: {  	_ =	shalt  }
0x53: {  	_ =	shalt  }
0x54: {  	_ =	shalt  }
0x55: {  	_ =	shalt  }
0x56: {  	_ =	shalt  }
0x57: {  	_ =	shalt  }
0x58: {  	_ =	shalt  }
0x59: {  	_ =	shalt  }
0x5a: {  	_ =	shalt  }
0x5b: {  	_ =	shalt  }
0x5c: {  	_ =	shalt  }
0x5d: {  	_ =	shalt  }
0x5e: {  	_ =	shalt  }
0x5f: {  	_ =	shalt  }
0x60: {  	_ =	shalt  }
0x61: {  	_ =	shalt  }
0x62: {  	_ =	shalt  }
0x63: {  	_ =	shalt  }
0x64: {  	_ =	shalt  }
0x65: {  	_ =	shalt  }
0x66: {  	_ =	shalt  }
0x67: {  	_ =	shalt  }
0x68: {  	_ =	shalt  }
0x69: {  	_ =	shalt  }
0x6a: {  	_ =	shalt  }
0x6b: {  	_ =	shalt  }
0x6c: {  	_ =	shalt  }
0x6d: {  	_ =	shalt  }
0x6e: {  	_ =	shalt  }
0x6f: {  	_ =	shalt  }
0x70: {  	_ =	shalt  }
0x71: {  	_ =	shalt  }
0x72: {  	_ =	shalt  }
0x73: {  	_ =	shalt  }
0x74: {  	_ =	shalt  }
0x75: {  	_ =	shalt  }
0x76: {  	_ =	shalt  }
0x77: {  	_ =	shalt  }
0x78: {  	_ =	shalt  }
0x79: {  	_ =	shalt  }
0x7a: {  	_ =	shalt  }
0x7b: {  	_ =	shalt  }
0x7c: {  	_ =	shalt  }
0x7d: {  	_ =	shalt  }
0x7e: {  	_ =	shalt  }
0x7f: {  	_ =	shalt  }
0x80: {  	_ =	shalt  }
0x81: {  	_ =	shalt  }
0x82: {  	_ =	shalt  }
0x83: {  	_ =	shalt  }
0x84: {  	_ =	shalt  }
0x85: {  	_ =	shalt  }
0x86: {  	_ =	shalt  }
0x87: {  	_ =	shalt  }
.Lfunc_end0:
.L_simem_size_0:
called_computation.1_lowered:
.L_overlay_start_0:
0x88: {  	s2 =	sld [smem:$0x3FD9]  }
0x89: {  	s3 =	sld [smem:$0x3FFE];
	_ =	sdelay $0x1  }
0x8a: {  	s1 =	srdreg.scid  }
0x8b: {  	s0 =	sand.u32 $0x1, s1  }
0x8c: {  	s14 =	sshll.u32 s0, $0xA;
	s2 =	sadd.s32 s3, s2  }
0x8d: {  	s2 =	sadd.s32 s2, s14  }
0x8e: {  	[smem:$0x3FC4] =	sst s2  }
0x8f: {  	_ = 	snop  }
0x90: {  	s2 =	sld [smem:$0x3FD0];
	_ =	sdelay $0x2  }
0x91: {  	s15 =	simm.s32 $0xB;
	s4 =	simm.s32 $0x10  }
0x92: {  	[smem:s4], [sflag:s15] =	dma.local [hbm:s2], $0x1  }
0x93: {  	_ =	swait.eq [sflag:s15], $0x1  }
0x94: {  	[sflag:s15] =	ssyncset.done $0x0  }
0x95: {  	[sflag:s15] =	ssyncadd.s32 $0xFFFFFFFF  }
0x96: {  	s16 =	sld [smem:$0x10];
	(tm) =	ssettm $0x1  }
0x97: {  	s17 =	sld [smem:$0x3FFB];
	_ =	sdelay $0x3  }
0x98: {  	_ =	strace s17  }
0x99: {  	s3 =	sld [smem:$0x3FFC];
	_ =	sdelay $0x3  }
0x9a: {  	_ =	strace s3  }
0x9b: {  	s3 =	sld [smem:$0x3FFD];
	_ =	sdelay $0x3  }
0x9c: {  	_ =	strace s3  }
0x9d: {  	_ =	strace $0x8FFFFFFF  }
0x9e: {  	s18 =	sld [smem:$0x3FDB];
	_ =	sdelay $0x1  }
0x9f: {  	s19 =	simm.s32 $_scs_section_size  }
0xa0: {  	s5 =	simm.s32 $_size__tile_overlayer_lowered;
	s6 =	simm.s32 $_tile_overlayer_lowered  }
0xa1: {  	s22 =	simm.s32 $0x1BFF;
	s21 =	sshll.u32 s6, $0x1;
	s3 =	sadd.s32 s19, s18  }
0xa2: {  	s7 =	simm.s32 $0x0;
	s20 =	sshll.u32 s5, $0x1;
	s5 =	sadd.s32 s21, s3  }
0xa3: {  	[timem:s7], [sflag:s22] =	dma.local [hbm:s5], s20  }
0xa4: {  	_ =	swait.ge [sflag:s22], s20  }
0xa5: {  	s4 =	ssub.s32 $0x0, s20;
	[sflag:s22] =	ssyncset.done $0x0  }
0xa6: {  	[sflag:s22] =	ssyncadd.s32 s4;
	_ =	sdelay $0x1  }
0xa7: {  	s23 =	simm.s32 $0x1B8B  }
0xa8: {  	_ =	swait.ge [sflag:s23], $0x1  }
0xa9: {  	[sflag:s23] =	ssyncset.done $0x0  }
0xaa: {  	s25 =	simm.s32 $0x1B8E;
	s24 =	sld [smem:$0x3FFE];
	[sflag:s23] =	ssyncadd.s32 $0xFFFFFFFF  }
0xab: {  	s26 =	simm.s32 $execute0_lowered;
	[smem:$0x3FD2] =	sst s25  }
0xac: {  	s5 =	sshll.u32 s26, $0x1;
	_ =	strace $0x80000046;
	[dreg:$0x1] =	wrdreg $0xFFFFFFFF  }
0xad: {  	s28 =	simm.s32 $_size_execute0_lowered;
	s3 =	sadd.s32 s3, s5;
	[dreg:$0x0] =	wrdreg $0x0  }
0xae: {  	s5 =	sshll.u32 s28, $0x1;
	[dreg:$0x2] =	wrdreg s3  }
0xaf: {  	[dreg:$0x3] =	wrdreg s5  }
0xb0: {  	[dreg:$0x4] =	wrdreg $0xC0  }
0xb1: {  	_ =	task [dreg:s7], $0x5FFFF  }
0xb2: {  	[dreg:$0x1] =	wrdreg $0xFFFFFFFF  }
0xb3: {  	[dreg:$0x0] =	wrdreg $0x60  }
0xb4: {  	[dreg:$0x2] =	wrdreg s16  }
0xb5: {  	[dreg:$0x3] =	wrdreg s24  }
0xb6: {  	[dreg:$0x4] =	wrdreg $0xA  }
0xb7: {  	_ =	task.clear_ibuf [dreg:s7], $0x5FFFF;
	_ =	strace $0x90000046  }
0xb8: {  	s29 =	simm.s32 $0xA;
	_ =	strace $0x80000048  }
0xb9: {  	_ =	swait.ge [sflag:s29], $0x1  }
0xba: {  	[sflag:s29] =	ssyncadd.s32 $0xFFFFFFFF  }
0xbb: {  	_ =	strace $0x90000048  }
0xbc: {  	_ =	sfence  }
0xbd: {  	s30 =	sld [smem:$0x0];
	_ =	sdelay $0x2  }
0xbe: {  	s31 =	sshll.u32 s1, $0xD;
	s1 =	sshrl.u32 s1, $0x2  }
0xbf: {  	s3 =	sand.u32 $0x4000, s31;
	s1 =	sadd.s32 s1, s30  }
0xc0: {  	s0 =	sor.u32 s3, s0;
	s1 =	sshll.u32 s1, $0x11  }
0xc1: {  	s0 =	sor.u32 s1, s0  }
0xc2: {  	s0 =	sadd.s32 $0x8F2B, s0  }
0xc3: {  	[sflag:s0] =	ssyncadd.remote.s32 $0x1  }
0xc4: {  	_ =	sfence.sel $0xFFFF  }
0xc5: {  	[dreg:$0x0] =	wrdreg $0xFFFFFFFF;
	(pc) =	sbr.abs _section_cstart, $3  }
0xc6: {  	[dreg:$0x1] =	wrdreg $0xFFFFFFFF  }
0xc7: {  	_ =	task.clear_ibuf [dreg:s7], $0x2FFFF;
	_ =	strace $0x9FFFFFFF  }
0xc8: {  	(tm) =	ssettm $0x7FFFFFFF  }
0xc9: {  	_ =	shalt  }
tec
execute0_lowered:
.L_overlay_start_1:
0x0: {  	(tag) =	ssettag $0x1  }
0x1: {  	s9 =	stileid.u32  }
0x2: {  	s2 =	srdreg.scid;
	s18 =	smul.u32 $0x700000, s9  }
0x3: {  	s0 =	rddreg [dreg:$0x0];
	s2 =	sand.u32 $0x1, s2;
	s14 =	smul.u32 $0xE0000, s9  }
0x4: {  	s4 =	simm.s32 $0x0;
	s3 =	sshll.u32 s9, $0x1;
	s21 =	smul.u32 $0x380000, s2  }
0x5: {  	s16 =	sor.u32 s2, s3;
	s6 =	ssub.s32 $0x2, s2;
	s2 =	smul.u32 $0x70000, s2  }
0x6: {  	[smem:$0x7FF] =	sst s4;
	s5 =	smul.u32 $0x380000, s16  }
0x7: {  	s1 =	rddreg [dreg:$0x1];
	_ =	strace $0x80000047;
	s7 =	smul.u32 $0xC80, s16  }
0x8: {  	s3 =	sadd.s32 $0xE00, s1;
	s1 =	sadd.s32 $0xC4400, s1;
	s4 =	smul.u32 $0x70000, s16  }
0x9: {  	s15 =	sadd.s32 s14, s1;
	s5 =	sshrl.u32 s5, $0x3;
	s0 =	sadd.s32 s0, s7  }
0xa: {  	s2 =	sadd.s32 s2, s15;
	[dreg:$0x7] =	wrdreg s0;
	s0 =	sadd.s32 s1, s5  }
0xb: {  	s5 =	sadd.s32 s1, s4;
	s4 =	sadd.s32 s21, s18;
	s18 =	sadd.s32 $0x1C00, s2  }
0xc: {  	s17 =	sadd.s32 $0x6BA00, s0;
	[dreg:$0x3] =	wrdreg s18  }
0xd: {  	s19 =	sadd.s32 $0x6BD80, s0;
	[dreg:$0x8] =	wrdreg s17  }
0xe: {  	s20 =	sadd.s32 $0x6C100, s0;
	[dreg:$0x9] =	wrdreg s19  }
0xf: {  	s22 =	sadd.s32 $0x6C480, s0;
	[dreg:$0xa] =	wrdreg s20  }
0x10: {  	s23 =	sadd.s32 $0x6C800, s0;
	[dreg:$0xb] =	wrdreg s22  }
0x11: {  	s24 =	sadd.s32 $0x6CB80, s0;
	[dreg:$0xc] =	wrdreg s23  }
0x12: {  	s25 =	sadd.s32 $0x6CF00, s0;
	[dreg:$0xd] =	wrdreg s24  }
0x13: {  	s26 =	sadd.s32 $0x6D280, s0;
	[dreg:$0xe] =	wrdreg s25  }
0x14: {  	s28 =	sadd.s32 $0x6D600, s0;
	[dreg:$0xf] =	wrdreg s26  }
0x15: {  	s9 =	simm.s32 $0x9600;
	s29 =	sadd.s32 $0x6D980, s0;
	[dreg:$0x10] =	wrdreg s28  }
0x16: {  	s8 =	sshrl.u32 s6, $0x1;
	s31 =	sadd.s32 $0x6DD00, s0;
	[dreg:$0x11] =	wrdreg s29  }
0x17: {  	s14 =	simm.s32 $0x7D00;
	s10 =	sadd.s32 $0x6E080, s0;
	[dreg:$0x12] =	wrdreg s31  }
0x18: {  	s6 =	ssub.s32 s6, s8;
	s11 =	sadd.s32 $0x6E400, s0;
	[dreg:$0x13] =	wrdreg s10  }
0x19: {  	s8 =	simm.s32 $0x60;
	s16 =	sadd.s32 $0x6E780, s0;
	[dreg:$0x14] =	wrdreg s11  }
0x1a: {  	s2 =	simm.s32 $0x12C00;
	s21 =	sadd.s32 $0x6F580, s0;
	[dreg:$0x15] =	wrdreg s16  }
0x1b: {  	s30 =	sor.u32 $0x13400, s4;
	s17 =	sadd.s32 $0x6EB00, s0;
	[dreg:$0x19] =	wrdreg s21  }
0x1c: {  	s12 =	sor.u32 $0x11800, s4;
	s19 =	sadd.s32 $0x6EE80, s0;
	[dreg:$0x16] =	wrdreg s17  }
0x1d: {  	s4 =	sor.u32 $0xFC00, s4;
	s20 =	sadd.s32 $0x6F200, s0;
	[dreg:$0x17] =	wrdreg s19  }
0x1e: {  	s18 =	simm.s32 $0xA280;
	s22 =	sadd.s32 $0x6F900, s0;
	[dreg:$0x18] =	wrdreg s20  }
0x1f: {  	s7 =	sshrl.u32 s30, $0x3;
	s0 =	sadd.s32 $0x6FC80, s0;
	[dreg:$0x1a] =	wrdreg s22  }
0x20: {  	s13 =	sshrl.u32 s12, $0x3;
	s23 =	smax.u32 s6, $0x1;
	[dreg:$0x1b] =	wrdreg s0  }
0x21: {  	s4 =	sshrl.u32 s4, $0x3;
	s24 =	sadd.s32 $0x380, s5;
	[dreg:$0x1c] =	wrdreg s23  }
0x22: {  	s25 =	sadd.s32 $0x700, s5;
	s26 =	sadd.s32 $0xA80, s5;
	[dreg:$0x1d] =	wrdreg s24  }
0x23: {  	s28 =	sadd.s32 $0xE00, s5;
	s29 =	sadd.s32 $0x1180, s5;
	[dreg:$0x1e] =	wrdreg s25  }
0x24: {  	s30 =	sadd.s32 $0x1500, s5;
	s31 =	sadd.s32 $0x1880, s5;
	[dreg:$0x1f] =	wrdreg s26  }
0x25: {  	s6 =	simm.s32 $0x68;
	s11 =	simm.s32 $0x1;
	[smem:$0x7FA] =	sst s28  }
0x26: {  	s12 =	simm.s32 $0x40;
	s10 =	simm.s32 $0x7080;
	[smem:$0x7FB] =	sst s29  }
0x27: {  	s16 =	simm.s32 $0x8980;
	s21 =	simm.s32 $0x19000;
	[smem:$0x7FC] =	sst s30  }
0x28: {  	s7 =	sadd.s32 s7, s1;
	[smem:$0x7FD] =	sst s31;
	s17 =	simm.s32 $0x15E00  }
0x29: {  	s19 =	simm.s32 $0xAF00;
	s20 =	simm.s32 $0xBB80;
	s22 =	simm.s32 $0x2  }
0x2a: {  	s23 =	simm.s32 $0x0;
	[dreg:$0x6] =	wrdreg s7;
	s7 =	sadd.s32 s13, s1  }
0x2b: {  	s1 =	sadd.s32 s4, s1;
	s4 =	simm.s32 $0x3;
	[dreg:$0x5] =	wrdreg s7  }
0x2c: {  	s13 =	simm.s32 $0x80;
	[dreg:$0x4] =	wrdreg s1;
	s7 =	simm.s32 $0x6400  }
.LBB2_1:
0x2d: {  	s0 =	simm.s32 $0x0;
	s1 =	rddreg [dreg:$0x7]  }
0x2e: {  	[tilespmem:s0], [sflag:$0x3] =	stream.linear.gather [hbm4b:s1+s0], $0x6400, $0x38;
	[tilespmem:$0x1C200] =	vst v63  }
0x2f: {  	_ =	swait.ge [sflag:s4], $0x6400  }
0x30: {  	[sflag:s4] =	ssyncset.done $0x0  }
0x31: {  	[sflag:s4] =	ssyncadd.s32 $0xFFFF9C00  }
0x32: {  	[tilespmem:s7], [sflag:$0x1] =	stream.indirect.gather [hbm4b:s3+s6], $0x40, s0, s6, $0xb8;
	[tilespmem:$0x1C200] =	vst v63  }
0x33: {  	s26 =	simm.s32 $0x7E00  }
0x34: {  	[tilespmem:s26], [sflag:$0x1] =	stream.indirect.gather [hbm4b:s3+s8], $0x40, s6, s8, $0xb8;
	[tilespmem:$0x1C200] =	vst v63  }
0x35: {  	s1 =	simm.s32 $0xC8  }
0x36: {  	[tilespmem:s9], [sflag:$0x1] =	stream.indirect.gather [hbm4b:s3+s6], $0x40, s1, s6, $0xb8;
	[tilespmem:$0x1C200] =	vst v63  }
0x37: {  	s15 =	simm.s32 $0x130;
	s24 =	simm.s32 $0xB000  }
0x38: {  	[tilespmem:s24], [sflag:$0x1] =	stream.indirect.gather [hbm4b:s3+s8], $0x40, s15, s8, $0xb8;
	[tilespmem:$0x1C200] =	vst v63  }
0x39: {  	s25 =	simm.s32 $0x190;
	s26 =	simm.s32 $0xC800  }
0x3a: {  	[tilespmem:s26], [sflag:$0x1] =	stream.indirect.gather [hbm4b:s3+s6], $0x40, s25, s6, $0xb8;
	[tilespmem:$0x1C200] =	vst v63  }
0x3b: {  	s15 =	simm.s32 $0x1F8;
	s24 =	simm.s32 $0xE200  }
0x3c: {  	[tilespmem:s24], [sflag:$0x1] =	stream.indirect.gather [hbm4b:s3+s8], $0x40, s15, s8, $0xb8;
	[tilespmem:$0x1C200] =	vst v63  }
0x3d: {  	s25 =	simm.s32 $0x258;
	s26 =	simm.s32 $0xFA00  }
0x3e: {  	[tilespmem:s26], [sflag:$0x1] =	stream.indirect.gather [hbm4b:s3+s6], $0x40, s25, s6, $0xb8;
	[tilespmem:$0x1C200] =	vst v63  }
0x3f: {  	s1 =	simm.s32 $0x2C0;
	s15 =	simm.s32 $0x11400  }
0x40: {  	[tilespmem:s15], [sflag:$0x1] =	stream.indirect.gather [hbm4b:s3+s8], $0x40, s1, s8, $0xb8;
	[tilespmem:$0x1C200] =	vst v63  }
0x41: {  	s24 =	simm.s32 $0x320  }
0x42: {  	[tilespmem:s2], [sflag:$0x1] =	stream.indirect.gather [hbm4b:s3+s6], $0x40, s24, s6, $0xb8;
	[tilespmem:$0x1C200] =	vst v63  }
0x43: {  	s25 =	simm.s32 $0x388;
	s26 =	simm.s32 $0x14600  }
0x44: {  	[tilespmem:s26], [sflag:$0x1] =	stream.indirect.gather [hbm4b:s3+s8], $0x40, s25, s8, $0xb8;
	[tilespmem:$0x1C200] =	vst v63  }
0x45: {  	_ =	swait.ge [sflag:s11], $0x1A00  }
0x46: {  	[sflag:s11] =	ssyncset.done $0x0  }
0x47: {  	[sflag:s11] =	ssyncadd.s32 $0xFFFFE600  }
0x48: {  	_ =	swait.ge [sflag:s11], $0x1800  }
0x49: {  	[sflag:s11] =	ssyncset.done $0x0  }
0x4a: {  	[sflag:s11] =	ssyncadd.s32 $0xFFFFE800  }
0x4b: {  	[hbm4b:s5+s12] =	stream.strided.scatter [tilespmem:s7], [sflag:$0x2], $0xC80, s13, s12, $0x38;
	[tilespmem:$0x1C200] =	vst v63  }
0x4c: {  	s2 =	rddreg [dreg:$0x1d]  }
0x4d: {  	[hbm4b:s2+s12] =	stream.strided.scatter [tilespmem:s10], [sflag:$0x2], $0xC80, s13, s12, $0x38;
	[tilespmem:$0x1C200] =	vst v63  }
0x4e: {  	s10 =	rddreg [dreg:$0x1e]  }
0x4f: {  	[hbm4b:s10+s12] =	stream.strided.scatter [tilespmem:s14], [sflag:$0x2], $0xC80, s13, s12, $0x38;
	[tilespmem:$0x1C200] =	vst v63  }
0x50: {  	s15 =	rddreg [dreg:$0x1f]  }
0x51: {  	[hbm4b:s15+s12] =	stream.strided.scatter [tilespmem:s16], [sflag:$0x2], $0xC80, s13, s12, $0x38;
	[tilespmem:$0x1C200] =	vst v63  }
0x52: {  	s24 =	simm.s32 $0x3E8  }
0x53: {  	[tilespmem:s17], [sflag:$0x1] =	stream.indirect.gather [hbm4b:s3+s6], $0x40, s24, s6, $0xb8;
	[tilespmem:$0x1C200] =	vst v63  }
0x54: {  	s25 =	simm.s32 $0x450;
	s26 =	simm.s32 $0x17800  }
0x55: {  	[tilespmem:s26], [sflag:$0x1] =	stream.indirect.gather [hbm4b:s3+s8], $0x40, s25, s8, $0xb8;
	[tilespmem:$0x1C200] =	vst v63  }
0x56: {  	_ =	swait.ge [sflag:s11], $0x1A00  }
0x57: {  	[sflag:s11] =	ssyncset.done $0x0  }
0x58: {  	[sflag:s11] =	ssyncadd.s32 $0xFFFFE600  }
0x59: {  	_ =	swait.ge [sflag:s11], $0x1800  }
0x5a: {  	s1 =	sld [smem:$0x7FA]  }
0x5b: {  	[sflag:s11] =	ssyncset.done $0x0  }
0x5c: {  	s28 =	simm.s32 $0x7;
	s2 =	sld [smem:$0x7FB];
	[sflag:s11] =	ssyncadd.s32 $0xFFFFE800  }
0x5d: {  	[hbm4b:s1+s12] =	stream.strided.scatter [tilespmem:s9], [sflag:$0x2], $0xC80, s13, s12, $0x38;
	[tilespmem:$0x1C200] =	vst v63  }
0x5e: {  	s24 =	smul.u32 $0x25, s28;
	s10 =	sld [smem:$0x7FC]  }
0x5f: {  	[hbm4b:s2+s12] =	stream.strided.scatter [tilespmem:s18], [sflag:$0x2], $0xC80, s13, s12, $0x38;
	[tilespmem:$0x1C200] =	vst v63  }
0x60: {  	s2 =	sadd.s32 $0xFFFFFF47, s24  }
0x61: {  	s14 =	sld [smem:$0x7FD];
	s1 =	sshrl.u32 s2, $0x8  }
0x62: {  	[hbm4b:s10+s12] =	stream.strided.scatter [tilespmem:s19], [sflag:$0x2], $0xC80, s13, s12, $0x38;
	[tilespmem:$0x1C200] =	vst v63  }
0x63: {  	s10 =	ssub.s32 $0x2, s1  }
0x64: {  	s2 =	sand.u32 $0xFE, s10  }
0x65: {  	[hbm4b:s14+s12] =	stream.strided.scatter [tilespmem:s20], [sflag:$0x2], $0xC80, s13, s12, $0x38;
	[tilespmem:$0x1C200] =	vst v63  }
0x66: {  	s2 =	sshrl.u32 s2, $0x1  }
0x67: {  	s15 =	simm.s32 $0x4B0;
	s1 =	sadd.s32 s1, s2  }
0x68: {  	[tilespmem:s21], [sflag:$0x1] =	stream.indirect.gather [hbm4b:s3+s6], $0x40, s15, s6, $0xb8;
	[tilespmem:$0x1C200] =	vst v63  }
0x69: {  	s1 =	sand.u32 $0xFC, s1  }
0x6a: {  	s25 =	simm.s32 $0x518;
	s26 =	simm.s32 $0x1AA00;
	s1 =	sshrl.u32 s1, $0x2  }
0x6b: {  	[tilespmem:s26], [sflag:$0x1] =	stream.indirect.gather [hbm4b:s3+s8], $0x40, s25, s8, $0xb8;
	[tilespmem:$0x1C200] =	vst v63  }
0x6c: {  	s0 =	sshrl.u32 s24, $0x8;
	s1 =	smul.u32 $0x7, s1;
	_ =	swait.ge [sflag:s11], $0x1A00  }
0x6d: {  	s24 =	simm.s32 $0x578;
	s14 =	ssub.s32 $0x7, s0;
	[sflag:s11] =	ssyncset.done $0x0  }
0x6e: {  	s2 =	sand.u32 $0xFE, s14;
	s1 =	ssub.s32 $0x2, s1;
	[sflag:s11] =	ssyncadd.s32 $0xFFFFE600  }
0x6f: {  	s2 =	sshrl.u32 s2, $0x1;
	s1 =	sand.u32 $0xFF, s1;
	_ =	swait.ge [sflag:s11], $0x1800  }
0x70: {  	s0 =	sadd.s32 s0, s2;
	s1 =	smul.u32 $0xC800, s1;
	s15 =	rddreg [dreg:$0x3]  }
0x71: {  	s25 =	simm.s32 $0xE00;
	s0 =	sand.u32 $0xFC, s0;
	s26 =	rddreg [dreg:$0x4]  }
0x72: {  	[sflag:s11] =	ssyncset.done $0x0;
	s29 =	rddreg [dreg:$0x5];
	s1 =	sshrl.u32 s1, $0x2  }
0x73: {  	[sflag:s11] =	ssyncadd.s32 $0xFFFFE800;
	s2 =	sadd.s32 $0x0, s15;
	s10 =	sadd.s32 $0x0, s26  }
0x74: {  	s26 =	simm.s32 $0x8;
	s15 =	sadd.s32 $0x0, s29;
	s30 =	sadd.s32 $0x6400, s1  }
0x75: {  	[hbm4b:s2+s12] =	stream.strided.scatter [tilespmem:s30], [sflag:$0x2], $0xC80, s13, s12, $0x38;
	[tilespmem:$0x1C200] =	vst v63  }
0x76: {  	s14 =	sadd.s32 $0x7080, s1;
	s29 =	sadd.s32 $0x7D00, s1;
	s1 =	sadd.s32 $0x8980, s1  }
0x77: {  	[hbm4b:s10+s12] =	stream.strided.scatter [tilespmem:s14], [sflag:$0x2], $0xC80, s13, s12, $0x38;
	[tilespmem:$0x1C200] =	vst v63  }
0x78: {  	s30 =	rddreg [dreg:$0x6];
	s10 =	smul.u32 $0x25, s26;
	s14 =	sshrl.u32 s0, $0x2  }
0x79: {  	[hbm4b:s15+s12] =	stream.strided.scatter [tilespmem:s29], [sflag:$0x2], $0xC80, s13, s12, $0x38;
	[tilespmem:$0x1C200] =	vst v63  }
0x7a: {  	s0 =	simm.s32 $0x3;
	s29 =	sadd.s32 $0x0, s30;
	s15 =	sshrl.u32 s10, $0x8  }
0x7b: {  	[hbm4b:s29+s12] =	stream.strided.scatter [tilespmem:s1], [sflag:$0x2], $0xC80, s13, s12, $0x38;
	[tilespmem:$0x1C200] =	vst v63  }
0x7c: {  	s2 =	sadd.s32 $0xFFFFFF47, s10;
	s30 =	ssub.s32 $0x8, s15;
	_ =	swait.ge [sflag:s22], $0xC80  }
0x7d: {  	s2 =	sshrl.u32 s2, $0x8;
	s29 =	simm.s32 $0x1C00;
	[sflag:s22] =	ssyncset.done $0x0  }
0x7e: {  	s30 =	sand.u32 $0xFE, s30;
	s31 =	ssub.s32 $0x3, s2;
	[sflag:s22] =	ssyncadd.s32 $0xFFFFF380  }
0x7f: {  	s1 =	smul.u32 $0x7, s14;
	s31 =	sand.u32 $0xFE, s31;
	_ =	swait.ge [sflag:s22], $0xC80  }
0x80: {  	s30 =	sshrl.u32 s30, $0x1;
	s31 =	sshrl.u32 s31, $0x1;
	[sflag:s22] =	ssyncset.done $0x0  }
0x81: {  	s30 =	sadd.s32 s15, s30;
	s2 =	sadd.s32 s2, s31;
	[sflag:s22] =	ssyncadd.s32 $0xFFFFF380  }
0x82: {  	s30 =	sand.u32 $0xFC, s30;
	s31 =	simm.s32 $0x578;
	_ =	swait.ge [sflag:s22], $0xC80  }
.LBB2_2:
0x83: {  	s10 =	ssub.s32 s28, s1  }
0x84: {  	[sflag:s22] =	ssyncset.done $0x0;
	s10 =	sand.u32 $0xFF, s10  }
0x85: {  	[sflag:s22] =	ssyncadd.s32 $0xFFFFF380;
	s10 =	smul.u32 $0xC800, s10  }
0x86: {  	_ =	swait.ge [sflag:s22], $0xC80  }
0x87: {  	s2 =	sand.u32 $0xFC, s2;
	[sflag:s22] =	ssyncset.done $0x0;
	s10 =	sshrl.u32 s10, $0x2  }
0x88: {  	s2 =	sshrl.u32 s2, $0x2;
	[sflag:s22] =	ssyncadd.s32 $0xFFFFF380;
	s14 =	sadd.s32 $0x6400, s10  }
0x89: {  	[tilespmem:s14], [sflag:$0x1] =	stream.indirect.gather [hbm4b:s3+s6], $0x40, s31, s6, $0xb8;
	[tilespmem:$0x1C200] =	vst v63  }
0x8a: {  	s2 =	smul.u32 $0x7, s2;
	s10 =	sadd.s32 $0x7E00, s10;
	s14 =	sadd.s32 $0x68, s31  }
0x8b: {  	[tilespmem:s10], [sflag:$0x1] =	stream.indirect.gather [hbm4b:s3+s8], $0x40, s14, s8, $0xb8;
	[tilespmem:$0x1C200] =	vst v63  }
0x8c: {  	s24 =	sadd.s32 $0xC8, s24;
	s1 =	smov.u32 s25;
	_ =	swait.ge [sflag:s11], $0x1A00  }
0x8d: {  	s25 =	smov.u32 s29;
	s0 =	ssub.s32 s0, s2;
	[sflag:s11] =	ssyncset.done $0x0  }
0x8e: {  	s28 =	smov.u32 s26;
	s0 =	sand.u32 $0xFF, s0;
	[sflag:s11] =	ssyncadd.s32 $0xFFFFE600  }
0x8f: {  	p0 =	sne.s32 s29, $0x69000;
	s0 =	smul.u32 $0xC800, s0;
	_ =	swait.ge [sflag:s11], $0x1800  }
0x90: {  	s29 =	sadd.s32 $0xE00, s29;
	s26 =	sadd.s32 $0x1, s26;
	s15 =	rddreg [dreg:$0x3]  }
0x91: {  	s0 =	sshrl.u32 s0, $0x2;
	s10 =	rddreg [dreg:$0x4];
	[sflag:s11] =	ssyncset.done $0x0  }
0x92: {  	[sflag:s11] =	ssyncadd.s32 $0xFFFFE800;
	s2 =	sadd.s32 s1, s15;
	s15 =	sadd.s32 $0x6400, s0  }
0x93: {  	[hbm4b:s2+s12] =	stream.strided.scatter [tilespmem:s15], [sflag:$0x2], $0xC80, s13, s12, $0x38;
	[tilespmem:$0x1C200] =	vst v63  }
0x94: {  	s14 =	rddreg [dreg:$0x5];
	s2 =	sadd.s32 s1, s10;
	s10 =	sadd.s32 $0x7080, s0  }
0x95: {  	[hbm4b:s2+s12] =	stream.strided.scatter [tilespmem:s10], [sflag:$0x2], $0xC80, s13, s12, $0x38;
	[tilespmem:$0x1C200] =	vst v63  }
0x96: {  	s15 =	rddreg [dreg:$0x6];
	s2 =	sadd.s32 s1, s14;
	s10 =	sadd.s32 $0x7D00, s0  }
0x97: {  	[hbm4b:s2+s12] =	stream.strided.scatter [tilespmem:s10], [sflag:$0x2], $0xC80, s13, s12, $0x38;
	[tilespmem:$0x1C200] =	vst v63  }
0x98: {  	s1 =	sadd.s32 s1, s15;
	s0 =	sadd.s32 $0x8980, s0;
	s10 =	smul.u32 $0x25, s26  }
0x99: {  	[hbm4b:s1+s12] =	stream.strided.scatter [tilespmem:s0], [sflag:$0x2], $0xC80, s13, s12, $0x38;
	[tilespmem:$0x1C200] =	vst v63  }
0x9a: {  	s31 =	smov.u32 s24;
	s14 =	sshrl.u32 s30, $0x2;
	s0 =	sadd.s32 $0xFFFFFFFB, s26  }
0x9b: {  	s1 =	smul.u32 $0x7, s14;
	s15 =	sadd.s32 $0xFFFFFF47, s10;
	_ =	swait.ge [sflag:s22], $0xC80  }
0x9c: {  	s2 =	sshrl.u32 s10, $0x8;
	s10 =	sshrl.u32 s15, $0x8;
	[sflag:s22] =	ssyncset.done $0x0  }
.Ltmp0:
0x9d: {  	s14 =	ssub.s32 s26, s2;
	[sflag:s22] =	ssyncadd.s32 $0xFFFFF380;
	(pc) =	sbr.rel @p0 .LBB2_2-.Ltmp0, $4  }
0x9e: {  	s15 =	ssub.s32 s0, s10;
	s14 =	sand.u32 $0xFE, s14;
	_ =	swait.ge [sflag:s22], $0xC80  }
0x9f: {  	s15 =	sand.u32 $0xFE, s15;
	s14 =	sshrl.u32 s14, $0x1;
	[sflag:s22] =	ssyncset.done $0x0  }
0xa0: {  	s15 =	sshrl.u32 s15, $0x1;
	s14 =	sadd.s32 s2, s14;
	[sflag:s22] =	ssyncadd.s32 $0xFFFFF380  }
0xa1: {  	s2 =	sadd.s32 s10, s15;
	s30 =	sand.u32 $0xFC, s14;
	_ =	swait.ge [sflag:s22], $0xC80  }
0xa2: {  	s1 =	ssub.s32 s28, s1  }
0xa3: {  	[sflag:s22] =	ssyncset.done $0x0;
	s1 =	sand.u32 $0xFF, s1  }
0xa4: {  	[sflag:s22] =	ssyncadd.s32 $0xFFFFF380;
	s1 =	smul.u32 $0xC800, s1  }
0xa5: {  	s2 =	sand.u32 $0xFC, s2;
	_ =	swait.ge [sflag:s22], $0xC80  }
0xa6: {  	s2 =	sshrl.u32 s2, $0x2;
	[sflag:s22] =	ssyncset.done $0x0;
	s1 =	sshrl.u32 s1, $0x2  }
0xa7: {  	s15 =	smul.u32 $0x7, s2;
	[sflag:s22] =	ssyncadd.s32 $0xFFFFF380;
	s10 =	sadd.s32 $0x6400, s1  }
0xa8: {  	[tilespmem:s10], [sflag:$0x1] =	stream.indirect.gather [hbm4b:s3+s6], $0x40, s31, s6, $0xb8;
	[tilespmem:$0x1C200] =	vst v63  }
0xa9: {  	s14 =	sadd.s32 $0x68, s31;
	s0 =	ssub.s32 s0, s15;
	s1 =	sadd.s32 $0x7E00, s1  }
0xaa: {  	[tilespmem:s1], [sflag:$0x1] =	stream.indirect.gather [hbm4b:s3+s8], $0x40, s14, s8, $0xb8;
	[tilespmem:$0x1C200] =	vst v63  }
0xab: {  	s0 =	sand.u32 $0xFF, s0;
	_ =	swait.ge [sflag:s11], $0x1A00  }
0xac: {  	s0 =	smul.u32 $0xC800, s0;
	[sflag:s11] =	ssyncset.done $0x0  }
0xad: {  	[sflag:s11] =	ssyncadd.s32 $0xFFFFE600  }
0xae: {  	s0 =	sshrl.u32 s0, $0x2;
	_ =	swait.ge [sflag:s11], $0x1800  }
0xaf: {  	s31 =	sadd.s32 $0x6400, s0;
	s28 =	rddreg [dreg:$0x3];
	[sflag:s11] =	ssyncset.done $0x0  }
0xb0: {  	s29 =	rddreg [dreg:$0x4];
	[sflag:s11] =	ssyncadd.s32 $0xFFFFE800;
	s1 =	sadd.s32 s25, s28  }
0xb1: {  	[hbm4b:s1+s12] =	stream.strided.scatter [tilespmem:s31], [sflag:$0x2], $0xC80, s13, s12, $0x38;
	[tilespmem:$0x1C200] =	vst v63  }
0xb2: {  	s15 =	sadd.s32 $0x7080, s0;
	s14 =	rddreg [dreg:$0x5];
	s2 =	sadd.s32 s25, s29  }
0xb3: {  	[hbm4b:s2+s12] =	stream.strided.scatter [tilespmem:s15], [sflag:$0x2], $0xC80, s13, s12, $0x38;
	[tilespmem:$0x1C200] =	vst v63  }
0xb4: {  	s28 =	rddreg [dreg:$0x6];
	s29 =	sadd.s32 $0x7D00, s0;
	s1 =	sadd.s32 s25, s14  }
0xb5: {  	[hbm4b:s1+s12] =	stream.strided.scatter [tilespmem:s29], [sflag:$0x2], $0xC80, s13, s12, $0x38;
	[tilespmem:$0x1C200] =	vst v63  }
0xb6: {  	s0 =	sadd.s32 $0x8980, s0;
	s31 =	sadd.s32 s25, s28  }
0xb7: {  	[hbm4b:s31+s12] =	stream.strided.scatter [tilespmem:s0], [sflag:$0x2], $0xC80, s13, s12, $0x38;
	[tilespmem:$0x1C200] =	vst v63  }
0xb8: {  	_ =	swait.ge [sflag:s22], $0xC80  }
0xb9: {  	[sflag:s22] =	ssyncset.done $0x0  }
0xba: {  	[sflag:s22] =	ssyncadd.s32 $0xFFFFF380  }
0xbb: {  	s2 =	sshrl.u32 s30, $0x2;
	_ =	swait.ge [sflag:s22], $0xC80  }
0xbc: {  	s0 =	smul.u32 $0x7, s2;
	[sflag:s22] =	ssyncset.done $0x0  }
0xbd: {  	[sflag:s22] =	ssyncadd.s32 $0xFFFFF380  }
0xbe: {  	s0 =	ssub.s32 s26, s0;
	_ =	swait.ge [sflag:s22], $0xC80  }
0xbf: {  	s0 =	sand.u32 $0xFF, s0;
	[sflag:s22] =	ssyncset.done $0x0  }
0xc0: {  	s0 =	smul.u32 $0xC800, s0;
	[sflag:s22] =	ssyncadd.s32 $0xFFFFF380  }
0xc1: {  	_ =	swait.ge [sflag:s22], $0xC80  }
0xc2: {  	s0 =	sshrl.u32 s0, $0x2;
	[sflag:s22] =	ssyncset.done $0x0  }
0xc3: {  	s10 =	sadd.s32 $0xC8, s24;
	s14 =	sadd.s32 $0x6400, s0;
	[sflag:s22] =	ssyncadd.s32 $0xFFFFF380  }
0xc4: {  	[tilespmem:s14], [sflag:$0x1] =	stream.indirect.gather [hbm4b:s3+s6], $0x40, s10, s6, $0xb8;
	[tilespmem:$0x1C200] =	vst v63  }
0xc5: {  	s1 =	sadd.s32 $0x68, s10;
	s0 =	sadd.s32 $0x7E00, s0  }
0xc6: {  	[tilespmem:s0], [sflag:$0x1] =	stream.indirect.gather [hbm4b:s3+s8], $0x40, s1, s8, $0xb8;
	[tilespmem:$0x1C200] =	vst v63  }
0xc7: {  	_ =	swait.ge [sflag:s11], $0x1A00  }
0xc8: {  	[sflag:s11] =	ssyncset.done $0x0  }
0xc9: {  	[sflag:s11] =	ssyncadd.s32 $0xFFFFE600  }
0xca: {  	_ =	swait.ge [sflag:s11], $0x1800  }
0xcb: {  	[sflag:s11] =	ssyncset.done $0x0  }
0xcc: {  	s2 =	simm.s32 $0x12C00;
	s15 =	rddreg [dreg:$0x8];
	[sflag:s11] =	ssyncadd.s32 $0xFFFFE800  }
0xcd: {  	[hbm4b:s15+s12] =	stream.strided.scatter [tilespmem:s2], [sflag:$0x2], $0xC80, s13, s12, $0x38;
	[tilespmem:$0x1C200] =	vst v63  }
0xce: {  	s25 =	simm.s32 $0x13880;
	s24 =	rddreg [dreg:$0x9]  }
0xcf: {  	[hbm4b:s24+s12] =	stream.strided.scatter [tilespmem:s25], [sflag:$0x2], $0xC80, s13, s12, $0x38;
	[tilespmem:$0x1C200] =	vst v63  }
0xd0: {  	s28 =	simm.s32 $0x14500;
	s26 =	rddreg [dreg:$0xa]  }
0xd1: {  	[hbm4b:s26+s12] =	stream.strided.scatter [tilespmem:s28], [sflag:$0x2], $0xC80, s13, s12, $0x38;
	[tilespmem:$0x1C200] =	vst v63  }
0xd2: {  	s30 =	simm.s32 $0x15180;
	s29 =	rddreg [dreg:$0xb]  }
0xd3: {  	[hbm4b:s29+s12] =	stream.strided.scatter [tilespmem:s30], [sflag:$0x2], $0xC80, s13, s12, $0x38;
	[tilespmem:$0x1C200] =	vst v63  }
0xd4: {  	_ =	swait.ge [sflag:s22], $0xC80  }
0xd5: {  	[sflag:s22] =	ssyncset.done $0x0  }
0xd6: {  	[sflag:s22] =	ssyncadd.s32 $0xFFFFF380  }
0xd7: {  	_ =	swait.ge [sflag:s22], $0xC80  }
0xd8: {  	[sflag:s22] =	ssyncset.done $0x0  }
0xd9: {  	[sflag:s22] =	ssyncadd.s32 $0xFFFFF380  }
0xda: {  	_ =	swait.ge [sflag:s22], $0xC80  }
0xdb: {  	[sflag:s22] =	ssyncset.done $0x0  }
0xdc: {  	[sflag:s22] =	ssyncadd.s32 $0xFFFFF380  }
0xdd: {  	_ =	swait.ge [sflag:s22], $0xC80  }
0xde: {  	[sflag:s22] =	ssyncset.done $0x0  }
0xdf: {  	[sflag:s22] =	ssyncadd.s32 $0xFFFFF380  }
0xe0: {  	_ =	swait.ge [sflag:s11], $0x1A00  }
0xe1: {  	[sflag:s11] =	ssyncset.done $0x0  }
0xe2: {  	[sflag:s11] =	ssyncadd.s32 $0xFFFFE600  }
0xe3: {  	_ =	swait.ge [sflag:s11], $0x1800  }
0xe4: {  	[sflag:s11] =	ssyncset.done $0x0  }
0xe5: {  	s31 =	rddreg [dreg:$0xc];
	[sflag:s11] =	ssyncadd.s32 $0xFFFFE800  }
0xe6: {  	[hbm4b:s31+s12] =	stream.strided.scatter [tilespmem:s17], [sflag:$0x2], $0xC80, s13, s12, $0x38;
	[tilespmem:$0x1C200] =	vst v63  }
0xe7: {  	s10 =	simm.s32 $0x16A80;
	s1 =	rddreg [dreg:$0xd]  }
0xe8: {  	[hbm4b:s1+s12] =	stream.strided.scatter [tilespmem:s10], [sflag:$0x2], $0xC80, s13, s12, $0x38;
	[tilespmem:$0x1C200] =	vst v63  }
0xe9: {  	s15 =	simm.s32 $0x17700;
	s14 =	rddreg [dreg:$0xe]  }
0xea: {  	[hbm4b:s14+s12] =	stream.strided.scatter [tilespmem:s15], [sflag:$0x2], $0xC80, s13, s12, $0x38;
	[tilespmem:$0x1C200] =	vst v63  }
0xeb: {  	s25 =	simm.s32 $0x18380;
	s24 =	rddreg [dreg:$0xf]  }
0xec: {  	[hbm4b:s24+s12] =	stream.strided.scatter [tilespmem:s25], [sflag:$0x2], $0xC80, s13, s12, $0x38;
	[tilespmem:$0x1C200] =	vst v63  }
0xed: {  	_ =	swait.ge [sflag:s22], $0xC80  }
0xee: {  	[sflag:s22] =	ssyncset.done $0x0  }
0xef: {  	[sflag:s22] =	ssyncadd.s32 $0xFFFFF380  }
0xf0: {  	_ =	swait.ge [sflag:s22], $0xC80  }
0xf1: {  	[sflag:s22] =	ssyncset.done $0x0  }
0xf2: {  	[sflag:s22] =	ssyncadd.s32 $0xFFFFF380  }
0xf3: {  	_ =	swait.ge [sflag:s22], $0xC80  }
0xf4: {  	[sflag:s22] =	ssyncset.done $0x0  }
0xf5: {  	[sflag:s22] =	ssyncadd.s32 $0xFFFFF380  }
0xf6: {  	_ =	swait.ge [sflag:s22], $0xC80  }
0xf7: {  	[sflag:s22] =	ssyncset.done $0x0  }
0xf8: {  	[sflag:s22] =	ssyncadd.s32 $0xFFFFF380  }
0xf9: {  	_ =	swait.ge [sflag:s11], $0x1A00  }
0xfa: {  	[sflag:s11] =	ssyncset.done $0x0  }
0xfb: {  	[sflag:s11] =	ssyncadd.s32 $0xFFFFE600  }
0xfc: {  	_ =	swait.ge [sflag:s11], $0x1800  }
0xfd: {  	[sflag:s11] =	ssyncset.done $0x0  }
0xfe: {  	s26 =	rddreg [dreg:$0x10];
	[sflag:s11] =	ssyncadd.s32 $0xFFFFE800  }
0xff: {  	[hbm4b:s26+s12] =	stream.strided.scatter [tilespmem:s21], [sflag:$0x2], $0xC80, s13, s12, $0x38;
	[tilespmem:$0x1C200] =	vst v63  }
0x100: {  	s29 =	simm.s32 $0x19C80;
	s28 =	rddreg [dreg:$0x11]  }
0x101: {  	[hbm4b:s28+s12] =	stream.strided.scatter [tilespmem:s29], [sflag:$0x2], $0xC80, s13, s12, $0x38;
	[tilespmem:$0x1C200] =	vst v63  }
0x102: {  	s31 =	simm.s32 $0x1A900;
	s30 =	rddreg [dreg:$0x12]  }
0x103: {  	[hbm4b:s30+s12] =	stream.strided.scatter [tilespmem:s31], [sflag:$0x2], $0xC80, s13, s12, $0x38;
	[tilespmem:$0x1C200] =	vst v63  }
0x104: {  	s10 =	simm.s32 $0x1B580;
	s1 =	rddreg [dreg:$0x13]  }
0x105: {  	[hbm4b:s1+s12] =	stream.strided.scatter [tilespmem:s10], [sflag:$0x2], $0xC80, s13, s12, $0x38;
	[tilespmem:$0x1C200] =	vst v63  }
0x106: {  	_ =	swait.ge [sflag:s22], $0xC80  }
0x107: {  	[sflag:s22] =	ssyncset.done $0x0  }
0x108: {  	[sflag:s22] =	ssyncadd.s32 $0xFFFFF380  }
0x109: {  	_ =	swait.ge [sflag:s22], $0xC80  }
0x10a: {  	[sflag:s22] =	ssyncset.done $0x0  }
0x10b: {  	[sflag:s22] =	ssyncadd.s32 $0xFFFFF380  }
0x10c: {  	_ =	swait.ge [sflag:s22], $0xC80  }
0x10d: {  	[sflag:s22] =	ssyncset.done $0x0  }
0x10e: {  	[sflag:s22] =	ssyncadd.s32 $0xFFFFF380  }
0x10f: {  	_ =	swait.ge [sflag:s22], $0xC80  }
0x110: {  	[sflag:s22] =	ssyncset.done $0x0  }
0x111: {  	[sflag:s22] =	ssyncadd.s32 $0xFFFFF380  }
0x112: {  	_ =	swait.ge [sflag:s11], $0x1A00  }
0x113: {  	[sflag:s11] =	ssyncset.done $0x0  }
0x114: {  	[sflag:s11] =	ssyncadd.s32 $0xFFFFE600  }
0x115: {  	_ =	swait.ge [sflag:s11], $0x1800  }
0x116: {  	[sflag:s11] =	ssyncset.done $0x0  }
0x117: {  	s14 =	rddreg [dreg:$0x14];
	[sflag:s11] =	ssyncadd.s32 $0xFFFFE800  }
0x118: {  	[hbm4b:s14+s12] =	stream.strided.scatter [tilespmem:s7], [sflag:$0x2], $0xC80, s13, s12, $0x38;
	[tilespmem:$0x1C200] =	vst v63  }
0x119: {  	s10 =	simm.s32 $0x7080;
	s15 =	rddreg [dreg:$0x15]  }
0x11a: {  	[hbm4b:s15+s12] =	stream.strided.scatter [tilespmem:s10], [sflag:$0x2], $0xC80, s13, s12, $0x38;
	[tilespmem:$0x1C200] =	vst v63  }
0x11b: {  	s24 =	rddreg [dreg:$0x16];
	s14 =	simm.s32 $0x7D00  }
0x11c: {  	[hbm4b:s24+s12] =	stream.strided.scatter [tilespmem:s14], [sflag:$0x2], $0xC80, s13, s12, $0x38;
	[tilespmem:$0x1C200] =	vst v63  }
0x11d: {  	s25 =	rddreg [dreg:$0x17]  }
0x11e: {  	[hbm4b:s25+s12] =	stream.strided.scatter [tilespmem:s16], [sflag:$0x2], $0xC80, s13, s12, $0x38;
	[tilespmem:$0x1C200] =	vst v63  }
0x11f: {  	_ =	swait.ge [sflag:s22], $0xC80  }
0x120: {  	[sflag:s22] =	ssyncset.done $0x0  }
0x121: {  	[sflag:s22] =	ssyncadd.s32 $0xFFFFF380  }
0x122: {  	_ =	swait.ge [sflag:s22], $0xC80  }
0x123: {  	[sflag:s22] =	ssyncset.done $0x0  }
0x124: {  	[sflag:s22] =	ssyncadd.s32 $0xFFFFF380  }
0x125: {  	_ =	swait.ge [sflag:s22], $0xC80  }
0x126: {  	[sflag:s22] =	ssyncset.done $0x0  }
0x127: {  	[sflag:s22] =	ssyncadd.s32 $0xFFFFF380  }
0x128: {  	_ =	swait.ge [sflag:s22], $0xC80  }
0x129: {  	[sflag:s22] =	ssyncset.done $0x0  }
0x12a: {  	[sflag:s22] =	ssyncadd.s32 $0xFFFFF380  }
0x12b: {  	_ =	swait.ge [sflag:s11], $0x1A00  }
0x12c: {  	[sflag:s11] =	ssyncset.done $0x0  }
0x12d: {  	[sflag:s11] =	ssyncadd.s32 $0xFFFFE600  }
0x12e: {  	_ =	swait.ge [sflag:s11], $0x1800  }
0x12f: {  	[sflag:s11] =	ssyncset.done $0x0  }
0x130: {  	s26 =	rddreg [dreg:$0x18];
	[sflag:s11] =	ssyncadd.s32 $0xFFFFE800  }
0x131: {  	[hbm4b:s26+s12] =	stream.strided.scatter [tilespmem:s9], [sflag:$0x2], $0xC80, s13, s12, $0x38;
	[tilespmem:$0x1C200] =	vst v63  }
0x132: {  	s28 =	rddreg [dreg:$0x19]  }
0x133: {  	[hbm4b:s28+s12] =	stream.strided.scatter [tilespmem:s18], [sflag:$0x2], $0xC80, s13, s12, $0x38;
	[tilespmem:$0x1C200] =	vst v63  }
0x134: {  	s29 =	rddreg [dreg:$0x1a]  }
0x135: {  	[hbm4b:s29+s12] =	stream.strided.scatter [tilespmem:s19], [sflag:$0x2], $0xC80, s13, s12, $0x38;
	[tilespmem:$0x1C200] =	vst v63  }
0x136: {  	s30 =	rddreg [dreg:$0x1b]  }
0x137: {  	[hbm4b:s30+s12] =	stream.strided.scatter [tilespmem:s20], [sflag:$0x2], $0xC80, s13, s12, $0x38;
	[tilespmem:$0x1C200] =	vst v63  }
0x138: {  	_ =	swait.ge [sflag:s22], $0xC80  }
0x139: {  	[sflag:s22] =	ssyncset.done $0x0  }
0x13a: {  	[sflag:s22] =	ssyncadd.s32 $0xFFFFF380  }
0x13b: {  	_ =	swait.ge [sflag:s22], $0xC80  }
0x13c: {  	[sflag:s22] =	ssyncset.done $0x0  }
0x13d: {  	[sflag:s22] =	ssyncadd.s32 $0xFFFFF380  }
0x13e: {  	_ =	swait.ge [sflag:s22], $0xC80  }
0x13f: {  	[sflag:s22] =	ssyncset.done $0x0  }
0x140: {  	[sflag:s22] =	ssyncadd.s32 $0xFFFFF380  }
0x141: {  	_ =	swait.ge [sflag:s22], $0xC80  }
0x142: {  	[sflag:s22] =	ssyncset.done $0x0  }
0x143: {  	[sflag:s22] =	ssyncadd.s32 $0xFFFFF380  }
0x144: {  	_ =	swait.ge [sflag:s22], $0xC80  }
0x145: {  	[sflag:s22] =	ssyncset.done $0x0  }
0x146: {  	[sflag:s22] =	ssyncadd.s32 $0xFFFFF380  }
0x147: {  	_ =	swait.ge [sflag:s22], $0xC80  }
0x148: {  	[sflag:s22] =	ssyncset.done $0x0  }
0x149: {  	[sflag:s22] =	ssyncadd.s32 $0xFFFFF380  }
0x14a: {  	_ =	swait.ge [sflag:s22], $0xC80  }
0x14b: {  	[sflag:s22] =	ssyncset.done $0x0  }
0x14c: {  	[sflag:s22] =	ssyncadd.s32 $0xFFFFF380  }
0x14d: {  	_ =	swait.ge [sflag:s22], $0xC80  }
0x14e: {  	[sflag:s22] =	ssyncset.done $0x0  }
0x14f: {  	[sflag:s22] =	ssyncadd.s32 $0xFFFFF380  }
0x150: {  	_ =	swait.ge [sflag:s22], $0xC80  }
0x151: {  	[sflag:s22] =	ssyncset.done $0x0  }
0x152: {  	[sflag:s22] =	ssyncadd.s32 $0xFFFFF380  }
0x153: {  	_ =	swait.ge [sflag:s22], $0xC80  }
0x154: {  	[sflag:s22] =	ssyncset.done $0x0  }
0x155: {  	[sflag:s22] =	ssyncadd.s32 $0xFFFFF380  }
0x156: {  	_ =	swait.ge [sflag:s22], $0xC80  }
0x157: {  	[sflag:s22] =	ssyncset.done $0x0  }
0x158: {  	[sflag:s22] =	ssyncadd.s32 $0xFFFFF380  }
0x159: {  	_ =	swait.ge [sflag:s22], $0xC80  }
0x15a: {  	s23 =	sadd.s32 $0x1, s23;
	s31 =	rddreg [dreg:$0x1c]  }
0x15b: {  	p0 =	sne.s32 s23, s31  }
.Ltmp1:
0x15c: {  	_ = 	snop;
	(pc) =	sbr.rel @p0 .LBB2_1-.Ltmp1, $3  }
0x15d: {  	_ =	sdelay $0x1  }
0x15e: {  	[sflag:s22] =	ssyncset.done $0x0  }
0x15f: {  	[sflag:s22] =	ssyncadd.s32 $0xFFFFF380  }
0x160: {  	_ =	sfence.sel $0x180000  }
0x161: {  	[bflag:$0x0] =	sbarrier.arrive $0xFFFF  }
0x162: {  	_ =	strace $0x90000047  }
0x163: {  	s0 =	stileid.u32;
	[bflag:$0x2] =	sbarrier.arrive $0xFFFF  }
0x164: {  	p0 =	sne.s32 s0, $0x0;
	s0 =	rddreg [dreg:$0x2]  }
0x165: {  	s0 =	sadd.s32 @!p0 $0x100000, s0  }
0x166: {  	[sflag:s0] =	ssyncadd.tile.s32 @!p0 $0x1;
	_ =	shalt  }
.Lfunc_end2:
_tile_overlayer_lowered:
.L_overlay_start_2:
0x167: {  	(tag) =	ssettag $0x2  }
0x168: {  	s0 =	rddreg [dreg:$0x0];
	s2 =	stileid.u32  }
0x169: {  	s1 =	rddreg [dreg:$0x1];
	p0 =	sne.s32 s2, $0x0  }
0x16a: {  	s3 =	rddreg [dreg:$0x2];
	[bflag:$0x3] =	sbarrier.arrive $0xFFFF;
	s2 =	simm.s32 @!p0 $0x1C03  }
0x16b: {  	[timem:s3], [sflag:s2] =	dma.local @!p0 [hbm:s0], s1  }
0x16c: {  	s0 =	simm.s32 @!p0 $0x3  }
0x16d: {  	_ =	swait.ge @!p0 [sflag:s0], s1  }
0x16e: {  	s1 =	ssub.s32 @!p0 $0x0, s1;
	[sflag:s0] =	ssyncset.done @!p0 $0x0  }
0x16f: {  	[sflag:s0] =	ssyncadd.s32 @!p0 s1  }
0x170: {  	[bflag:$0x3] =	sbarrier.arrive $0xFFFF  }
0x171: {  	_ =	shalt  }

// kernel: kernel.7.cloned.1.call-start
scs
__scs_entry_jumppad:
0x0: {  	(pc) =	sbr.rel $0x88, $3  }
0x1: {  	(tag) =	ssettag $0x0;
	lr =	simm.s32 $0x1  }
0x2: {  	[smem:$0x3F9D] =	sst lr;
	_ =	strace $0xD0000000  }
0x3: {  	_ = 	snop  }
0x4: {  	_ = 	snop  }
0x5: {  	_ = 	snop  }
0x6: {  	_ = 	snop  }
0x7: {  	_ = 	snop  }
__scs_overlays_trampoline_lowered:
0x8: {  	[smem:$0x3FAC] =	sst s0  }
0x9: {  	[smem:$0x3FAD] =	sst s1  }
0xa: {  	[smem:$0x3FAE] =	sst s2  }
0xb: {  	[smem:$0x3FAF] =	sst s3  }
0xc: {  	[smem:$0x3FB0] =	sst s4  }
0xd: {  	[smem:$0x3FB1] =	sst s5  }
0xe: {  	[smem:$0x3FB2] =	sst s6  }
0xf: {  	[smem:$0x3FB3] =	sst s7  }
0x10: {  	[smem:$0x3FB4] =	sst s8  }
0x11: {  	[smem:$0x3FB5] =	sst s9;
	s0 =	simm.s32 @!p0 $0x0  }
0x12: {  	s1 =	sld [smem:$0x3F9B];
	s0 =	simm.s32 @p0 $0x1  }
0x13: {  	[smem:$0x3FB6] =	sst s0;
	s0 =	simm.s32 @!p1 $0x0  }
0x14: {  	s2 =	sld [smem:$0x3F9A];
	s0 =	simm.s32 @p1 $0x1  }
0x15: {  	[smem:$0x3FB7] =	sst s0;
	s0 =	simm.s32 @!p2 $0x0  }
0x16: {  	s3 =	sld [smem:$0x3FDB];
	s0 =	simm.s32 @p2 $0x1  }
0x17: {  	s4 =	simm.s32 $0x1BF5;
	[smem:$0x3FB9] =	sst s0  }
0x18: {  	s0 =	sld [smem:$0x3F9C];
	_ =	swait.ge [sflag:s4], $0x0  }
0x19: {  	s7 =	sld [smem:$0x3F9D]  }
0x1a: {  	s8 =	sadd.s32 $0xFFFFE003, lr  }
0x1b: {  	s9 =	sadd.s32 $0xFFFFFEF7, lr;
	s5 =	simm.s32 $0xFFFFFFFF;
	p2 =	slt.u32 s8, $0xFFFFF086  }
0x1c: {  	p1 =	slt.u32 s9, $0xF7A;
	s5 =	simm.s32 @!p2 $0x0  }
0x1d: {  	s5 =	simm.s32 @p1 $0x1;
	p0 =	seq.s32 s7, s2  }
0x1e: {  	s7 =	smul.u32 @!p0 $0xF7A, s2;
	p2 =	seq.s32 @!p0 s5, $0x0  }
0x1f: {  	s9 =	smul.u32 $0xF7A, s1;
	s8 =	simm.s32 @!p0 $0x1BF5;
	p2 =	por !p2, p0  }
0x20: {  	[sflag:s8] =	ssyncset.s32 @!p0 $0xFFFFF086;
	s6 =	sadd.s32 @!p0 s3, s7;
	s7 =	simm.s32 @!p0 $0x108  }
0x21: {  	s3 =	sadd.s32 s3, s9;
	s6 =	sadd.s32 @!p0 $0x88, s6;
	s7 =	simm.s32 @p2 $0x1082  }
0x22: {  	[simem:s7], [sflag:s8] =	dma.local @!p0 [hbm:s6], $0xF7A  }
0x23: {  	s9 =	sor.u32 $0xD0000000, s2;
	s6 =	simm.s32 $0x108;
	_ =	swait.ge @!p0 [sflag:s8], $0x0  }
0x24: {  	s3 =	sadd.s32 $0x88, s3;
	s6 =	simm.s32 @!p1 $0x1082;
	[sflag:s4] =	ssyncset.s32 $0xFFFFF086  }
0x25: {  	[simem:s6], [sflag:s4] =	dma.local [hbm:s3], $0xF7A  }
0x26: {  	[smem:$0x3F9D] =	sst s1;
	(tag) =	ssettag s2;
	_ =	strace s9  }
0x27: {  	s1 =	sld [smem:$0x3FAD]  }
0x28: {  	s2 =	sld [smem:$0x3FAE]  }
0x29: {  	s4 =	sld [smem:$0x3FB0]  }
0x2a: {  	p0 =	seq.s32 s5, $0x0;
	s5 =	sld [smem:$0x3FB1]  }
0x2b: {  	s6 =	sld [smem:$0x3FB2]  }
0x2c: {  	s7 =	sld [smem:$0x3FB3]  }
0x2d: {  	s3 =	simm.s32 $0x108;
	s8 =	sld [smem:$0x3FB4]  }
0x2e: {  	s3 =	simm.s32 @!p0 $0x1082;
	s9 =	sld [smem:$0x3FB5]  }
0x2f: {  	lr =	sadd.s32 s0, s3;
	s0 =	sld [smem:$0x3FAC]  }
0x30: {  	s3 =	sld [smem:$0x3FAF]  }
0x31: {  	[smem:$0x3FB8] =	sst s10  }
0x32: {  	s10 =	sld [smem:$0x3FB6];
	_ =	sdelay $0x3  }
0x33: {  	p0 =	seq.s32 s10, $0x1;
	s10 =	sld [smem:$0x3FB8];
	_ =	sdelay $0x3  }
0x34: {  	[smem:$0x3FB8] =	sst s10  }
0x35: {  	s10 =	sld [smem:$0x3FB7];
	_ =	sdelay $0x3  }
0x36: {  	p1 =	seq.s32 s10, $0x1;
	s10 =	sld [smem:$0x3FB8];
	_ =	sdelay $0x3  }
0x37: {  	[smem:$0x3FB8] =	sst s10  }
0x38: {  	s10 =	sld [smem:$0x3FB9]  }
0x39: {  	_ = 	snop;
	(pc) =	sbr.ind lr, $3  }
0x3a: {  	_ = 	snop  }
0x3b: {  	_ = 	snop  }
0x3c: {  	p2 =	seq.s32 s10, $0x1;
	s10 =	sld [smem:$0x3FB8]  }
0x3d: {  	_ =	shalt  }
0x3e: {  	_ =	shalt  }
0x3f: {  	_ =	shalt  }
0x40: {  	_ =	shalt  }
0x41: {  	_ =	shalt  }
0x42: {  	_ =	shalt  }
0x43: {  	_ =	shalt  }
0x44: {  	_ =	shalt  }
0x45: {  	_ =	shalt  }
0x46: {  	_ =	shalt  }
0x47: {  	_ =	shalt  }
0x48: {  	_ =	shalt  }
0x49: {  	_ =	shalt  }
0x4a: {  	_ =	shalt  }
0x4b: {  	_ =	shalt  }
0x4c: {  	_ =	shalt  }
0x4d: {  	_ =	shalt  }
0x4e: {  	_ =	shalt  }
0x4f: {  	_ =	shalt  }
0x50: {  	_ =	shalt  }
0x51: {  	_ =	shalt  }
0x52: {  	_ =	shalt  }
0x53: {  	_ =	shalt  }
0x54: {  	_ =	shalt  }
0x55: {  	_ =	shalt  }
0x56: {  	_ =	shalt  }
0x57: {  	_ =	shalt  }
0x58: {  	_ =	shalt  }
0x59: {  	_ =	shalt  }
0x5a: {  	_ =	shalt  }
0x5b: {  	_ =	shalt  }
0x5c: {  	_ =	shalt  }
0x5d: {  	_ =	shalt  }
0x5e: {  	_ =	shalt  }
0x5f: {  	_ =	shalt  }
0x60: {  	_ =	shalt  }
0x61: {  	_ =	shalt  }
0x62: {  	_ =	shalt  }
0x63: {  	_ =	shalt  }
0x64: {  	_ =	shalt  }
0x65: {  	_ =	shalt  }
0x66: {  	_ =	shalt  }
0x67: {  	_ =	shalt  }
0x68: {  	_ =	shalt  }
0x69: {  	_ =	shalt  }
0x6a: {  	_ =	shalt  }
0x6b: {  	_ =	shalt  }
0x6c: {  	_ =	shalt  }
0x6d: {  	_ =	shalt  }
0x6e: {  	_ =	shalt  }
0x6f: {  	_ =	shalt  }
0x70: {  	_ =	shalt  }
0x71: {  	_ =	shalt  }
0x72: {  	_ =	shalt  }
0x73: {  	_ =	shalt  }
0x74: {  	_ =	shalt  }
0x75: {  	_ =	shalt  }
0x76: {  	_ =	shalt  }
0x77: {  	_ =	shalt  }
0x78: {  	_ =	shalt  }
0x79: {  	_ =	shalt  }
0x7a: {  	_ =	shalt  }
0x7b: {  	_ =	shalt  }
0x7c: {  	_ =	shalt  }
0x7d: {  	_ =	shalt  }
0x7e: {  	_ =	shalt  }
0x7f: {  	_ =	shalt  }
0x80: {  	_ =	shalt  }
0x81: {  	_ =	shalt  }
0x82: {  	_ =	shalt  }
0x83: {  	_ =	shalt  }
0x84: {  	_ =	shalt  }
0x85: {  	_ =	shalt  }
0x86: {  	_ =	shalt  }
0x87: {  	_ =	shalt  }
.Lfunc_end0:
.L_simem_size_0:
called_computation.2_lowered:
.L_overlay_start_0:
0x88: {  	s2 =	sld [smem:$0x3FD9]  }
0x89: {  	s3 =	sld [smem:$0x3FFE];
	_ =	sdelay $0x1  }
0x8a: {  	s1 =	srdreg.scid  }
0x8b: {  	s0 =	sand.u32 $0x1, s1  }
0x8c: {  	s17 =	sshll.u32 s0, $0xA;
	s2 =	sadd.s32 s3, s2  }
0x8d: {  	s2 =	sadd.s32 s2, s17  }
0x8e: {  	[smem:$0x3FC4] =	sst s2  }
0x8f: {  	_ = 	snop  }
0x90: {  	s18 =	sld [smem:$0x3FC9];
	(tm) =	ssettm $0x1  }
0x91: {  	s19 =	sld [smem:$0x3FFB];
	_ =	sdelay $0x3  }
0x92: {  	_ =	strace s19  }
0x93: {  	s2 =	sld [smem:$0x3FFC];
	_ =	sdelay $0x3  }
0x94: {  	_ =	strace s2  }
0x95: {  	s2 =	sld [smem:$0x3FFD];
	_ =	sdelay $0x3  }
0x96: {  	_ =	strace s2  }
0x97: {  	_ =	strace $0x8FFFFFFF  }
0x98: {  	s20 =	sld [smem:$0x3FDB];
	_ =	sdelay $0x1  }
0x99: {  	s4 =	simm.s32 $_scs_section_size  }
0x9a: {  	s5 =	simm.s32 $_size__tile_overlayer_lowered;
	s6 =	simm.s32 $_tile_overlayer_lowered  }
0x9b: {  	s7 =	simm.s32 $0x1BFF;
	s21 =	sshll.u32 s6, $0x1;
	s4 =	sadd.s32 s4, s20  }
0x9c: {  	s22 =	simm.s32 $0x0;
	s5 =	sshll.u32 s5, $0x1;
	s6 =	sadd.s32 s21, s4  }
0x9d: {  	[timem:s22], [sflag:s7] =	dma.local [hbm:s6], s5  }
0x9e: {  	_ =	swait.ge [sflag:s7], s5  }
0x9f: {  	s5 =	ssub.s32 $0x0, s5;
	[sflag:s7] =	ssyncset.done $0x0  }
0xa0: {  	[sflag:s7] =	ssyncadd.s32 s5;
	_ =	sdelay $0x1  }
0xa1: {  	s23 =	simm.s32 $0x1B8B  }
0xa2: {  	_ =	swait.ge [sflag:s23], $0x1  }
0xa3: {  	[sflag:s23] =	ssyncset.done $0x0  }
0xa4: {  	[sflag:s23] =	ssyncadd.s32 $0xFFFFFFFF  }
0xa5: {  	s5 =	sld [smem:$0x0]  }
0xa6: {  	s6 =	sand.u32 $0xFFFFFFFE, s1  }
0xa7: {  	p0 =	sne.s32 s1, s6  }
0xa8: {  	s6 =	sshll.u32 @p0 s6, $0xE  }
0xa9: {  	s6 =	sadd.s32 @p0 $0x11B8D, s6;
	s7 =	sshll.u32 @p0 s5, $0x11  }
0xaa: {  	s6 =	sor.u32 @p0 s7, s6  }
0xab: {  	[sflag:s6] =	ssyncadd.remote.s32 @p0 $0x1;
	_ =	sdelay $0x1  }
0xac: {  	s6 =	simm.s32 @p0 $0x1B8D  }
0xad: {  	_ =	swait.eq @p0 [sflag:s6], $0x1  }
0xae: {  	[sflag:s6] =	ssyncadd.s32 @p0 $0xFFFFFFFF  }
0xaf: {  	s7 =	sshll.u32 @!p0 s1, $0xE  }
0xb0: {  	s7 =	sor.u32 @!p0 $0x4000, s7;
	s6 =	simm.s32 @!p0 $0x1B8D  }
0xb1: {  	s5 =	sshll.u32 @!p0 s5, $0x11;
	s7 =	sadd.s32 @!p0 $0x11B8D, s7;
	_ =	swait.eq @!p0 [sflag:s6], $0x1  }
0xb2: {  	s5 =	sor.u32 @!p0 s5, s7;
	[sflag:s6] =	ssyncadd.s32 @!p0 $0xFFFFFFFF  }
0xb3: {  	s25 =	simm.s32 $0x1B8E;
	s24 =	sld [smem:$0x3FFE];
	[sflag:s5] =	ssyncadd.remote.s32 @!p0 $0x1  }
0xb4: {  	s26 =	simm.s32 $execute0_lowered;
	[smem:$0x3FD2] =	sst s25  }
0xb5: {  	s6 =	sshll.u32 s26, $0x1;
	_ =	strace $0x80000049;
	[dreg:$0x1] =	wrdreg $0xFFFFFFFF  }
0xb6: {  	s28 =	simm.s32 $_size_execute0_lowered;
	s4 =	sadd.s32 s4, s6;
	[dreg:$0x0] =	wrdreg $0x0  }
0xb7: {  	s6 =	sshll.u32 s28, $0x1;
	[dreg:$0x2] =	wrdreg s4  }
0xb8: {  	[dreg:$0x3] =	wrdreg s6  }
0xb9: {  	[dreg:$0x4] =	wrdreg $0xC0  }
0xba: {  	_ =	task [dreg:s22], $0x5FFFF  }
0xbb: {  	[dreg:$0x1] =	wrdreg $0xFFFFFFFF  }
0xbc: {  	[dreg:$0x0] =	wrdreg $0x60  }
0xbd: {  	[dreg:$0x2] =	wrdreg s18  }
0xbe: {  	[dreg:$0x3] =	wrdreg s24  }
0xbf: {  	[dreg:$0x4] =	wrdreg $0x9  }
0xc0: {  	_ =	task.clear_ibuf [dreg:s22], $0x5FFFF;
	_ =	strace $0x90000049  }
0xc1: {  	s29 =	simm.s32 $0x9;
	_ =	strace $0x8000004B  }
0xc2: {  	_ =	swait.ge [sflag:s29], $0x1  }
0xc3: {  	[sflag:s29] =	ssyncadd.s32 $0xFFFFFFFF  }
0xc4: {  	_ =	strace $0x9000004B  }
0xc5: {  	_ =	sfence  }
0xc6: {  	s30 =	sld [smem:$0x0];
	_ =	sdelay $0x2  }
0xc7: {  	s31 =	sshll.u32 s1, $0xD;
	s1 =	sshrl.u32 s1, $0x2  }
0xc8: {  	s4 =	sand.u32 $0x4000, s31;
	s1 =	sadd.s32 s1, s30  }
0xc9: {  	s0 =	sor.u32 s4, s0;
	s1 =	sshll.u32 s1, $0x11  }
0xca: {  	s0 =	sor.u32 s1, s0  }
0xcb: {  	s0 =	sadd.s32 $0x8F2B, s0  }
0xcc: {  	[sflag:s0] =	ssyncadd.remote.s32 $0x1  }
0xcd: {  	_ =	sfence.sel $0xFFFF  }
0xce: {  	[dreg:$0x0] =	wrdreg $0xFFFFFFFF;
	(pc) =	sbr.abs _section_cstart, $3  }
0xcf: {  	[dreg:$0x1] =	wrdreg $0xFFFFFFFF  }
0xd0: {  	_ =	task.clear_ibuf [dreg:s22], $0x2FFFF;
	_ =	strace $0x9FFFFFFF  }
0xd1: {  	(tm) =	ssettm $0x7FFFFFFF  }
tec
execute0_lowered:
.L_overlay_start_1:
0x0: {  	(tag) =	ssettag $0x1  }
0x1: {  	s1 =	srdreg.scid  }
0x2: {  	s9 =	rddreg [dreg:$0x0];
	s0 =	stileid.u32  }
0x3: {  	s4 =	rddreg [dreg:$0x1];
	s2 =	simm.s32 $0x0;
	s14 =	simm.s32 $0x3  }
0x4: {  	s15 =	simm.s32 $0x40;
	s16 =	simm.s32 $0x2200;
	s17 =	simm.s32 $0x1  }
0x5: {  	s18 =	simm.s32 $0x2;
	s19 =	simm.s32 $0x80;
	s20 =	simm.s32 $0x200  }
0x6: {  	s21 =	simm.s32 $0xC0;
	s22 =	simm.s32 $0x100;
	s23 =	simm.s32 $0x140  }
0x7: {  	s24 =	simm.s32 $0x180;
	s25 =	simm.s32 $0x1C0;
	s3 =	sand.u32 $0x1, s1  }
0x8: {  	s5 =	sshll.u32 s0, $0xA;
	s1 =	rddreg [dreg:$0x2];
	s6 =	sshll.u32 s3, $0x9  }
0x9: {  	s26 =	simm.s32 $0x0;
	[smem:$0x7FF] =	sst s2;
	s7 =	sor.u32 s6, s5  }
0xa: {  	_ =	strace $0x8000004A;
	s30 =	ssub.s32 $0x2, s3;
	s5 =	sshll.u32 s7, $0x4  }
0xb: {  	s3 =	sadd.s32 $0x1E06800, s4;
	s31 =	sshrl.u32 s30, $0x1;
	s12 =	sadd.s32 s5, s4  }
0xc: {  	s13 =	ssub.s32 s30, s31;
	s10 =	sshrl.u32 s7, $0x3;
	s4 =	sadd.s32 $0xEC4400, s12  }
0xd: {  	s9 =	sadd.s32 s9, s10;
	s5 =	sadd.s32 $0xEC4800, s12;
	s6 =	sadd.s32 $0xEC4C00, s12  }
0xe: {  	s13 =	smax.u32 s13, $0x1;
	s8 =	sadd.s32 $0xEC5400, s12;
	s10 =	sadd.s32 $0xEC5800, s12  }
0xf: {  	s7 =	sadd.s32 $0xEC5000, s12;
	s11 =	sadd.s32 $0xEC5C00, s12;
	s12 =	sadd.s32 $0xEC6000, s12  }
.LBB2_1:
0x10: {  	[tilespmem:s2], [sflag:$0x3] =	stream.linear.gather [hbm4b:s9+s2], $0x200, $0x38;
	[tilespmem:$0x4200] =	vst v63  }
0x11: {  	_ =	swait.ge [sflag:s14], $0x200  }
0x12: {  	[sflag:s14] =	ssyncset.done $0x0  }
0x13: {  	[sflag:s14] =	ssyncadd.s32 $0xFFFFFE00  }
0x14: {  	[tilespmem:s20], [sflag:$0x1] =	stream.indirect.gather [hbm4b:s3+s15], $0x80, s2, s15, $0xb8;
	[tilespmem:$0x4200] =	vst v63  }
0x15: {  	_ = 	snop  }
0x16: {  	[tilespmem:s16], [sflag:$0x1] =	stream.indirect.gather [hbm4b:s3+s15], $0x80, s15, s15, $0xb8;
	[tilespmem:$0x4200] =	vst v63  }
0x17: {  	_ =	swait.ge [sflag:s17], $0x2000  }
0x18: {  	s28 =	simm.s32 $0x10;
	s31 =	sadd.s32 $0x0, s4;
	[sflag:s17] =	ssyncset.done $0x0  }
0x19: {  	s29 =	simm.s32 $0x280;
	s30 =	simm.s32 $0x200;
	[sflag:s17] =	ssyncadd.s32 $0xFFFFE000  }
.LBB2_2:
0x1a: {  	[hbm4b:s31+s2] =	stream.linear.scatter [tilespmem:s30], [sflag:$0x2], $0x40, $0x38;
	[tilespmem:$0x4200] =	vst v63  }
0x1b: {  	s31 =	smov.u32 s28;
	s30 =	smov.u32 s29;
	p0 =	sne.s32 s28, $0x3F0  }
.Ltmp0:
0x1c: {  	s28 =	sadd.s32 $0x10, s28;
	(pc) =	sbr.rel @p0 .LBB2_2-.Ltmp0, $2  }
0x1d: {  	_ =	sdelay $0x2  }
0x1e: {  	s29 =	sadd.s32 $0x80, s29;
	s31 =	sadd.s32 s31, s4  }
0x1f: {  	[hbm4b:s31+s2] =	stream.linear.scatter [tilespmem:s30], [sflag:$0x2], $0x40, $0x38;
	[tilespmem:$0x4200] =	vst v63  }
0x20: {  	_ =	swait.ge [sflag:s18], $0x1000  }
0x21: {  	[sflag:s18] =	ssyncset.done $0x0  }
0x22: {  	[sflag:s18] =	ssyncadd.s32 $0xFFFFF000  }
0x23: {  	[tilespmem:s20], [sflag:$0x1] =	stream.indirect.gather [hbm4b:s3+s15], $0x80, s19, s15, $0xb8;
	[tilespmem:$0x4200] =	vst v63  }
0x24: {  	_ =	swait.ge [sflag:s17], $0x2000  }
0x25: {  	s28 =	simm.s32 $0x2200;
	s29 =	simm.s32 $0x10;
	[sflag:s17] =	ssyncset.done $0x0  }
0x26: {  	s31 =	sadd.s32 $0x0, s5;
	s30 =	simm.s32 $0x2280;
	[sflag:s17] =	ssyncadd.s32 $0xFFFFE000  }
.LBB2_4:
0x27: {  	[hbm4b:s31+s2] =	stream.linear.scatter [tilespmem:s28], [sflag:$0x2], $0x40, $0x38;
	[tilespmem:$0x4200] =	vst v63  }
0x28: {  	s31 =	smov.u32 s29;
	s28 =	smov.u32 s30;
	p0 =	sne.s32 s29, $0x3F0  }
.Ltmp1:
0x29: {  	s29 =	sadd.s32 $0x10, s29;
	(pc) =	sbr.rel @p0 .LBB2_4-.Ltmp1, $2  }
0x2a: {  	_ =	sdelay $0x2  }
0x2b: {  	s30 =	sadd.s32 $0x80, s30;
	s31 =	sadd.s32 s31, s5  }
0x2c: {  	[hbm4b:s31+s2] =	stream.linear.scatter [tilespmem:s28], [sflag:$0x2], $0x40, $0x38;
	[tilespmem:$0x4200] =	vst v63  }
0x2d: {  	_ =	swait.ge [sflag:s18], $0x1000  }
0x2e: {  	[sflag:s18] =	ssyncset.done $0x0  }
0x2f: {  	[sflag:s18] =	ssyncadd.s32 $0xFFFFF000  }
0x30: {  	[tilespmem:s16], [sflag:$0x1] =	stream.indirect.gather [hbm4b:s3+s15], $0x80, s21, s15, $0xb8;
	[tilespmem:$0x4200] =	vst v63  }
0x31: {  	_ =	swait.ge [sflag:s17], $0x2000  }
0x32: {  	s28 =	simm.s32 $0x200;
	s29 =	simm.s32 $0x10;
	[sflag:s17] =	ssyncset.done $0x0  }
0x33: {  	s31 =	sadd.s32 $0x0, s6;
	s30 =	simm.s32 $0x280;
	[sflag:s17] =	ssyncadd.s32 $0xFFFFE000  }
.LBB2_6:
0x34: {  	[hbm4b:s31+s2] =	stream.linear.scatter [tilespmem:s28], [sflag:$0x2], $0x40, $0x38;
	[tilespmem:$0x4200] =	vst v63  }
0x35: {  	s31 =	smov.u32 s29;
	s28 =	smov.u32 s30;
	p0 =	sne.s32 s29, $0x3F0  }
.Ltmp2:
0x36: {  	s29 =	sadd.s32 $0x10, s29;
	(pc) =	sbr.rel @p0 .LBB2_6-.Ltmp2, $2  }
0x37: {  	_ =	sdelay $0x2  }
0x38: {  	s30 =	sadd.s32 $0x80, s30;
	s31 =	sadd.s32 s31, s6  }
0x39: {  	[hbm4b:s31+s2] =	stream.linear.scatter [tilespmem:s28], [sflag:$0x2], $0x40, $0x38;
	[tilespmem:$0x4200] =	vst v63  }
0x3a: {  	_ =	swait.ge [sflag:s18], $0x1000  }
0x3b: {  	[sflag:s18] =	ssyncset.done $0x0  }
0x3c: {  	[sflag:s18] =	ssyncadd.s32 $0xFFFFF000  }
0x3d: {  	[tilespmem:s20], [sflag:$0x1] =	stream.indirect.gather [hbm4b:s3+s15], $0x80, s22, s15, $0xb8;
	[tilespmem:$0x4200] =	vst v63  }
0x3e: {  	_ =	swait.ge [sflag:s17], $0x2000  }
0x3f: {  	s28 =	simm.s32 $0x2200;
	s29 =	simm.s32 $0x10;
	[sflag:s17] =	ssyncset.done $0x0  }
0x40: {  	s31 =	sadd.s32 $0x0, s7;
	s30 =	simm.s32 $0x2280;
	[sflag:s17] =	ssyncadd.s32 $0xFFFFE000  }
.LBB2_8:
0x41: {  	[hbm4b:s31+s2] =	stream.linear.scatter [tilespmem:s28], [sflag:$0x2], $0x40, $0x38;
	[tilespmem:$0x4200] =	vst v63  }
0x42: {  	s31 =	smov.u32 s29;
	s28 =	smov.u32 s30;
	p0 =	sne.s32 s29, $0x3F0  }
.Ltmp3:
0x43: {  	s29 =	sadd.s32 $0x10, s29;
	(pc) =	sbr.rel @p0 .LBB2_8-.Ltmp3, $2  }
0x44: {  	_ =	sdelay $0x2  }
0x45: {  	s30 =	sadd.s32 $0x80, s30;
	s31 =	sadd.s32 s31, s7  }
0x46: {  	[hbm4b:s31+s2] =	stream.linear.scatter [tilespmem:s28], [sflag:$0x2], $0x40, $0x38;
	[tilespmem:$0x4200] =	vst v63  }
0x47: {  	_ =	swait.ge [sflag:s18], $0x1000  }
0x48: {  	[sflag:s18] =	ssyncset.done $0x0  }
0x49: {  	[sflag:s18] =	ssyncadd.s32 $0xFFFFF000  }
0x4a: {  	[tilespmem:s16], [sflag:$0x1] =	stream.indirect.gather [hbm4b:s3+s15], $0x80, s23, s15, $0xb8;
	[tilespmem:$0x4200] =	vst v63  }
0x4b: {  	_ =	swait.ge [sflag:s17], $0x2000  }
0x4c: {  	s28 =	simm.s32 $0x200;
	s29 =	simm.s32 $0x10;
	[sflag:s17] =	ssyncset.done $0x0  }
0x4d: {  	s31 =	sadd.s32 $0x0, s8;
	s30 =	simm.s32 $0x280;
	[sflag:s17] =	ssyncadd.s32 $0xFFFFE000  }
.LBB2_10:
0x4e: {  	[hbm4b:s31+s2] =	stream.linear.scatter [tilespmem:s28], [sflag:$0x2], $0x40, $0x38;
	[tilespmem:$0x4200] =	vst v63  }
0x4f: {  	s31 =	smov.u32 s29;
	s28 =	smov.u32 s30;
	p0 =	sne.s32 s29, $0x3F0  }
.Ltmp4:
0x50: {  	s29 =	sadd.s32 $0x10, s29;
	(pc) =	sbr.rel @p0 .LBB2_10-.Ltmp4, $2  }
0x51: {  	_ =	sdelay $0x2  }
0x52: {  	s30 =	sadd.s32 $0x80, s30;
	s31 =	sadd.s32 s31, s8  }
0x53: {  	[hbm4b:s31+s2] =	stream.linear.scatter [tilespmem:s28], [sflag:$0x2], $0x40, $0x38;
	[tilespmem:$0x4200] =	vst v63  }
0x54: {  	_ =	swait.ge [sflag:s18], $0x1000  }
0x55: {  	[sflag:s18] =	ssyncset.done $0x0  }
0x56: {  	[sflag:s18] =	ssyncadd.s32 $0xFFFFF000  }
0x57: {  	[tilespmem:s20], [sflag:$0x1] =	stream.indirect.gather [hbm4b:s3+s15], $0x80, s24, s15, $0xb8;
	[tilespmem:$0x4200] =	vst v63  }
0x58: {  	_ =	swait.ge [sflag:s17], $0x2000  }
0x59: {  	s28 =	simm.s32 $0x2200;
	s29 =	simm.s32 $0x10;
	[sflag:s17] =	ssyncset.done $0x0  }
0x5a: {  	s31 =	sadd.s32 $0x0, s10;
	s30 =	simm.s32 $0x2280;
	[sflag:s17] =	ssyncadd.s32 $0xFFFFE000  }
.LBB2_12:
0x5b: {  	[hbm4b:s31+s2] =	stream.linear.scatter [tilespmem:s28], [sflag:$0x2], $0x40, $0x38;
	[tilespmem:$0x4200] =	vst v63  }
0x5c: {  	s31 =	smov.u32 s29;
	s28 =	smov.u32 s30;
	p0 =	sne.s32 s29, $0x3F0  }
.Ltmp5:
0x5d: {  	s29 =	sadd.s32 $0x10, s29;
	(pc) =	sbr.rel @p0 .LBB2_12-.Ltmp5, $2  }
0x5e: {  	_ =	sdelay $0x2  }
0x5f: {  	s30 =	sadd.s32 $0x80, s30;
	s31 =	sadd.s32 s31, s10  }
0x60: {  	[hbm4b:s31+s2] =	stream.linear.scatter [tilespmem:s28], [sflag:$0x2], $0x40, $0x38;
	[tilespmem:$0x4200] =	vst v63  }
0x61: {  	_ =	swait.ge [sflag:s18], $0x1000  }
0x62: {  	[sflag:s18] =	ssyncset.done $0x0  }
0x63: {  	[sflag:s18] =	ssyncadd.s32 $0xFFFFF000  }
0x64: {  	[tilespmem:s16], [sflag:$0x1] =	stream.indirect.gather [hbm4b:s3+s15], $0x80, s25, s15, $0xb8;
	[tilespmem:$0x4200] =	vst v63  }
0x65: {  	_ =	swait.ge [sflag:s17], $0x2000  }
0x66: {  	s28 =	simm.s32 $0x200;
	s29 =	simm.s32 $0x10;
	[sflag:s17] =	ssyncset.done $0x0  }
0x67: {  	s31 =	sadd.s32 $0x0, s11;
	s30 =	simm.s32 $0x280;
	[sflag:s17] =	ssyncadd.s32 $0xFFFFE000  }
.LBB2_14:
0x68: {  	[hbm4b:s31+s2] =	stream.linear.scatter [tilespmem:s28], [sflag:$0x2], $0x40, $0x38;
	[tilespmem:$0x4200] =	vst v63  }
0x69: {  	s31 =	smov.u32 s29;
	s28 =	smov.u32 s30;
	p0 =	sne.s32 s29, $0x3F0  }
.Ltmp6:
0x6a: {  	s29 =	sadd.s32 $0x10, s29;
	(pc) =	sbr.rel @p0 .LBB2_14-.Ltmp6, $2  }
0x6b: {  	_ =	sdelay $0x2  }
0x6c: {  	s30 =	sadd.s32 $0x80, s30;
	s31 =	sadd.s32 s31, s11  }
0x6d: {  	[hbm4b:s31+s2] =	stream.linear.scatter [tilespmem:s28], [sflag:$0x2], $0x40, $0x38;
	[tilespmem:$0x4200] =	vst v63  }
0x6e: {  	_ =	swait.ge [sflag:s18], $0x1000  }
0x6f: {  	[sflag:s18] =	ssyncset.done $0x0  }
0x70: {  	[sflag:s18] =	ssyncadd.s32 $0xFFFFF000  }
0x71: {  	_ =	swait.ge [sflag:s17], $0x2000  }
0x72: {  	s28 =	simm.s32 $0x2200;
	s29 =	simm.s32 $0x10;
	[sflag:s17] =	ssyncset.done $0x0  }
0x73: {  	s31 =	sadd.s32 $0x0, s12;
	s30 =	simm.s32 $0x2280;
	[sflag:s17] =	ssyncadd.s32 $0xFFFFE000  }
.LBB2_16:
0x74: {  	[hbm4b:s31+s2] =	stream.linear.scatter [tilespmem:s28], [sflag:$0x2], $0x40, $0x38;
	[tilespmem:$0x4200] =	vst v63  }
0x75: {  	s31 =	smov.u32 s29;
	s28 =	smov.u32 s30;
	p0 =	sne.s32 s29, $0x3F0  }
.Ltmp7:
0x76: {  	s29 =	sadd.s32 $0x10, s29;
	(pc) =	sbr.rel @p0 .LBB2_16-.Ltmp7, $2  }
0x77: {  	_ =	sdelay $0x2  }
0x78: {  	s30 =	sadd.s32 $0x80, s30;
	s31 =	sadd.s32 s31, s12  }
0x79: {  	s26 =	sadd.s32 $0x1, s26  }
0x7a: {  	p0 =	sne.s32 s26, s13  }
.Ltmp8:
0x7b: {  	_ = 	snop;
	(pc) =	sbr.rel @p0 .LBB2_1-.Ltmp8, $4  }
0x7c: {  	[hbm4b:s31+s2] =	stream.linear.scatter [tilespmem:s28], [sflag:$0x2], $0x40, $0x38;
	[tilespmem:$0x4200] =	vst v63  }
0x7d: {  	_ =	swait.ge [sflag:s18], $0x1000  }
0x7e: {  	[sflag:s18] =	ssyncset.done $0x0  }
0x7f: {  	[sflag:s18] =	ssyncadd.s32 $0xFFFFF000  }
0x80: {  	_ =	sfence.sel $0x180000  }
0x81: {  	[bflag:$0x0] =	sbarrier.arrive $0xFFFF  }
0x82: {  	p0 =	sne.s32 s0, $0x0;
	_ =	strace $0x9000004A  }
0x83: {  	s0 =	sadd.s32 @!p0 $0x100000, s1;
	[bflag:$0x2] =	sbarrier.arrive $0xFFFF  }
0x84: {  	[sflag:s0] =	ssyncadd.tile.s32 @!p0 $0x1;
	_ =	shalt  }
.Lfunc_end2:
_tile_overlayer_lowered:
.L_overlay_start_2:
0x85: {  	(tag) =	ssettag $0x2  }
0x86: {  	s0 =	rddreg [dreg:$0x0];
	s2 =	stileid.u32  }
0x87: {  	s1 =	rddreg [dreg:$0x1];
	p0 =	sne.s32 s2, $0x0  }
0x88: {  	s3 =	rddreg [dreg:$0x2];
	[bflag:$0x3] =	sbarrier.arrive $0xFFFF;
	s2 =	simm.s32 @!p0 $0x1C03  }
0x89: {  	[timem:s3], [sflag:s2] =	dma.local @!p0 [hbm:s0], s1  }
0x8a: {  	s0 =	simm.s32 @!p0 $0x3  }
0x8b: {  	_ =	swait.ge @!p0 [sflag:s0], s1  }
0x8c: {  	s1 =	ssub.s32 @!p0 $0x0, s1;
	[sflag:s0] =	ssyncset.done @!p0 $0x0  }
0x8d: {  	[sflag:s0] =	ssyncadd.s32 @!p0 s1  }
0x8e: {  	[bflag:$0x3] =	sbarrier.arrive $0xFFFF  }
0x8f: {  	_ =	shalt  }

// kernel: sparse-core-data-format-call.cloned.1.call-start
scs
called_computation_lowered:
.L_overlay_start_0:
0x0: {  	s2 =	sld [smem:$0x3FD9]  }
0x1: {  	s3 =	sld [smem:$0x3FFE];
	_ =	sdelay $0x1  }
0x2: {  	s1 =	srdreg.scid  }
0x3: {  	s0 =	sand.u32 $0x1, s1  }
0x4: {  	s16 =	sshll.u32 s0, $0xA;
	s2 =	sadd.s32 s3, s2  }
0x5: {  	s2 =	sadd.s32 s2, s16  }
0x6: {  	[smem:$0x3FC4] =	sst s2  }
0x7: {  	_ = 	snop  }
0x8: {  	s2 =	sld [smem:$0x3FD0];
	_ =	sdelay $0x2  }
0x9: {  	s17 =	simm.s32 $0xB;
	s4 =	simm.s32 $0x10  }
0xa: {  	[smem:s4], [sflag:s17] =	dma.local [hbm:s2], $0x1  }
0xb: {  	_ =	swait.eq [sflag:s17], $0x1  }
0xc: {  	[sflag:s17] =	ssyncset.done $0x0  }
0xd: {  	[sflag:s17] =	ssyncadd.s32 $0xFFFFFFFF  }
0xe: {  	s18 =	sld [smem:$0x11];
	(tm) =	ssettm $0x1  }
0xf: {  	s19 =	sld [smem:$0x3FFB];
	_ =	sdelay $0x3  }
0x10: {  	_ =	strace s19  }
0x11: {  	s2 =	sld [smem:$0x3FFC];
	_ =	sdelay $0x3  }
0x12: {  	_ =	strace s2  }
0x13: {  	s2 =	sld [smem:$0x3FFD];
	_ =	sdelay $0x3  }
0x14: {  	_ =	strace s2  }
0x15: {  	_ =	strace $0x8FFFFFFF  }
0x16: {  	s20 =	sld [smem:$0x3FDB];
	_ =	sdelay $0x1  }
0x17: {  	s21 =	simm.s32 $_scs_section_size  }
0x18: {  	s5 =	simm.s32 $_size__tile_overlayer_lowered;
	s6 =	simm.s32 $_tile_overlayer_lowered  }
0x19: {  	s7 =	simm.s32 $0x1BFF;
	s22 =	sshll.u32 s6, $0x1;
	s4 =	sadd.s32 s21, s20  }
0x1a: {  	s23 =	simm.s32 $0x0;
	s5 =	sshll.u32 s5, $0x1;
	s6 =	sadd.s32 s22, s4  }
0x1b: {  	[timem:s23], [sflag:s7] =	dma.local [hbm:s6], s5  }
0x1c: {  	_ =	swait.ge [sflag:s7], s5  }
0x1d: {  	s5 =	ssub.s32 $0x0, s5;
	[sflag:s7] =	ssyncset.done $0x0  }
0x1e: {  	[sflag:s7] =	ssyncadd.s32 s5;
	_ =	sdelay $0x1  }
0x1f: {  	s24 =	simm.s32 $0x1B8B  }
0x20: {  	_ =	swait.ge [sflag:s24], $0x1  }
0x21: {  	[sflag:s24] =	ssyncset.done $0x0  }
0x22: {  	[sflag:s24] =	ssyncadd.s32 $0xFFFFFFFF  }
0x23: {  	s5 =	sld [smem:$0x0]  }
0x24: {  	s6 =	sand.u32 $0xFFFFFFFE, s1  }
0x25: {  	p0 =	sne.s32 s1, s6  }
0x26: {  	s6 =	sshll.u32 @p0 s6, $0xE  }
0x27: {  	s6 =	sadd.s32 @p0 $0x11B8D, s6;
	s7 =	sshll.u32 @p0 s5, $0x11  }
0x28: {  	s6 =	sor.u32 @p0 s7, s6  }
0x29: {  	[sflag:s6] =	ssyncadd.remote.s32 @p0 $0x1;
	_ =	sdelay $0x1  }
0x2a: {  	s6 =	simm.s32 @p0 $0x1B8D  }
0x2b: {  	_ =	swait.eq @p0 [sflag:s6], $0x1  }
0x2c: {  	[sflag:s6] =	ssyncadd.s32 @p0 $0xFFFFFFFF  }
0x2d: {  	s7 =	sshll.u32 @!p0 s1, $0xE  }
0x2e: {  	s7 =	sor.u32 @!p0 $0x4000, s7;
	s6 =	simm.s32 @!p0 $0x1B8D  }
0x2f: {  	s5 =	sshll.u32 @!p0 s5, $0x11;
	s7 =	sadd.s32 @!p0 $0x11B8D, s7;
	_ =	swait.eq @!p0 [sflag:s6], $0x1  }
0x30: {  	s5 =	sor.u32 @!p0 s5, s7;
	[sflag:s6] =	ssyncadd.s32 @!p0 $0xFFFFFFFF  }
0x31: {  	s26 =	simm.s32 $0x1B8E;
	s25 =	sld [smem:$0x3FFE];
	[sflag:s5] =	ssyncadd.remote.s32 @!p0 $0x1  }
0x32: {  	s27 =	simm.s32 $execute0_lowered;
	[smem:$0x3FD2] =	sst s26  }
0x33: {  	s6 =	sshll.u32 s27, $0x1;
	_ =	strace $0x8000004C;
	[dreg:$0x1] =	wrdreg $0xFFFFFFFF  }
0x34: {  	s28 =	simm.s32 $_size_execute0_lowered;
	s4 =	sadd.s32 s4, s6;
	[dreg:$0x0] =	wrdreg $0x0  }
0x35: {  	s6 =	sshll.u32 s28, $0x1;
	[dreg:$0x2] =	wrdreg s4  }
0x36: {  	[dreg:$0x3] =	wrdreg s6  }
0x37: {  	[dreg:$0x4] =	wrdreg $0xC0  }
0x38: {  	_ =	task [dreg:s23], $0x5FFFF  }
0x39: {  	[dreg:$0x1] =	wrdreg $0xFFFFFFFF  }
0x3a: {  	[dreg:$0x0] =	wrdreg $0x60  }
0x3b: {  	[dreg:$0x2] =	wrdreg s25  }
0x3c: {  	[dreg:$0x3] =	wrdreg s18  }
0x3d: {  	[dreg:$0x4] =	wrdreg $0xA  }
0x3e: {  	_ =	task.clear_ibuf [dreg:s23], $0x5FFFF;
	_ =	strace $0x9000004C  }
0x3f: {  	s29 =	simm.s32 $0xA;
	_ =	strace $0x8000004E  }
0x40: {  	_ =	swait.ge [sflag:s29], $0x1  }
0x41: {  	[sflag:s29] =	ssyncadd.s32 $0xFFFFFFFF  }
0x42: {  	_ =	strace $0x9000004E  }
0x43: {  	_ =	sfence  }
0x44: {  	s30 =	sld [smem:$0x0];
	_ =	sdelay $0x2  }
0x45: {  	s31 =	sshll.u32 s1, $0xD;
	s1 =	sshrl.u32 s1, $0x2  }
0x46: {  	s4 =	sand.u32 $0x4000, s31;
	s1 =	sadd.s32 s1, s30  }
0x47: {  	s0 =	sor.u32 s4, s0;
	s1 =	sshll.u32 s1, $0x11  }
0x48: {  	s0 =	sor.u32 s1, s0  }
0x49: {  	s0 =	sadd.s32 $0x8F2B, s0  }
0x4a: {  	[sflag:s0] =	ssyncadd.remote.s32 $0x1  }
0x4b: {  	_ =	sfence.sel $0xFFFF  }
0x4c: {  	[dreg:$0x0] =	wrdreg $0xFFFFFFFF;
	(pc) =	sbr.abs _section_cstart, $3  }
0x4d: {  	[dreg:$0x1] =	wrdreg $0xFFFFFFFF  }
0x4e: {  	_ =	task.clear_ibuf [dreg:s23], $0x2FFFF;
	_ =	strace $0x9FFFFFFF  }
0x4f: {  	(tm) =	ssettm $0x7FFFFFFF  }
tec
execute0_lowered:
.L_overlay_start_1:
0x0: {  	(tag) =	ssettag $0x1  }
0x1: {  	s0 =	srdreg.scid  }
0x2: {  	s1 =	sshll.u32 s0, $0x4  }
0x3: {  	s0 =	stileid.u32;
	s1 =	sand.u32 $0x10, s1  }
0x4: {  	s1 =	sor.u32 s0, s1  }
0x5: {  	s6 =	rddreg [dreg:$0x0];
	s4 =	simm.s32 $0x1;
	s2 =	sshll.u32 s1, $0x7  }
0x6: {  	s7 =	simm.s32 $0x2;
	s12 =	simm.s32 $0x0;
	s1 =	ssub.s32 $0x4000, s2  }
0x7: {  	s8 =	simm.s32 $0x20000;
	s13 =	simm.s32 $0x0;
	s3 =	sand.u32 $0xF80, s1  }
0x8: {  	s9 =	simm.s32 $0x0;
	s5 =	sshrl.u32 s1, $0xC;
	p0 =	sne.s32 s3, $0x0  }
.Ltmp0:
0x9: {  	s1 =	rddreg [dreg:$0x2];
	s4 =	simm.s32 @!p0 $0x0;
	(pc) =	sbr.rel .LBB1_1-.Ltmp0, $4  }
0xa: {  	s11 =	simm.s32 $0x0;
	s3 =	rddreg [dreg:$0x1];
	s5 =	sadd.s32 s4, s5  }
0xb: {  	_ =	strace $0x8000004D;
	s4 =	simm.s32 $0x1;
	s5 =	smul.u32 $0x32, s5  }
0xc: {  	s6 =	sadd.s32 $0xC4400, s6;
	s10 =	smov.u32 s2;
	[sflag:s4] =	ssyncpa.u1 $0x0  }
0xd: {  	p0 =	por $0x0, $0x0;
	[sflag:s7] =	ssyncpa.u1 $0x0;
	s7 =	sor.u32 $0x1, s5  }
.LBB1_4:
0xe: {  	s16 =	sshll.u32 s13, $0x3;
	s17 =	sand.u32 $0x78, s13  }
0xf: {  	s30 =	sand.u32 $0x1F800, s13;
	s12 =	sshll.u32 s12, $0x11;
	s16 =	sand.u32 $0x3C00, s16  }
0x10: {  	[tilespmem:s15+$0x810 ss:$0x81] =	vst.msk $0xffff, v2;
	s31 =	sand.u32 $0x7, s13;
	s16 =	sor.u32 s17, s16;
	s17 =	sadd.s32 s3, s30  }
0x11: {  	[tilespmem:s15+$0x1020 ss:$0x81] =	vst.msk $0xffff, v0;
	s13 =	sshll.u32 s31, $0x12;
	s12 =	sadd.s32 s12, s17;
	s16 =	sshrl.u32 s16, $0x3  }
0x12: {  	[tilespmem:s15+$0x0 ss:$0x81] =	vst.msk $0xffff, v1;
	s13 =	sor.u32 $0x400, s13;
	s12 =	sadd.s32 s16, s12  }
0x13: {  	[hbm4b:s12+s13] =	stream.strided.scatter [tilespmem:s14], [sflag:$0x2], $0x2000, s8, s13, $0x20;
	[tilespmem:$0x8080] =	vst v63  }
.LBB1_5:
0x14: {  	s14 =	sadd.s32 $0x1, s9  }
0x15: {  	s12 =	sadd.s32 $0x1000, s10;
	s16 =	smov.u32 s10;
	p2 =	sgt.s32 s14, $0x31  }
0x16: {  	s16 =	smov.u32 @p2 s12  }
0x17: {  	s14 =	simm.s32 @p2 $0x0;
	p2 =	sgt.s32 s16, $0x3FFF  }
0x18: {  	s16 =	smov.u32 @p2 s2;
	p2 =	sne.s32 s11, s7  }
.Ltmp1:
0x19: {  	p1 =	slt.u32 s11, $0x2;
	(pc) =	sbr.rel @!p2 .LBB1_6-.Ltmp1, $4  }
0x1a: {  	s15 =	simm.s32 @!p1 $0x2  }
0x1b: {  	s13 =	smov.u32 s10;
	p0 =	por !p0, !p0;
	_ =	swait.ge @!p1 [sflag:s15], $0x2000  }
0x1c: {  	s12 =	smov.u32 s9;
	[sflag:s15] =	ssyncset.done @!p1 $0x0;
	s9 =	smov.u32 s14  }
0x1d: {  	s11 =	sadd.s32 $0x1, s11;
	[sflag:s15] =	ssyncadd.s32 @!p1 $0xFFFFE000;
	s10 =	smov.u32 s16  }
.LBB1_1:
0x1e: {  	p1 =	sge.u32 s11, s5  }
0x1f: {  	s14 =	sand.u32 @!p1 $0x1FFFFFF, s9  }
0x20: {  	s15 =	smulhi.u32 @!p1 $0x4924925, s14;
	_ =	sdelay $0x1  }
0x21: {  	s15 =	smul.u32 @!p1 $0x38, s15  }
0x22: {  	s16 =	sxor.u32 @!p1 $0xFFFFFFFF, s11;
	s17 =	smul.u32 @!p1 $0x380, s10  }
0x23: {  	s31 =	sadd.s32 $0xFFFFFFFF, s11;
	s16 =	sshll.u32 @!p1 s16, $0xD;
	s14 =	ssub.s32 @!p1 s14, s15  }
0x24: {  	s15 =	sand.u32 @!p1 $0x2000, s16;
	s16 =	sadd.s32 @!p1 s6, s17;
	s14 =	sshll.u32 @!p1 s14, $0x4  }
0x25: {  	s17 =	simm.s32 @!p1 $0x1C00;
	s14 =	sadd.s32 @!p1 s14, s16;
	s16 =	simm.s32 @!p1 $0x40  }
0x26: {  	[tilespmem:s15], [sflag:$0x1] =	stream.strided.gather @!p1 [hbm4b:s14+s16], $0x2000, s17, s16, $0x38;
	[tilespmem:$0x8080] =	vst v63  }
0x27: {  	p1 =	sge.u32 s31, s5  }
.Ltmp2:
0x28: {  	_ = 	snop;
	(pc) =	sbr.rel @p1 .LBB1_5-.Ltmp2, $1  }
0x29: {  	_ =	sdelay $0x3  }
0x2a: {  	s14 =	simm.s32 $0x1  }
0x2b: {  	_ =	swait.ge [sflag:s4], $0x2000;
	s14 =	simm.s32 @!p0 $0x0  }
0x2c: {  	[sflag:s4] =	ssyncset.done $0x0;
	s15 =	sshll.u32 s14, $0xD  }
0x2d: {  	[sflag:s4] =	ssyncadd.s32 $0xFFFFE000;
	s18 =	sor.u32 $0x20, s15  }
0x2e: {  	s14 =	smul.u32 $0x8100, s14;
	v3 =	vld [tilespmem:s18+$0x10]  }
0x2f: {  	s30 =	sand.u32 $0x1, s11;
	v2 =	vld [tilespmem:s18+$0xFFFFFFF0]  }
0x30: {  	s15 =	smul.u32 $0x8100, s30;
	s14 =	sshrl.u32 s14, $0x2;
	v0 =	vld [tilespmem:s18+$0x0]  }
0x31: {  	v1 =	vld [tilespmem:s18+$0xFFFFFFE0];
	s16 =	sor.u32 $0x4000, s14  }
0x32: {  	s31 =	sshrl.u32 s15, $0x2;
	s15 =	sadd.s32 $0x0, s16  }
0x33: {  	s17 =	simm.s32 $0x4;
	s18 =	sadd.s32 $0x40, s18;
	s14 =	sor.u32 $0x4000, s31;
	[tilespmem:s15+$0x1830 ss:$0x81] =	vst.msk $0xffff, v3  }
.LBB1_3:
0x34: {  	v3 =	vld [tilespmem:s18+$0x10];
	p1 =	sne.s32 s17, $0x1FC;
	[tilespmem:s15+$0x810 ss:$0x81] =	vst.msk $0xffff, v2;
	s19 =	smov.u32 s17;
	s17 =	sadd.s32 $0x4, s17  }
.Ltmp3:
0x35: {  	v2 =	vld [tilespmem:s18+$0xFFFFFFF0];
	[tilespmem:s15+$0x1020 ss:$0x81] =	vst.msk $0xffff, v0;
	(pc) =	sbr.rel @p1 .LBB1_3-.Ltmp3, $4  }
0x36: {  	v0 =	vld [tilespmem:s18+$0x0];
	[tilespmem:s15+$0x0 ss:$0x81] =	vst.msk $0xffff, v1  }
0x37: {  	s15 =	sshra.s32 s19, $0x2;
	v1 =	vld [tilespmem:s18+$0xFFFFFFE0]  }
0x38: {  	s15 =	sadd.s32 s15, s16  }
0x39: {  	s18 =	sadd.s32 $0x40, s18;
	[tilespmem:s15+$0x1830 ss:$0x81] =	vst.msk $0xffff, v3  }
.Ltmp4:
0x3a: {  	_ = 	snop;
	(pc) =	sbr.rel .LBB1_4-.Ltmp4, $1  }
0x3b: {  	_ =	sdelay $0x3  }
.LBB1_6:
0x3c: {  	_ =	sfence.sel $0x180000  }
0x3d: {  	s2 =	simm.s32 $0x1;
	[bflag:$0x0] =	sbarrier.arrive $0xFFFF  }
0x3e: {  	s31 =	simm.s32 $0x2;
	[sflag:s2] =	ssyncpa.u1 $0x1  }
0x3f: {  	[sflag:s31] =	ssyncpa.u1 $0x1  }
0x40: {  	p0 =	sne.s32 s0, $0x0;
	_ =	strace $0x9000004D  }
0x41: {  	s0 =	sadd.s32 @!p0 $0x100000, s1;
	[bflag:$0x2] =	sbarrier.arrive $0xFFFF  }
0x42: {  	[sflag:s0] =	ssyncadd.tile.s32 @!p0 $0x1;
	_ =	shalt  }
.Lfunc_end1:
_tile_overlayer_lowered:
.L_overlay_start_2:
0x43: {  	(tag) =	ssettag $0x2  }
0x44: {  	s0 =	rddreg [dreg:$0x0];
	s2 =	stileid.u32  }
0x45: {  	s1 =	rddreg [dreg:$0x1];
	p0 =	sne.s32 s2, $0x0  }
0x46: {  	s3 =	rddreg [dreg:$0x2];
	[bflag:$0x3] =	sbarrier.arrive $0xFFFF;
	s2 =	simm.s32 @!p0 $0x1C01  }
0x47: {  	[timem:s3], [sflag:s2] =	dma.local @!p0 [hbm:s0], s1  }
0x48: {  	s0 =	simm.s32 @!p0 $0x1  }
0x49: {  	_ =	swait.ge @!p0 [sflag:s0], s1  }
0x4a: {  	s1 =	ssub.s32 @!p0 $0x0, s1;
	[sflag:s0] =	ssyncset.done @!p0 $0x0  }
0x4b: {  	[sflag:s0] =	ssyncadd.s32 @!p0 s1  }
0x4c: {  	[bflag:$0x3] =	sbarrier.arrive $0xFFFF  }
0x4d: {  	_ =	shalt  }

</sc_bundles>
